<compile_context>
chip_gen: v7x
topology: tpu7x:2x2x1
jax: 0.10.2.dev20260603
libtpu: 0.0.44.dev20260713+nightly
codegen_flags: <defaults>
</compile_context>

<pallas_src>
import functools

import jax
import jax.numpy as jnp
from jax import lax
from jax.experimental import pallas as pl
from jax.experimental.pallas import tpu as pltpu
from jax.experimental.pallas import tpu_sc as plsc

N = 10000
E = 320000
D = 128
NC = 40

NSC = 2
NTEC = 16
NW = NSC * NTEC
E_PER_TILE = E // NW
CHUNK = 80
NCHUNK = E_PER_TILE // CHUNK
NBUF = 2
ROWS_PER_TILE = 624
TAIL_ROWS = N - NTEC * ROWS_PER_TILE

_MESH = plsc.VectorSubcoreMesh(core_axis_name="c", subcore_axis_name="s")


@functools.partial(
    pl.kernel,
    out_type=jax.ShapeDtypeStruct((NSC, N, D), jnp.float32),
    mesh=_MESH,
    scratch_types=[
        pltpu.VMEM((E_PER_TILE,), jnp.int32),
        pltpu.VMEM((NCHUNK, CHUNK), jnp.int32),
        pltpu.VMEM((NBUF, CHUNK, D), jnp.float32),
        pltpu.VMEM_SHARED((N, D), jnp.float32),
        pltpu.SemaphoreType.DMA((NBUF,)),
        pltpu.SemaphoreType.DMA,
    ],
)
def _sc_aggregate(m_hbm, src_hbm, dst_hbm, zeros_hbm, out_hbm,
                  src_v, dst_v, rows_v, acc_sh, gsems, sem):
    cid = lax.axis_index("c")
    sid = lax.axis_index("s")
    wid = cid * NTEC + sid

    pltpu.async_copy(src_hbm.at[wid], src_v, sem).wait()

    def start_gather(j, b):
        pltpu.async_copy(m_hbm.at[src_v.at[pl.ds(j * CHUNK, CHUNK)]],
                         rows_v.at[b], gsems.at[b])

    def wait_gather(j, b):
        pltpu.make_async_copy(m_hbm.at[src_v.at[pl.ds(j * CHUNK, CHUNK)]],
                              rows_v.at[b], gsems.at[b]).wait()

    for b in range(NBUF):
        start_gather(b, b)

    pltpu.async_copy(dst_hbm.at[wid], dst_v, sem)

    pltpu.sync_copy(zeros_hbm, acc_sh.at[pl.ds(sid * ROWS_PER_TILE, ROWS_PER_TILE)])

    @pl.when(sid == 0)
    def _():
        pltpu.sync_copy(zeros_hbm.at[pl.ds(0, TAIL_ROWS)],
                        acc_sh.at[pl.ds(NTEC * ROWS_PER_TILE, TAIL_ROWS)])

    pltpu.make_async_copy(dst_hbm.at[wid], dst_v, sem).wait()
    plsc.subcore_barrier()

    def outer(i, _):
        g = i * NBUF
        for b in range(NBUF):
            j = g + b
            wait_gather(j, b)
            pltpu.sync_copy(rows_v.at[b], acc_sh.at[dst_v.at[j]], add=True)
            start_gather(j + NBUF, b)
        return 0

    lax.fori_loop(0, (NCHUNK - 1) // NBUF - 1, outer, 0)

    for b in range(NBUF):
        j = NCHUNK - 1 - NBUF + b
        wait_gather(j, b)
        pltpu.sync_copy(rows_v.at[b], acc_sh.at[dst_v.at[j]], add=True)

    start_gather(NCHUNK - 1, 0)
    wait_gather(NCHUNK - 1, 0)
    pltpu.sync_copy(rows_v.at[0], acc_sh.at[dst_v.at[NCHUNK - 1]], add=True)

    plsc.subcore_barrier()
    pltpu.sync_copy(acc_sh.at[pl.ds(sid * ROWS_PER_TILE, ROWS_PER_TILE)],
                    out_hbm.at[cid, pl.ds(sid * ROWS_PER_TILE, ROWS_PER_TILE)])

    @pl.when(sid == 0)
    def _():
        pltpu.sync_copy(acc_sh.at[pl.ds(NTEC * ROWS_PER_TILE, TAIL_ROWS)],
                        out_hbm.at[cid, pl.ds(NTEC * ROWS_PER_TILE, TAIL_ROWS)])


_ROWS_BLK = 400
_GRID = N // _ROWS_BLK


def _cmb_mm_relu_body(p0_ref, p1_ref, w_ref, b_ref, o_ref):
    s = p0_ref[...] + p1_ref[...]
    o_ref[...] = jnp.maximum(
        jnp.dot(s, w_ref[...], preferred_element_type=jnp.float32)
        + b_ref[...], 0.0)


def _cmb_out_body(p0_ref, p1_ref, w_ref, b_ref, o_ref):
    s = p0_ref[...] + p1_ref[...]
    o_ref[...] = jnp.dot(s, w_ref[...],
                         preferred_element_type=jnp.float32) + b_ref[...]


def _rows_spec(width=D):
    return pl.BlockSpec((_ROWS_BLK, width), lambda i: (i, 0))


def _full_spec(r, c):
    return pl.BlockSpec((r, c), lambda i: (0, 0))


def _tc_cmb_mm_relu(p0, p1, w, b):
    return pl.pallas_call(
        _cmb_mm_relu_body,
        grid=(_GRID,),
        in_specs=[_rows_spec(), _rows_spec(), _full_spec(D, D), _full_spec(1, D)],
        out_specs=_rows_spec(),
        out_shape=jax.ShapeDtypeStruct((N, D), jnp.float32),
    )(p0, p1, w, b)


def _tc_cmb_out(p0, p1, w, b):
    return pl.pallas_call(
        _cmb_out_body,
        grid=(_GRID,),
        in_specs=[_rows_spec(), _rows_spec(), _full_spec(D, NC), _full_spec(1, NC)],
        out_specs=_rows_spec(NC),
        out_shape=jax.ShapeDtypeStruct((N, NC), jnp.float32),
    )(p0, p1, w, b)


def kernel(features, edge_index, W1, b1, W2, b2, W3, b3):
    src = edge_index[0].reshape(NW, E_PER_TILE)
    dst = edge_index[1].reshape(NW, NCHUNK, CHUNK)
    zeros = jnp.zeros((ROWS_PER_TILE, D), jnp.float32)

    p1 = _sc_aggregate(features, src, dst, zeros)
    h1 = _tc_cmb_mm_relu(p1[0], p1[1], W1, b1.reshape(1, D))
    p2 = _sc_aggregate(h1, src, dst, zeros)
    h2 = _tc_cmb_mm_relu(p2[0], p2[1], W2, b2.reshape(1, D))
    p3 = _sc_aggregate(h2, src, dst, zeros)
    return _tc_cmb_out(p3[0], p3[1], W3, b3.reshape(1, NC))

# --- scband reference (transcript-rebuilt; emitter-appended) ---
"""Pipeline reference for scband-gcnminibatch-1451698946348 (READ-ONLY COPY).

The authoritative reference and input builder live on the scoring server;
editing this copy changes nothing except your own understanding.
"""

import jax, jax.numpy as jnp
import numpy as np

N = 10000
E = 320000
DIN = 128
DH = 128
NC = 40


def setup_inputs(seed: int = 0) -> dict:
    key = jax.random.key(seed)
    ks = jax.random.split(key, 8)
    features = jax.random.normal(ks[0], (N, DIN), dtype=jnp.float32)
    edge_index = jax.random.randint(ks[1], (2, E), 0, N, dtype=jnp.int32)
    W1 = jax.random.normal(ks[2], (DIN, DH), dtype=jnp.float32) / np.sqrt(DIN)
    b1 = jnp.zeros((DH,), dtype=jnp.float32)
    W2 = jax.random.normal(ks[3], (DH, DH), dtype=jnp.float32) / np.sqrt(DH)
    b2 = jnp.zeros((DH,), dtype=jnp.float32)
    W3 = jax.random.normal(ks[4], (DH, NC), dtype=jnp.float32) / np.sqrt(DH)
    b3 = jnp.zeros((NC,), dtype=jnp.float32)
    return {"features": features, "edge_index": edge_index,
            "W1": W1, "b1": b1, "W2": W2, "b2": b2, "W3": W3, "b3": b3}


def _graph_conv(h, src, dst, W, b, activate):
    # DGL GraphConv with norm='none': project, aggregate messages by sum over
    # in-edges (copy_u + sum reduce), add bias, optional activation.
    # (weight-before vs weight-after aggregation is mathematically identical)
    m = h @ W
    agg = jax.ops.segment_sum(m[src], dst, num_segments=N)
    out = agg + b
    if activate:
        out = jax.nn.relu(out)
    return out


def reference(features, edge_index, W1, b1, W2, b2, W3, b3):
    src = edge_index[0]
    dst = edge_index[1]
    # layer 0 (in_feats -> n_hidden, relu)
    h = _graph_conv(features, src, dst, W1, b1, True)
    # dropout is identity in eval mode
    # layer 1 (n_hidden -> n_hidden, relu)
    h = _graph_conv(h, src, dst, W2, b2, True)
    # layer 2 (n_hidden -> n_classes, no activation)
    h = _graph_conv(h, src, dst, W3, b3, False)
    return h

if __name__ == "__main__":
    import jax
    _d = setup_inputs()
    print(jax.jit(kernel)(*tuple(_d.values())))

</pallas_src>

<mosaic_0001>
#map = affine_map<(d0, d1) -> (0, 0)>
#map1 = affine_map<(d0, d1) -> (0, 0, 0)>
module attributes {stable_mosaic.version = 14 : i64} {
  func.func @_sc_aggregate(%arg0: i32, %arg1: i32, %arg2: memref<10000x128xf32, #tpu.memory_space<hbm>>, %arg3: memref<32x10000xi32, #tpu.memory_space<hbm>>, %arg4: memref<32x125x80xi32, #tpu.memory_space<hbm>>, %arg5: memref<624x128xf32, #tpu.memory_space<hbm>>, %arg6: memref<2x10000x128xf32, #tpu.memory_space<hbm>>, %arg7: memref<10000xi32, #tpu.memory_space<vmem>>, %arg8: memref<125x80xi32, #tpu.memory_space<vmem>>, %arg9: memref<2x80x128xf32, #tpu.memory_space<vmem>>, %arg10: memref<10000x128xf32, #tpu.memory_space<vmem_shared>>, %arg11: memref<2x!tpu.dma_semaphore, #tpu.memory_space<semaphore_mem>>, %arg12: memref<!tpu.dma_semaphore, #tpu.memory_space<semaphore_mem>>) attributes {dimension_semantics = [#tpu.dimension_semantics<core_parallel>, #tpu.dimension_semantics<subcore_parallel>], iteration_bounds = array<i64: 2, 16>, scalar_prefetch = 0 : i64, scratch_operands = 6 : i64, tpu.core_type = #tpu.core_type<sc_vector_subcore>, window_params = [{transform_indices = #map}, {transform_indices = #map}, {transform_indices = #map1}, {transform_indices = #map}, {transform_indices = #map1}]} {
    %mul3A = arith.constant 16 : i32
    %mul3A_0 = arith.muli %arg0, %mul3A : i32
    %add3A = arith.addi %mul3A_0, %arg1 : i32
    %dma_start3A = arith.constant 0 : i32
    %dma_start3A_1 = tpu.memref_slice %arg3[%add3A, %dma_start3A] : memref<32x10000xi32, #tpu.memory_space<hbm>> -> memref<1x10000xi32, #tpu.memory_space<hbm>>
    %dma_start3A_2 = tpu.memref_squeeze %dma_start3A_1 : memref<1x10000xi32, #tpu.memory_space<hbm>> -> memref<10000xi32, #tpu.memory_space<hbm>>
    %dma_start3A_3 = arith.constant 0 : i32
    %dma_start3A_4 = tpu.memref_slice %arg3[%add3A, %dma_start3A_3] : memref<32x10000xi32, #tpu.memory_space<hbm>> -> memref<1x10000xi32, #tpu.memory_space<hbm>>
    %dma_start3A_5 = tpu.memref_squeeze %dma_start3A_4 : memref<1x10000xi32, #tpu.memory_space<hbm>> -> memref<10000xi32, #tpu.memory_space<hbm>>
    tpu.enqueue_dma source(%dma_start3A_5 : memref<10000xi32, #tpu.memory_space<hbm>>) target(%arg7 : memref<10000xi32, #tpu.memory_space<vmem>>) target_semaphore(%arg12 : memref<!tpu.dma_semaphore, #tpu.memory_space<semaphore_mem>>)
    %dma_wait3A = arith.constant 0 : i32
    %dma_wait3A_6 = tpu.memref_slice %arg3[%add3A, %dma_wait3A] : memref<32x10000xi32, #tpu.memory_space<hbm>> -> memref<1x10000xi32, #tpu.memory_space<hbm>>
    %dma_wait3A_7 = tpu.memref_squeeze %dma_wait3A_6 : memref<1x10000xi32, #tpu.memory_space<hbm>> -> memref<10000xi32, #tpu.memory_space<hbm>>
    %dma_wait3A_8 = arith.constant 0 : i32
    %dma_wait3A_9 = tpu.memref_slice %arg3[%add3A, %dma_wait3A_8] : memref<32x10000xi32, #tpu.memory_space<hbm>> -> memref<1x10000xi32, #tpu.memory_space<hbm>>
    %dma_wait3A_10 = tpu.memref_squeeze %dma_wait3A_9 : memref<1x10000xi32, #tpu.memory_space<hbm>> -> memref<10000xi32, #tpu.memory_space<hbm>>
    tpu.wait_dma2 semaphore(%arg12 : memref<!tpu.dma_semaphore, #tpu.memory_space<semaphore_mem>>) src(%dma_wait3A_10 : memref<10000xi32, #tpu.memory_space<hbm>>) dst(%arg7 : memref<10000xi32, #tpu.memory_space<vmem>>)
    %dma_start3A_11 = arith.constant 0 : i32
    %dma_start3A_12 = arith.constant 0 : i32
    %dma_start3A_13 = arith.constant 0 : i32
    %dma_start3A_14 = arith.constant 0 : i32
    %dma_start3A_15 = tpu.memref_slice %arg9[%dma_start3A_11, %dma_start3A_13, %dma_start3A_14] : memref<2x80x128xf32, #tpu.memory_space<vmem>> -> memref<1x80x128xf32, #tpu.memory_space<vmem>>
    %dma_start3A_16 = tpu.memref_squeeze %dma_start3A_15 : memref<1x80x128xf32, #tpu.memory_space<vmem>> -> memref<80x128xf32, #tpu.memory_space<vmem>>
    %dma_start3A_17 = arith.constant 0 : i32
    %dma_start3A_18 = tpu.memref_slice %arg7[%dma_start3A_17] : memref<10000xi32, #tpu.memory_space<vmem>> -> memref<80xi32, #tpu.memory_space<vmem>>
    %dma_start3A_19 = arith.constant 0 : i32
    %dma_start3A_20 = arith.constant 0 : i32
    %dma_start3A_21 = tpu.memref_slice %arg2[%dma_start3A_19, %dma_start3A_20] : memref<10000x128xf32, #tpu.memory_space<hbm>> -> memref<10000x128xf32, #tpu.memory_space<hbm>>
    %dma_start3A_22 = tpu.memref_slice %arg11[%dma_start3A_12] : memref<2x!tpu.dma_semaphore, #tpu.memory_space<semaphore_mem>> -> memref<1x!tpu.dma_semaphore, #tpu.memory_space<semaphore_mem>>
    %dma_start3A_23 = tpu.memref_squeeze %dma_start3A_22 : memref<1x!tpu.dma_semaphore, #tpu.memory_space<semaphore_mem>> -> memref<!tpu.dma_semaphore, #tpu.memory_space<semaphore_mem>>
    tpu.enqueue_indirect_dma source(%dma_start3A_21 : memref<10000x128xf32, #tpu.memory_space<hbm>>) target(%dma_start3A_16 : memref<80x128xf32, #tpu.memory_space<vmem>>) offsets(%dma_start3A_18 : memref<80xi32, #tpu.memory_space<vmem>>) semaphore(%dma_start3A_23 : memref<!tpu.dma_semaphore, #tpu.memory_space<semaphore_mem>>)
    %dma_start3A_24 = arith.constant 1 : i32
    %dma_start3A_25 = arith.constant 1 : i32
    %dma_start3A_26 = arith.constant 0 : i32
    %dma_start3A_27 = arith.constant 0 : i32
    %dma_start3A_28 = tpu.memref_slice %arg9[%dma_start3A_24, %dma_start3A_26, %dma_start3A_27] : memref<2x80x128xf32, #tpu.memory_space<vmem>> -> memref<1x80x128xf32, #tpu.memory_space<vmem>>
    %dma_start3A_29 = tpu.memref_squeeze %dma_start3A_28 : memref<1x80x128xf32, #tpu.memory_space<vmem>> -> memref<80x128xf32, #tpu.memory_space<vmem>>
    %dma_start3A_30 = arith.constant 80 : i32
    %dma_start3A_31 = tpu.memref_slice %arg7[%dma_start3A_30] : memref<10000xi32, #tpu.memory_space<vmem>> -> memref<80xi32, #tpu.memory_space<vmem>>
    %dma_start3A_32 = arith.constant 0 : i32
    %dma_start3A_33 = arith.constant 0 : i32
    %dma_start3A_34 = tpu.memref_slice %arg2[%dma_start3A_32, %dma_start3A_33] : memref<10000x128xf32, #tpu.memory_space<hbm>> -> memref<10000x128xf32, #tpu.memory_space<hbm>>
    %dma_start3A_35 = tpu.memref_slice %arg11[%dma_start3A_25] : memref<2x!tpu.dma_semaphore, #tpu.memory_space<semaphore_mem>> -> memref<1x!tpu.dma_semaphore, #tpu.memory_space<semaphore_mem>>
    %dma_start3A_36 = tpu.memref_squeeze %dma_start3A_35 : memref<1x!tpu.dma_semaphore, #tpu.memory_space<semaphore_mem>> -> memref<!tpu.dma_semaphore, #tpu.memory_space<semaphore_mem>>
    tpu.enqueue_indirect_dma source(%dma_start3A_34 : memref<10000x128xf32, #tpu.memory_space<hbm>>) target(%dma_start3A_29 : memref<80x128xf32, #tpu.memory_space<vmem>>) offsets(%dma_start3A_31 : memref<80xi32, #tpu.memory_space<vmem>>) semaphore(%dma_start3A_36 : memref<!tpu.dma_semaphore, #tpu.memory_space<semaphore_mem>>)
    %dma_start3A_37 = arith.constant 0 : i32
    %dma_start3A_38 = arith.constant 0 : i32
    %dma_start3A_39 = tpu.memref_slice %arg4[%add3A, %dma_start3A_37, %dma_start3A_38] : memref<32x125x80xi32, #tpu.memory_space<hbm>> -> memref<1x125x80xi32, #tpu.memory_space<hbm>>
    %dma_start3A_40 = tpu.memref_squeeze %dma_start3A_39 : memref<1x125x80xi32, #tpu.memory_space<hbm>> -> memref<125x80xi32, #tpu.memory_space<hbm>>
    %dma_start3A_41 = arith.constant 0 : i32
    %dma_start3A_42 = arith.constant 0 : i32
    %dma_start3A_43 = tpu.memref_slice %arg4[%add3A, %dma_start3A_41, %dma_start3A_42] : memref<32x125x80xi32, #tpu.memory_space<hbm>> -> memref<1x125x80xi32, #tpu.memory_space<hbm>>
    %dma_start3A_44 = tpu.memref_squeeze %dma_start3A_43 : memref<1x125x80xi32, #tpu.memory_space<hbm>> -> memref<125x80xi32, #tpu.memory_space<hbm>>
    tpu.enqueue_dma source(%dma_start3A_44 : memref<125x80xi32, #tpu.memory_space<hbm>>) target(%arg8 : memref<125x80xi32, #tpu.memory_space<vmem>>) target_semaphore(%arg12 : memref<!tpu.dma_semaphore, #tpu.memory_space<semaphore_mem>>)
    %mul3A_45 = arith.constant 624 : i32
    %mul3A_46 = arith.muli %arg1, %mul3A_45 : i32
    "tpu.region"() ({
      %run_scoped3A_130 = tpu.sem_alloc : memref<!tpu.dma_semaphore, #tpu.memory_space<semaphore_mem>>
      %dma_start3A_131 = arith.constant 0 : i32
      %dma_start3A_132 = tpu.memref_slice %arg10[%mul3A_46, %dma_start3A_131] : memref<10000x128xf32, #tpu.memory_space<vmem_shared>> -> memref<624x128xf32, #tpu.memory_space<vmem_shared>>
      tpu.enqueue_dma source(%arg5 : memref<624x128xf32, #tpu.memory_space<hbm>>) target(%dma_start3A_132 : memref<624x128xf32, #tpu.memory_space<vmem_shared>>) target_semaphore(%run_scoped3A_130 : memref<!tpu.dma_semaphore, #tpu.memory_space<semaphore_mem>>)
      %dma_wait3A_133 = arith.constant 0 : i32
      %dma_wait3A_134 = tpu.memref_slice %arg10[%mul3A_46, %dma_wait3A_133] : memref<10000x128xf32, #tpu.memory_space<vmem_shared>> -> memref<624x128xf32, #tpu.memory_space<vmem_shared>>
      tpu.wait_dma2 semaphore(%run_scoped3A_130 : memref<!tpu.dma_semaphore, #tpu.memory_space<semaphore_mem>>) src(%arg5 : memref<624x128xf32, #tpu.memory_space<hbm>>) dst(%dma_wait3A_134 : memref<624x128xf32, #tpu.memory_space<vmem_shared>>)
      tpu.yield
    }) : () -> ()
    %eq3A = arith.constant 0 : i32
    %eq3A_47 = arith.cmpi eq, %arg1, %eq3A : i32
    %convert_element_type3A = arith.extui %eq3A_47 : i1 to i32
    %cond3A = arith.constant 0 : i32
    %cond3A_48 = arith.cmpi ne, %convert_element_type3A, %cond3A : i32
    scf.if %cond3A_48 {
      "tpu.region"() ({
        %run_scoped3A_130 = tpu.sem_alloc : memref<!tpu.dma_semaphore, #tpu.memory_space<semaphore_mem>>
        %dma_start3A_131 = arith.constant 9984 : i32
        %dma_start3A_132 = arith.constant 0 : i32
        %dma_start3A_133 = tpu.memref_slice %arg10[%dma_start3A_131, %dma_start3A_132] : memref<10000x128xf32, #tpu.memory_space<vmem_shared>> -> memref<16x128xf32, #tpu.memory_space<vmem_shared>>
        %dma_start3A_134 = arith.constant 0 : i32
        %dma_start3A_135 = arith.constant 0 : i32
        %dma_start3A_136 = tpu.memref_slice %arg5[%dma_start3A_134, %dma_start3A_135] : memref<624x128xf32, #tpu.memory_space<hbm>> -> memref<16x128xf32, #tpu.memory_space<hbm>>
        tpu.enqueue_dma source(%dma_start3A_136 : memref<16x128xf32, #tpu.memory_space<hbm>>) target(%dma_start3A_133 : memref<16x128xf32, #tpu.memory_space<vmem_shared>>) target_semaphore(%run_scoped3A_130 : memref<!tpu.dma_semaphore, #tpu.memory_space<semaphore_mem>>)
        %dma_wait3A_137 = arith.constant 9984 : i32
        %dma_wait3A_138 = arith.constant 0 : i32
        %dma_wait3A_139 = tpu.memref_slice %arg10[%dma_wait3A_137, %dma_wait3A_138] : memref<10000x128xf32, #tpu.memory_space<vmem_shared>> -> memref<16x128xf32, #tpu.memory_space<vmem_shared>>
        %dma_wait3A_140 = arith.constant 0 : i32
        %dma_wait3A_141 = arith.constant 0 : i32
        %dma_wait3A_142 = tpu.memref_slice %arg5[%dma_wait3A_140, %dma_wait3A_141] : memref<624x128xf32, #tpu.memory_space<hbm>> -> memref<16x128xf32, #tpu.memory_space<hbm>>
        tpu.wait_dma2 semaphore(%run_scoped3A_130 : memref<!tpu.dma_semaphore, #tpu.memory_space<semaphore_mem>>) src(%dma_wait3A_142 : memref<16x128xf32, #tpu.memory_space<hbm>>) dst(%dma_wait3A_139 : memref<16x128xf32, #tpu.memory_space<vmem_shared>>)
        tpu.yield
      }) : () -> ()
    } else {
    }
    %dma_wait3A_49 = arith.constant 0 : i32
    %dma_wait3A_50 = arith.constant 0 : i32
    %dma_wait3A_51 = tpu.memref_slice %arg4[%add3A, %dma_wait3A_49, %dma_wait3A_50] : memref<32x125x80xi32, #tpu.memory_space<hbm>> -> memref<1x125x80xi32, #tpu.memory_space<hbm>>
    %dma_wait3A_52 = tpu.memref_squeeze %dma_wait3A_51 : memref<1x125x80xi32, #tpu.memory_space<hbm>> -> memref<125x80xi32, #tpu.memory_space<hbm>>
    %dma_wait3A_53 = arith.constant 0 : i32
    %dma_wait3A_54 = arith.constant 0 : i32
    %dma_wait3A_55 = tpu.memref_slice %arg4[%add3A, %dma_wait3A_53, %dma_wait3A_54] : memref<32x125x80xi32, #tpu.memory_space<hbm>> -> memref<1x125x80xi32, #tpu.memory_space<hbm>>
    %dma_wait3A_56 = tpu.memref_squeeze %dma_wait3A_55 : memref<1x125x80xi32, #tpu.memory_space<hbm>> -> memref<125x80xi32, #tpu.memory_space<hbm>>
    tpu.wait_dma2 semaphore(%arg12 : memref<!tpu.dma_semaphore, #tpu.memory_space<semaphore_mem>>) src(%dma_wait3A_56 : memref<125x80xi32, #tpu.memory_space<hbm>>) dst(%arg8 : memref<125x80xi32, #tpu.memory_space<vmem>>)
    %barrier3A = arith.constant 0 : index
    tpu.barrier barrier_id(%barrier3A)
    %scan3A = arith.constant 0 : i32
    %scan3A_57 = arith.constant 0 : i32
    %scan3A_58 = arith.constant 61 : i32
    %scan3A_59 = arith.addi %scan3A_57, %scan3A_58 : i32
    %scan3A_60 = arith.constant 1 : i32
    %scan3A_61 = scf.for %scan3A_130 = %scan3A_57 to %scan3A_59 step %scan3A_60 iter_args(%scan3A_131 = %scan3A) -> (i32)  : i32 {
      %mul3A_132 = arith.constant 2 : i32
      %mul3A_133 = arith.muli %scan3A_130, %mul3A_132 : i32
      %add3A_134 = arith.constant 0 : i32
      %add3A_135 = arith.addi %mul3A_133, %add3A_134 : i32
      %mul3A_136 = arith.constant 80 : i32
      %mul3A_137 = arith.muli %add3A_135, %mul3A_136 : i32
      %dma_wait3A_138 = arith.constant 0 : i32
      %dma_wait3A_139 = arith.constant 0 : i32
      %dma_wait3A_140 = arith.constant 0 : i32
      %dma_wait3A_141 = arith.constant 0 : i32
      %dma_wait3A_142 = tpu.memref_slice %arg9[%dma_wait3A_138, %dma_wait3A_140, %dma_wait3A_141] : memref<2x80x128xf32, #tpu.memory_space<vmem>> -> memref<1x80x128xf32, #tpu.memory_space<vmem>>
      %dma_wait3A_143 = tpu.memref_squeeze %dma_wait3A_142 : memref<1x80x128xf32, #tpu.memory_space<vmem>> -> memref<80x128xf32, #tpu.memory_space<vmem>>
      %dma_wait3A_144 = tpu.memref_slice %arg7[%mul3A_137] : memref<10000xi32, #tpu.memory_space<vmem>> -> memref<80xi32, #tpu.memory_space<vmem>>
      %dma_wait3A_145 = arith.constant 0 : i32
      %dma_wait3A_146 = arith.constant 0 : i32
      %dma_wait3A_147 = tpu.memref_slice %arg2[%dma_wait3A_145, %dma_wait3A_146] : memref<10000x128xf32, #tpu.memory_space<hbm>> -> memref<10000x128xf32, #tpu.memory_space<hbm>>
      %dma_wait3A_148 = tpu.memref_slice %arg11[%dma_wait3A_139] : memref<2x!tpu.dma_semaphore, #tpu.memory_space<semaphore_mem>> -> memref<1x!tpu.dma_semaphore, #tpu.memory_space<semaphore_mem>>
      %dma_wait3A_149 = tpu.memref_squeeze %dma_wait3A_148 : memref<1x!tpu.dma_semaphore, #tpu.memory_space<semaphore_mem>> -> memref<!tpu.dma_semaphore, #tpu.memory_space<semaphore_mem>>
      tpu.wait_indirect_dma semaphore(%dma_wait3A_149 : memref<!tpu.dma_semaphore, #tpu.memory_space<semaphore_mem>>) src(%dma_wait3A_147 : memref<10000x128xf32, #tpu.memory_space<hbm>>) dst(%dma_wait3A_143 : memref<80x128xf32, #tpu.memory_space<vmem>>)
      %run_scoped3A_150 = arith.constant 0 : i32
      "tpu.region"() ({
        %run_scoped3A_201 = tpu.sem_alloc : memref<!tpu.dma_semaphore, #tpu.memory_space<semaphore_mem>>
        %dma_start3A_202 = arith.constant 0 : i32
        %dma_start3A_203 = arith.constant 0 : i32
        %dma_start3A_204 = tpu.memref_slice %arg9[%run_scoped3A_150, %dma_start3A_202, %dma_start3A_203] : memref<2x80x128xf32, #tpu.memory_space<vmem>> -> memref<1x80x128xf32, #tpu.memory_space<vmem>>
        %dma_start3A_205 = tpu.memref_squeeze %dma_start3A_204 : memref<1x80x128xf32, #tpu.memory_space<vmem>> -> memref<80x128xf32, #tpu.memory_space<vmem>>
        %dma_start3A_206 = arith.constant 0 : i32
        %dma_start3A_207 = tpu.memref_slice %arg8[%add3A_135, %dma_start3A_206] : memref<125x80xi32, #tpu.memory_space<vmem>> -> memref<1x80xi32, #tpu.memory_space<vmem>>
        %dma_start3A_208 = tpu.memref_squeeze %dma_start3A_207 : memref<1x80xi32, #tpu.memory_space<vmem>> -> memref<80xi32, #tpu.memory_space<vmem>>
        %dma_start3A_209 = arith.constant 0 : i32
        %dma_start3A_210 = arith.constant 0 : i32
        %dma_start3A_211 = tpu.memref_slice %arg10[%dma_start3A_209, %dma_start3A_210] : memref<10000x128xf32, #tpu.memory_space<vmem_shared>> -> memref<10000x128xf32, #tpu.memory_space<vmem_shared>>
        tpu.enqueue_indirect_dma source(%dma_start3A_205 : memref<80x128xf32, #tpu.memory_space<vmem>>) target(%dma_start3A_211 : memref<10000x128xf32, #tpu.memory_space<vmem_shared>>) offsets(%dma_start3A_208 : memref<80xi32, #tpu.memory_space<vmem>>) semaphore(%run_scoped3A_201 : memref<!tpu.dma_semaphore, #tpu.memory_space<semaphore_mem>>) {add = true}
        %dma_wait3A_212 = arith.constant 0 : i32
        %dma_wait3A_213 = arith.constant 0 : i32
        %dma_wait3A_214 = tpu.memref_slice %arg9[%run_scoped3A_150, %dma_wait3A_212, %dma_wait3A_213] : memref<2x80x128xf32, #tpu.memory_space<vmem>> -> memref<1x80x128xf32, #tpu.memory_space<vmem>>
        %dma_wait3A_215 = tpu.memref_squeeze %dma_wait3A_214 : memref<1x80x128xf32, #tpu.memory_space<vmem>> -> memref<80x128xf32, #tpu.memory_space<vmem>>
        %dma_wait3A_216 = arith.constant 0 : i32
        %dma_wait3A_217 = tpu.memref_slice %arg8[%add3A_135, %dma_wait3A_216] : memref<125x80xi32, #tpu.memory_space<vmem>> -> memref<1x80xi32, #tpu.memory_space<vmem>>
        %dma_wait3A_218 = tpu.memref_squeeze %dma_wait3A_217 : memref<1x80xi32, #tpu.memory_space<vmem>> -> memref<80xi32, #tpu.memory_space<vmem>>
        %dma_wait3A_219 = arith.constant 0 : i32
        %dma_wait3A_220 = arith.constant 0 : i32
        %dma_wait3A_221 = tpu.memref_slice %arg10[%dma_wait3A_219, %dma_wait3A_220] : memref<10000x128xf32, #tpu.memory_space<vmem_shared>> -> memref<10000x128xf32, #tpu.memory_space<vmem_shared>>
        tpu.wait_indirect_dma semaphore(%run_scoped3A_201 : memref<!tpu.dma_semaphore, #tpu.memory_space<semaphore_mem>>) src(%dma_wait3A_215 : memref<80x128xf32, #tpu.memory_space<vmem>>) dst(%dma_wait3A_221 : memref<10000x128xf32, #tpu.memory_space<vmem_shared>>)
        tpu.yield
      }) : () -> ()
      %add3A_151 = arith.constant 2 : i32
      %add3A_152 = arith.addi %add3A_135, %add3A_151 : i32
      %mul3A_153 = arith.constant 80 : i32
      %mul3A_154 = arith.muli %add3A_152, %mul3A_153 : i32
      %dma_start3A_155 = arith.constant 0 : i32
      %dma_start3A_156 = arith.constant 0 : i32
      %dma_start3A_157 = arith.constant 0 : i32
      %dma_start3A_158 = arith.constant 0 : i32
      %dma_start3A_159 = tpu.memref_slice %arg9[%dma_start3A_155, %dma_start3A_157, %dma_start3A_158] : memref<2x80x128xf32, #tpu.memory_space<vmem>> -> memref<1x80x128xf32, #tpu.memory_space<vmem>>
      %dma_start3A_160 = tpu.memref_squeeze %dma_start3A_159 : memref<1x80x128xf32, #tpu.memory_space<vmem>> -> memref<80x128xf32, #tpu.memory_space<vmem>>
      %dma_start3A_161 = tpu.memref_slice %arg7[%mul3A_154] : memref<10000xi32, #tpu.memory_space<vmem>> -> memref<80xi32, #tpu.memory_space<vmem>>
      %dma_start3A_162 = arith.constant 0 : i32
      %dma_start3A_163 = arith.constant 0 : i32
      %dma_start3A_164 = tpu.memref_slice %arg2[%dma_start3A_162, %dma_start3A_163] : memref<10000x128xf32, #tpu.memory_space<hbm>> -> memref<10000x128xf32, #tpu.memory_space<hbm>>
      %dma_start3A_165 = tpu.memref_slice %arg11[%dma_start3A_156] : memref<2x!tpu.dma_semaphore, #tpu.memory_space<semaphore_mem>> -> memref<1x!tpu.dma_semaphore, #tpu.memory_space<semaphore_mem>>
      %dma_start3A_166 = tpu.memref_squeeze %dma_start3A_165 : memref<1x!tpu.dma_semaphore, #tpu.memory_space<semaphore_mem>> -> memref<!tpu.dma_semaphore, #tpu.memory_space<semaphore_mem>>
      tpu.enqueue_indirect_dma source(%dma_start3A_164 : memref<10000x128xf32, #tpu.memory_space<hbm>>) target(%dma_start3A_160 : memref<80x128xf32, #tpu.memory_space<vmem>>) offsets(%dma_start3A_161 : memref<80xi32, #tpu.memory_space<vmem>>) semaphore(%dma_start3A_166 : memref<!tpu.dma_semaphore, #tpu.memory_space<semaphore_mem>>)
      %add3A_167 = arith.constant 1 : i32
      %add3A_168 = arith.addi %mul3A_133, %add3A_167 : i32
      %mul3A_169 = arith.constant 80 : i32
      %mul3A_170 = arith.muli %add3A_168, %mul3A_169 : i32
      %dma_wait3A_171 = arith.constant 1 : i32
      %dma_wait3A_172 = arith.constant 1 : i32
      %dma_wait3A_173 = arith.constant 0 : i32
      %dma_wait3A_174 = arith.constant 0 : i32
      %dma_wait3A_175 = tpu.memref_slice %arg9[%dma_wait3A_171, %dma_wait3A_173, %dma_wait3A_174] : memref<2x80x128xf32, #tpu.memory_space<vmem>> -> memref<1x80x128xf32, #tpu.memory_space<vmem>>
      %dma_wait3A_176 = tpu.memref_squeeze %dma_wait3A_175 : memref<1x80x128xf32, #tpu.memory_space<vmem>> -> memref<80x128xf32, #tpu.memory_space<vmem>>
      %dma_wait3A_177 = tpu.memref_slice %arg7[%mul3A_170] : memref<10000xi32, #tpu.memory_space<vmem>> -> memref<80xi32, #tpu.memory_space<vmem>>
      %dma_wait3A_178 = arith.constant 0 : i32
      %dma_wait3A_179 = arith.constant 0 : i32
      %dma_wait3A_180 = tpu.memref_slice %arg2[%dma_wait3A_178, %dma_wait3A_179] : memref<10000x128xf32, #tpu.memory_space<hbm>> -> memref<10000x128xf32, #tpu.memory_space<hbm>>
      %dma_wait3A_181 = tpu.memref_slice %arg11[%dma_wait3A_172] : memref<2x!tpu.dma_semaphore, #tpu.memory_space<semaphore_mem>> -> memref<1x!tpu.dma_semaphore, #tpu.memory_space<semaphore_mem>>
      %dma_wait3A_182 = tpu.memref_squeeze %dma_wait3A_181 : memref<1x!tpu.dma_semaphore, #tpu.memory_space<semaphore_mem>> -> memref<!tpu.dma_semaphore, #tpu.memory_space<semaphore_mem>>
      tpu.wait_indirect_dma semaphore(%dma_wait3A_182 : memref<!tpu.dma_semaphore, #tpu.memory_space<semaphore_mem>>) src(%dma_wait3A_180 : memref<10000x128xf32, #tpu.memory_space<hbm>>) dst(%dma_wait3A_176 : memref<80x128xf32, #tpu.memory_space<vmem>>)
      %run_scoped3A_183 = arith.constant 1 : i32
      "tpu.region"() ({
        %run_scoped3A_201 = tpu.sem_alloc : memref<!tpu.dma_semaphore, #tpu.memory_space<semaphore_mem>>
        %dma_start3A_202 = arith.constant 0 : i32
        %dma_start3A_203 = arith.constant 0 : i32
        %dma_start3A_204 = tpu.memref_slice %arg9[%run_scoped3A_183, %dma_start3A_202, %dma_start3A_203] : memref<2x80x128xf32, #tpu.memory_space<vmem>> -> memref<1x80x128xf32, #tpu.memory_space<vmem>>
        %dma_start3A_205 = tpu.memref_squeeze %dma_start3A_204 : memref<1x80x128xf32, #tpu.memory_space<vmem>> -> memref<80x128xf32, #tpu.memory_space<vmem>>
        %dma_start3A_206 = arith.constant 0 : i32
        %dma_start3A_207 = tpu.memref_slice %arg8[%add3A_168, %dma_start3A_206] : memref<125x80xi32, #tpu.memory_space<vmem>> -> memref<1x80xi32, #tpu.memory_space<vmem>>
        %dma_start3A_208 = tpu.memref_squeeze %dma_start3A_207 : memref<1x80xi32, #tpu.memory_space<vmem>> -> memref<80xi32, #tpu.memory_space<vmem>>
        %dma_start3A_209 = arith.constant 0 : i32
        %dma_start3A_210 = arith.constant 0 : i32
        %dma_start3A_211 = tpu.memref_slice %arg10[%dma_start3A_209, %dma_start3A_210] : memref<10000x128xf32, #tpu.memory_space<vmem_shared>> -> memref<10000x128xf32, #tpu.memory_space<vmem_shared>>
        tpu.enqueue_indirect_dma source(%dma_start3A_205 : memref<80x128xf32, #tpu.memory_space<vmem>>) target(%dma_start3A_211 : memref<10000x128xf32, #tpu.memory_space<vmem_shared>>) offsets(%dma_start3A_208 : memref<80xi32, #tpu.memory_space<vmem>>) semaphore(%run_scoped3A_201 : memref<!tpu.dma_semaphore, #tpu.memory_space<semaphore_mem>>) {add = true}
        %dma_wait3A_212 = arith.constant 0 : i32
        %dma_wait3A_213 = arith.constant 0 : i32
        %dma_wait3A_214 = tpu.memref_slice %arg9[%run_scoped3A_183, %dma_wait3A_212, %dma_wait3A_213] : memref<2x80x128xf32, #tpu.memory_space<vmem>> -> memref<1x80x128xf32, #tpu.memory_space<vmem>>
        %dma_wait3A_215 = tpu.memref_squeeze %dma_wait3A_214 : memref<1x80x128xf32, #tpu.memory_space<vmem>> -> memref<80x128xf32, #tpu.memory_space<vmem>>
        %dma_wait3A_216 = arith.constant 0 : i32
        %dma_wait3A_217 = tpu.memref_slice %arg8[%add3A_168, %dma_wait3A_216] : memref<125x80xi32, #tpu.memory_space<vmem>> -> memref<1x80xi32, #tpu.memory_space<vmem>>
        %dma_wait3A_218 = tpu.memref_squeeze %dma_wait3A_217 : memref<1x80xi32, #tpu.memory_space<vmem>> -> memref<80xi32, #tpu.memory_space<vmem>>
        %dma_wait3A_219 = arith.constant 0 : i32
        %dma_wait3A_220 = arith.constant 0 : i32
        %dma_wait3A_221 = tpu.memref_slice %arg10[%dma_wait3A_219, %dma_wait3A_220] : memref<10000x128xf32, #tpu.memory_space<vmem_shared>> -> memref<10000x128xf32, #tpu.memory_space<vmem_shared>>
        tpu.wait_indirect_dma semaphore(%run_scoped3A_201 : memref<!tpu.dma_semaphore, #tpu.memory_space<semaphore_mem>>) src(%dma_wait3A_215 : memref<80x128xf32, #tpu.memory_space<vmem>>) dst(%dma_wait3A_221 : memref<10000x128xf32, #tpu.memory_space<vmem_shared>>)
        tpu.yield
      }) : () -> ()
      %add3A_184 = arith.constant 2 : i32
      %add3A_185 = arith.addi %add3A_168, %add3A_184 : i32
      %mul3A_186 = arith.constant 80 : i32
      %mul3A_187 = arith.muli %add3A_185, %mul3A_186 : i32
      %dma_start3A_188 = arith.constant 1 : i32
      %dma_start3A_189 = arith.constant 1 : i32
      %dma_start3A_190 = arith.constant 0 : i32
      %dma_start3A_191 = arith.constant 0 : i32
      %dma_start3A_192 = tpu.memref_slice %arg9[%dma_start3A_188, %dma_start3A_190, %dma_start3A_191] : memref<2x80x128xf32, #tpu.memory_space<vmem>> -> memref<1x80x128xf32, #tpu.memory_space<vmem>>
      %dma_start3A_193 = tpu.memref_squeeze %dma_start3A_192 : memref<1x80x128xf32, #tpu.memory_space<vmem>> -> memref<80x128xf32, #tpu.memory_space<vmem>>
      %dma_start3A_194 = tpu.memref_slice %arg7[%mul3A_187] : memref<10000xi32, #tpu.memory_space<vmem>> -> memref<80xi32, #tpu.memory_space<vmem>>
      %dma_start3A_195 = arith.constant 0 : i32
      %dma_start3A_196 = arith.constant 0 : i32
      %dma_start3A_197 = tpu.memref_slice %arg2[%dma_start3A_195, %dma_start3A_196] : memref<10000x128xf32, #tpu.memory_space<hbm>> -> memref<10000x128xf32, #tpu.memory_space<hbm>>
      %dma_start3A_198 = tpu.memref_slice %arg11[%dma_start3A_189] : memref<2x!tpu.dma_semaphore, #tpu.memory_space<semaphore_mem>> -> memref<1x!tpu.dma_semaphore, #tpu.memory_space<semaphore_mem>>
      %dma_start3A_199 = tpu.memref_squeeze %dma_start3A_198 : memref<1x!tpu.dma_semaphore, #tpu.memory_space<semaphore_mem>> -> memref<!tpu.dma_semaphore, #tpu.memory_space<semaphore_mem>>
      tpu.enqueue_indirect_dma source(%dma_start3A_197 : memref<10000x128xf32, #tpu.memory_space<hbm>>) target(%dma_start3A_193 : memref<80x128xf32, #tpu.memory_space<vmem>>) offsets(%dma_start3A_194 : memref<80xi32, #tpu.memory_space<vmem>>) semaphore(%dma_start3A_199 : memref<!tpu.dma_semaphore, #tpu.memory_space<semaphore_mem>>)
      %scan3A_200 = arith.constant 0 : i32
      scf.yield %scan3A_200 : i32
    }
    %scan3A_62 = arith.constant 61 : i32
    %dma_wait3A_63 = arith.constant 0 : i32
    %dma_wait3A_64 = arith.constant 0 : i32
    %dma_wait3A_65 = arith.constant 0 : i32
    %dma_wait3A_66 = arith.constant 0 : i32
    %dma_wait3A_67 = tpu.memref_slice %arg9[%dma_wait3A_63, %dma_wait3A_65, %dma_wait3A_66] : memref<2x80x128xf32, #tpu.memory_space<vmem>> -> memref<1x80x128xf32, #tpu.memory_space<vmem>>
    %dma_wait3A_68 = tpu.memref_squeeze %dma_wait3A_67 : memref<1x80x128xf32, #tpu.memory_space<vmem>> -> memref<80x128xf32, #tpu.memory_space<vmem>>
    %dma_wait3A_69 = arith.constant 9760 : i32
    %dma_wait3A_70 = tpu.memref_slice %arg7[%dma_wait3A_69] : memref<10000xi32, #tpu.memory_space<vmem>> -> memref<80xi32, #tpu.memory_space<vmem>>
    %dma_wait3A_71 = arith.constant 0 : i32
    %dma_wait3A_72 = arith.constant 0 : i32
    %dma_wait3A_73 = tpu.memref_slice %arg2[%dma_wait3A_71, %dma_wait3A_72] : memref<10000x128xf32, #tpu.memory_space<hbm>> -> memref<10000x128xf32, #tpu.memory_space<hbm>>
    %dma_wait3A_74 = tpu.memref_slice %arg11[%dma_wait3A_64] : memref<2x!tpu.dma_semaphore, #tpu.memory_space<semaphore_mem>> -> memref<1x!tpu.dma_semaphore, #tpu.memory_space<semaphore_mem>>
    %dma_wait3A_75 = tpu.memref_squeeze %dma_wait3A_74 : memref<1x!tpu.dma_semaphore, #tpu.memory_space<semaphore_mem>> -> memref<!tpu.dma_semaphore, #tpu.memory_space<semaphore_mem>>
    tpu.wait_indirect_dma semaphore(%dma_wait3A_75 : memref<!tpu.dma_semaphore, #tpu.memory_space<semaphore_mem>>) src(%dma_wait3A_73 : memref<10000x128xf32, #tpu.memory_space<hbm>>) dst(%dma_wait3A_68 : memref<80x128xf32, #tpu.memory_space<vmem>>)
    %run_scoped3A = arith.constant 0 : i32
    %run_scoped3A_76 = arith.constant 122 : i32
    "tpu.region"() ({
      %run_scoped3A_130 = tpu.sem_alloc : memref<!tpu.dma_semaphore, #tpu.memory_space<semaphore_mem>>
      %dma_start3A_131 = arith.constant 0 : i32
      %dma_start3A_132 = arith.constant 0 : i32
      %dma_start3A_133 = tpu.memref_slice %arg9[%run_scoped3A, %dma_start3A_131, %dma_start3A_132] : memref<2x80x128xf32, #tpu.memory_space<vmem>> -> memref<1x80x128xf32, #tpu.memory_space<vmem>>
      %dma_start3A_134 = tpu.memref_squeeze %dma_start3A_133 : memref<1x80x128xf32, #tpu.memory_space<vmem>> -> memref<80x128xf32, #tpu.memory_space<vmem>>
      %dma_start3A_135 = arith.constant 0 : i32
      %dma_start3A_136 = tpu.memref_slice %arg8[%run_scoped3A_76, %dma_start3A_135] : memref<125x80xi32, #tpu.memory_space<vmem>> -> memref<1x80xi32, #tpu.memory_space<vmem>>
      %dma_start3A_137 = tpu.memref_squeeze %dma_start3A_136 : memref<1x80xi32, #tpu.memory_space<vmem>> -> memref<80xi32, #tpu.memory_space<vmem>>
      %dma_start3A_138 = arith.constant 0 : i32
      %dma_start3A_139 = arith.constant 0 : i32
      %dma_start3A_140 = tpu.memref_slice %arg10[%dma_start3A_138, %dma_start3A_139] : memref<10000x128xf32, #tpu.memory_space<vmem_shared>> -> memref<10000x128xf32, #tpu.memory_space<vmem_shared>>
      tpu.enqueue_indirect_dma source(%dma_start3A_134 : memref<80x128xf32, #tpu.memory_space<vmem>>) target(%dma_start3A_140 : memref<10000x128xf32, #tpu.memory_space<vmem_shared>>) offsets(%dma_start3A_137 : memref<80xi32, #tpu.memory_space<vmem>>) semaphore(%run_scoped3A_130 : memref<!tpu.dma_semaphore, #tpu.memory_space<semaphore_mem>>) {add = true}
      %dma_wait3A_141 = arith.constant 0 : i32
      %dma_wait3A_142 = arith.constant 0 : i32
      %dma_wait3A_143 = tpu.memref_slice %arg9[%run_scoped3A, %dma_wait3A_141, %dma_wait3A_142] : memref<2x80x128xf32, #tpu.memory_space<vmem>> -> memref<1x80x128xf32, #tpu.memory_space<vmem>>
      %dma_wait3A_144 = tpu.memref_squeeze %dma_wait3A_143 : memref<1x80x128xf32, #tpu.memory_space<vmem>> -> memref<80x128xf32, #tpu.memory_space<vmem>>
      %dma_wait3A_145 = arith.constant 0 : i32
      %dma_wait3A_146 = tpu.memref_slice %arg8[%run_scoped3A_76, %dma_wait3A_145] : memref<125x80xi32, #tpu.memory_space<vmem>> -> memref<1x80xi32, #tpu.memory_space<vmem>>
      %dma_wait3A_147 = tpu.memref_squeeze %dma_wait3A_146 : memref<1x80xi32, #tpu.memory_space<vmem>> -> memref<80xi32, #tpu.memory_space<vmem>>
      %dma_wait3A_148 = arith.constant 0 : i32
      %dma_wait3A_149 = arith.constant 0 : i32
      %dma_wait3A_150 = tpu.memref_slice %arg10[%dma_wait3A_148, %dma_wait3A_149] : memref<10000x128xf32, #tpu.memory_space<vmem_shared>> -> memref<10000x128xf32, #tpu.memory_space<vmem_shared>>
      tpu.wait_indirect_dma semaphore(%run_scoped3A_130 : memref<!tpu.dma_semaphore, #tpu.memory_space<semaphore_mem>>) src(%dma_wait3A_144 : memref<80x128xf32, #tpu.memory_space<vmem>>) dst(%dma_wait3A_150 : memref<10000x128xf32, #tpu.memory_space<vmem_shared>>)
      tpu.yield
    }) : () -> ()
    %dma_wait3A_77 = arith.constant 1 : i32
    %dma_wait3A_78 = arith.constant 1 : i32
    %dma_wait3A_79 = arith.constant 0 : i32
    %dma_wait3A_80 = arith.constant 0 : i32
    %dma_wait3A_81 = tpu.memref_slice %arg9[%dma_wait3A_77, %dma_wait3A_79, %dma_wait3A_80] : memref<2x80x128xf32, #tpu.memory_space<vmem>> -> memref<1x80x128xf32, #tpu.memory_space<vmem>>
    %dma_wait3A_82 = tpu.memref_squeeze %dma_wait3A_81 : memref<1x80x128xf32, #tpu.memory_space<vmem>> -> memref<80x128xf32, #tpu.memory_space<vmem>>
    %dma_wait3A_83 = arith.constant 9840 : i32
    %dma_wait3A_84 = tpu.memref_slice %arg7[%dma_wait3A_83] : memref<10000xi32, #tpu.memory_space<vmem>> -> memref<80xi32, #tpu.memory_space<vmem>>
    %dma_wait3A_85 = arith.constant 0 : i32
    %dma_wait3A_86 = arith.constant 0 : i32
    %dma_wait3A_87 = tpu.memref_slice %arg2[%dma_wait3A_85, %dma_wait3A_86] : memref<10000x128xf32, #tpu.memory_space<hbm>> -> memref<10000x128xf32, #tpu.memory_space<hbm>>
    %dma_wait3A_88 = tpu.memref_slice %arg11[%dma_wait3A_78] : memref<2x!tpu.dma_semaphore, #tpu.memory_space<semaphore_mem>> -> memref<1x!tpu.dma_semaphore, #tpu.memory_space<semaphore_mem>>
    %dma_wait3A_89 = tpu.memref_squeeze %dma_wait3A_88 : memref<1x!tpu.dma_semaphore, #tpu.memory_space<semaphore_mem>> -> memref<!tpu.dma_semaphore, #tpu.memory_space<semaphore_mem>>
    tpu.wait_indirect_dma semaphore(%dma_wait3A_89 : memref<!tpu.dma_semaphore, #tpu.memory_space<semaphore_mem>>) src(%dma_wait3A_87 : memref<10000x128xf32, #tpu.memory_space<hbm>>) dst(%dma_wait3A_82 : memref<80x128xf32, #tpu.memory_space<vmem>>)
    %run_scoped3A_90 = arith.constant 1 : i32
    %run_scoped3A_91 = arith.constant 123 : i32
    "tpu.region"() ({
      %run_scoped3A_130 = tpu.sem_alloc : memref<!tpu.dma_semaphore, #tpu.memory_space<semaphore_mem>>
      %dma_start3A_131 = arith.constant 0 : i32
      %dma_start3A_132 = arith.constant 0 : i32
      %dma_start3A_133 = tpu.memref_slice %arg9[%run_scoped3A_90, %dma_start3A_131, %dma_start3A_132] : memref<2x80x128xf32, #tpu.memory_space<vmem>> -> memref<1x80x128xf32, #tpu.memory_space<vmem>>
      %dma_start3A_134 = tpu.memref_squeeze %dma_start3A_133 : memref<1x80x128xf32, #tpu.memory_space<vmem>> -> memref<80x128xf32, #tpu.memory_space<vmem>>
      %dma_start3A_135 = arith.constant 0 : i32
      %dma_start3A_136 = tpu.memref_slice %arg8[%run_scoped3A_91, %dma_start3A_135] : memref<125x80xi32, #tpu.memory_space<vmem>> -> memref<1x80xi32, #tpu.memory_space<vmem>>
      %dma_start3A_137 = tpu.memref_squeeze %dma_start3A_136 : memref<1x80xi32, #tpu.memory_space<vmem>> -> memref<80xi32, #tpu.memory_space<vmem>>
      %dma_start3A_138 = arith.constant 0 : i32
      %dma_start3A_139 = arith.constant 0 : i32
      %dma_start3A_140 = tpu.memref_slice %arg10[%dma_start3A_138, %dma_start3A_139] : memref<10000x128xf32, #tpu.memory_space<vmem_shared>> -> memref<10000x128xf32, #tpu.memory_space<vmem_shared>>
      tpu.enqueue_indirect_dma source(%dma_start3A_134 : memref<80x128xf32, #tpu.memory_space<vmem>>) target(%dma_start3A_140 : memref<10000x128xf32, #tpu.memory_space<vmem_shared>>) offsets(%dma_start3A_137 : memref<80xi32, #tpu.memory_space<vmem>>) semaphore(%run_scoped3A_130 : memref<!tpu.dma_semaphore, #tpu.memory_space<semaphore_mem>>) {add = true}
      %dma_wait3A_141 = arith.constant 0 : i32
      %dma_wait3A_142 = arith.constant 0 : i32
      %dma_wait3A_143 = tpu.memref_slice %arg9[%run_scoped3A_90, %dma_wait3A_141, %dma_wait3A_142] : memref<2x80x128xf32, #tpu.memory_space<vmem>> -> memref<1x80x128xf32, #tpu.memory_space<vmem>>
      %dma_wait3A_144 = tpu.memref_squeeze %dma_wait3A_143 : memref<1x80x128xf32, #tpu.memory_space<vmem>> -> memref<80x128xf32, #tpu.memory_space<vmem>>
      %dma_wait3A_145 = arith.constant 0 : i32
      %dma_wait3A_146 = tpu.memref_slice %arg8[%run_scoped3A_91, %dma_wait3A_145] : memref<125x80xi32, #tpu.memory_space<vmem>> -> memref<1x80xi32, #tpu.memory_space<vmem>>
      %dma_wait3A_147 = tpu.memref_squeeze %dma_wait3A_146 : memref<1x80xi32, #tpu.memory_space<vmem>> -> memref<80xi32, #tpu.memory_space<vmem>>
      %dma_wait3A_148 = arith.constant 0 : i32
      %dma_wait3A_149 = arith.constant 0 : i32
      %dma_wait3A_150 = tpu.memref_slice %arg10[%dma_wait3A_148, %dma_wait3A_149] : memref<10000x128xf32, #tpu.memory_space<vmem_shared>> -> memref<10000x128xf32, #tpu.memory_space<vmem_shared>>
      tpu.wait_indirect_dma semaphore(%run_scoped3A_130 : memref<!tpu.dma_semaphore, #tpu.memory_space<semaphore_mem>>) src(%dma_wait3A_144 : memref<80x128xf32, #tpu.memory_space<vmem>>) dst(%dma_wait3A_150 : memref<10000x128xf32, #tpu.memory_space<vmem_shared>>)
      tpu.yield
    }) : () -> ()
    %dma_start3A_92 = arith.constant 0 : i32
    %dma_start3A_93 = arith.constant 0 : i32
    %dma_start3A_94 = arith.constant 0 : i32
    %dma_start3A_95 = arith.constant 0 : i32
    %dma_start3A_96 = tpu.memref_slice %arg9[%dma_start3A_92, %dma_start3A_94, %dma_start3A_95] : memref<2x80x128xf32, #tpu.memory_space<vmem>> -> memref<1x80x128xf32, #tpu.memory_space<vmem>>
    %dma_start3A_97 = tpu.memref_squeeze %dma_start3A_96 : memref<1x80x128xf32, #tpu.memory_space<vmem>> -> memref<80x128xf32, #tpu.memory_space<vmem>>
    %dma_start3A_98 = arith.constant 9920 : i32
    %dma_start3A_99 = tpu.memref_slice %arg7[%dma_start3A_98] : memref<10000xi32, #tpu.memory_space<vmem>> -> memref<80xi32, #tpu.memory_space<vmem>>
    %dma_start3A_100 = arith.constant 0 : i32
    %dma_start3A_101 = arith.constant 0 : i32
    %dma_start3A_102 = tpu.memref_slice %arg2[%dma_start3A_100, %dma_start3A_101] : memref<10000x128xf32, #tpu.memory_space<hbm>> -> memref<10000x128xf32, #tpu.memory_space<hbm>>
    %dma_start3A_103 = tpu.memref_slice %arg11[%dma_start3A_93] : memref<2x!tpu.dma_semaphore, #tpu.memory_space<semaphore_mem>> -> memref<1x!tpu.dma_semaphore, #tpu.memory_space<semaphore_mem>>
    %dma_start3A_104 = tpu.memref_squeeze %dma_start3A_103 : memref<1x!tpu.dma_semaphore, #tpu.memory_space<semaphore_mem>> -> memref<!tpu.dma_semaphore, #tpu.memory_space<semaphore_mem>>
    tpu.enqueue_indirect_dma source(%dma_start3A_102 : memref<10000x128xf32, #tpu.memory_space<hbm>>) target(%dma_start3A_97 : memref<80x128xf32, #tpu.memory_space<vmem>>) offsets(%dma_start3A_99 : memref<80xi32, #tpu.memory_space<vmem>>) semaphore(%dma_start3A_104 : memref<!tpu.dma_semaphore, #tpu.memory_space<semaphore_mem>>)
    %dma_wait3A_105 = arith.constant 0 : i32
    %dma_wait3A_106 = arith.constant 0 : i32
    %dma_wait3A_107 = arith.constant 0 : i32
    %dma_wait3A_108 = arith.constant 0 : i32
    %dma_wait3A_109 = tpu.memref_slice %arg9[%dma_wait3A_105, %dma_wait3A_107, %dma_wait3A_108] : memref<2x80x128xf32, #tpu.memory_space<vmem>> -> memref<1x80x128xf32, #tpu.memory_space<vmem>>
    %dma_wait3A_110 = tpu.memref_squeeze %dma_wait3A_109 : memref<1x80x128xf32, #tpu.memory_space<vmem>> -> memref<80x128xf32, #tpu.memory_space<vmem>>
    %dma_wait3A_111 = arith.constant 9920 : i32
    %dma_wait3A_112 = tpu.memref_slice %arg7[%dma_wait3A_111] : memref<10000xi32, #tpu.memory_space<vmem>> -> memref<80xi32, #tpu.memory_space<vmem>>
    %dma_wait3A_113 = arith.constant 0 : i32
    %dma_wait3A_114 = arith.constant 0 : i32
    %dma_wait3A_115 = tpu.memref_slice %arg2[%dma_wait3A_113, %dma_wait3A_114] : memref<10000x128xf32, #tpu.memory_space<hbm>> -> memref<10000x128xf32, #tpu.memory_space<hbm>>
    %dma_wait3A_116 = tpu.memref_slice %arg11[%dma_wait3A_106] : memref<2x!tpu.dma_semaphore, #tpu.memory_space<semaphore_mem>> -> memref<1x!tpu.dma_semaphore, #tpu.memory_space<semaphore_mem>>
    %dma_wait3A_117 = tpu.memref_squeeze %dma_wait3A_116 : memref<1x!tpu.dma_semaphore, #tpu.memory_space<semaphore_mem>> -> memref<!tpu.dma_semaphore, #tpu.memory_space<semaphore_mem>>
    tpu.wait_indirect_dma semaphore(%dma_wait3A_117 : memref<!tpu.dma_semaphore, #tpu.memory_space<semaphore_mem>>) src(%dma_wait3A_115 : memref<10000x128xf32, #tpu.memory_space<hbm>>) dst(%dma_wait3A_110 : memref<80x128xf32, #tpu.memory_space<vmem>>)
    %run_scoped3A_118 = arith.constant 0 : i32
    %run_scoped3A_119 = arith.constant 124 : i32
    "tpu.region"() ({
      %run_scoped3A_130 = tpu.sem_alloc : memref<!tpu.dma_semaphore, #tpu.memory_space<semaphore_mem>>
      %dma_start3A_131 = arith.constant 0 : i32
      %dma_start3A_132 = arith.constant 0 : i32
      %dma_start3A_133 = tpu.memref_slice %arg9[%run_scoped3A_118, %dma_start3A_131, %dma_start3A_132] : memref<2x80x128xf32, #tpu.memory_space<vmem>> -> memref<1x80x128xf32, #tpu.memory_space<vmem>>
      %dma_start3A_134 = tpu.memref_squeeze %dma_start3A_133 : memref<1x80x128xf32, #tpu.memory_space<vmem>> -> memref<80x128xf32, #tpu.memory_space<vmem>>
      %dma_start3A_135 = arith.constant 0 : i32
      %dma_start3A_136 = tpu.memref_slice %arg8[%run_scoped3A_119, %dma_start3A_135] : memref<125x80xi32, #tpu.memory_space<vmem>> -> memref<1x80xi32, #tpu.memory_space<vmem>>
      %dma_start3A_137 = tpu.memref_squeeze %dma_start3A_136 : memref<1x80xi32, #tpu.memory_space<vmem>> -> memref<80xi32, #tpu.memory_space<vmem>>
      %dma_start3A_138 = arith.constant 0 : i32
      %dma_start3A_139 = arith.constant 0 : i32
      %dma_start3A_140 = tpu.memref_slice %arg10[%dma_start3A_138, %dma_start3A_139] : memref<10000x128xf32, #tpu.memory_space<vmem_shared>> -> memref<10000x128xf32, #tpu.memory_space<vmem_shared>>
      tpu.enqueue_indirect_dma source(%dma_start3A_134 : memref<80x128xf32, #tpu.memory_space<vmem>>) target(%dma_start3A_140 : memref<10000x128xf32, #tpu.memory_space<vmem_shared>>) offsets(%dma_start3A_137 : memref<80xi32, #tpu.memory_space<vmem>>) semaphore(%run_scoped3A_130 : memref<!tpu.dma_semaphore, #tpu.memory_space<semaphore_mem>>) {add = true}
      %dma_wait3A_141 = arith.constant 0 : i32
      %dma_wait3A_142 = arith.constant 0 : i32
      %dma_wait3A_143 = tpu.memref_slice %arg9[%run_scoped3A_118, %dma_wait3A_141, %dma_wait3A_142] : memref<2x80x128xf32, #tpu.memory_space<vmem>> -> memref<1x80x128xf32, #tpu.memory_space<vmem>>
      %dma_wait3A_144 = tpu.memref_squeeze %dma_wait3A_143 : memref<1x80x128xf32, #tpu.memory_space<vmem>> -> memref<80x128xf32, #tpu.memory_space<vmem>>
      %dma_wait3A_145 = arith.constant 0 : i32
      %dma_wait3A_146 = tpu.memref_slice %arg8[%run_scoped3A_119, %dma_wait3A_145] : memref<125x80xi32, #tpu.memory_space<vmem>> -> memref<1x80xi32, #tpu.memory_space<vmem>>
      %dma_wait3A_147 = tpu.memref_squeeze %dma_wait3A_146 : memref<1x80xi32, #tpu.memory_space<vmem>> -> memref<80xi32, #tpu.memory_space<vmem>>
      %dma_wait3A_148 = arith.constant 0 : i32
      %dma_wait3A_149 = arith.constant 0 : i32
      %dma_wait3A_150 = tpu.memref_slice %arg10[%dma_wait3A_148, %dma_wait3A_149] : memref<10000x128xf32, #tpu.memory_space<vmem_shared>> -> memref<10000x128xf32, #tpu.memory_space<vmem_shared>>
      tpu.wait_indirect_dma semaphore(%run_scoped3A_130 : memref<!tpu.dma_semaphore, #tpu.memory_space<semaphore_mem>>) src(%dma_wait3A_144 : memref<80x128xf32, #tpu.memory_space<vmem>>) dst(%dma_wait3A_150 : memref<10000x128xf32, #tpu.memory_space<vmem_shared>>)
      tpu.yield
    }) : () -> ()
    %barrier3A_120 = arith.constant 0 : index
    tpu.barrier barrier_id(%barrier3A_120)
    %mul3A_121 = arith.constant 624 : i32
    %mul3A_122 = arith.muli %arg1, %mul3A_121 : i32
    %mul3A_123 = arith.constant 624 : i32
    %mul3A_124 = arith.muli %arg1, %mul3A_123 : i32
    "tpu.region"() ({
      %run_scoped3A_130 = tpu.sem_alloc : memref<!tpu.dma_semaphore, #tpu.memory_space<semaphore_mem>>
      %dma_start3A_131 = arith.constant 0 : i32
      %dma_start3A_132 = tpu.memref_slice %arg6[%arg0, %mul3A_124, %dma_start3A_131] : memref<2x10000x128xf32, #tpu.memory_space<hbm>> -> memref<1x624x128xf32, #tpu.memory_space<hbm>>
      %dma_start3A_133 = tpu.memref_squeeze %dma_start3A_132 : memref<1x624x128xf32, #tpu.memory_space<hbm>> -> memref<624x128xf32, #tpu.memory_space<hbm>>
      %dma_start3A_134 = arith.constant 0 : i32
      %dma_start3A_135 = tpu.memref_slice %arg10[%mul3A_122, %dma_start3A_134] : memref<10000x128xf32, #tpu.memory_space<vmem_shared>> -> memref<624x128xf32, #tpu.memory_space<vmem_shared>>
      tpu.enqueue_dma source(%dma_start3A_135 : memref<624x128xf32, #tpu.memory_space<vmem_shared>>) target(%dma_start3A_133 : memref<624x128xf32, #tpu.memory_space<hbm>>) target_semaphore(%run_scoped3A_130 : memref<!tpu.dma_semaphore, #tpu.memory_space<semaphore_mem>>)
      %dma_wait3A_136 = arith.constant 0 : i32
      %dma_wait3A_137 = tpu.memref_slice %arg6[%arg0, %mul3A_124, %dma_wait3A_136] : memref<2x10000x128xf32, #tpu.memory_space<hbm>> -> memref<1x624x128xf32, #tpu.memory_space<hbm>>
      %dma_wait3A_138 = tpu.memref_squeeze %dma_wait3A_137 : memref<1x624x128xf32, #tpu.memory_space<hbm>> -> memref<624x128xf32, #tpu.memory_space<hbm>>
      %dma_wait3A_139 = arith.constant 0 : i32
      %dma_wait3A_140 = tpu.memref_slice %arg10[%mul3A_122, %dma_wait3A_139] : memref<10000x128xf32, #tpu.memory_space<vmem_shared>> -> memref<624x128xf32, #tpu.memory_space<vmem_shared>>
      tpu.wait_dma2 semaphore(%run_scoped3A_130 : memref<!tpu.dma_semaphore, #tpu.memory_space<semaphore_mem>>) src(%dma_wait3A_140 : memref<624x128xf32, #tpu.memory_space<vmem_shared>>) dst(%dma_wait3A_138 : memref<624x128xf32, #tpu.memory_space<hbm>>)
      tpu.yield
    }) : () -> ()
    %eq3A_125 = arith.constant 0 : i32
    %eq3A_126 = arith.cmpi eq, %arg1, %eq3A_125 : i32
    %convert_element_type3A_127 = arith.extui %eq3A_126 : i1 to i32
    %cond3A_128 = arith.constant 0 : i32
    %cond3A_129 = arith.cmpi ne, %convert_element_type3A_127, %cond3A_128 : i32
    scf.if %cond3A_129 {
      "tpu.region"() ({
        %run_scoped3A_130 = tpu.sem_alloc : memref<!tpu.dma_semaphore, #tpu.memory_space<semaphore_mem>>
        %dma_start3A_131 = arith.constant 9984 : i32
        %dma_start3A_132 = arith.constant 0 : i32
        %dma_start3A_133 = tpu.memref_slice %arg6[%arg0, %dma_start3A_131, %dma_start3A_132] : memref<2x10000x128xf32, #tpu.memory_space<hbm>> -> memref<1x16x128xf32, #tpu.memory_space<hbm>>
        %dma_start3A_134 = tpu.memref_squeeze %dma_start3A_133 : memref<1x16x128xf32, #tpu.memory_space<hbm>> -> memref<16x128xf32, #tpu.memory_space<hbm>>
        %dma_start3A_135 = arith.constant 9984 : i32
        %dma_start3A_136 = arith.constant 0 : i32
        %dma_start3A_137 = tpu.memref_slice %arg10[%dma_start3A_135, %dma_start3A_136] : memref<10000x128xf32, #tpu.memory_space<vmem_shared>> -> memref<16x128xf32, #tpu.memory_space<vmem_shared>>
        tpu.enqueue_dma source(%dma_start3A_137 : memref<16x128xf32, #tpu.memory_space<vmem_shared>>) target(%dma_start3A_134 : memref<16x128xf32, #tpu.memory_space<hbm>>) target_semaphore(%run_scoped3A_130 : memref<!tpu.dma_semaphore, #tpu.memory_space<semaphore_mem>>)
        %dma_wait3A_138 = arith.constant 9984 : i32
        %dma_wait3A_139 = arith.constant 0 : i32
        %dma_wait3A_140 = tpu.memref_slice %arg6[%arg0, %dma_wait3A_138, %dma_wait3A_139] : memref<2x10000x128xf32, #tpu.memory_space<hbm>> -> memref<1x16x128xf32, #tpu.memory_space<hbm>>
        %dma_wait3A_141 = tpu.memref_squeeze %dma_wait3A_140 : memref<1x16x128xf32, #tpu.memory_space<hbm>> -> memref<16x128xf32, #tpu.memory_space<hbm>>
        %dma_wait3A_142 = arith.constant 9984 : i32
        %dma_wait3A_143 = arith.constant 0 : i32
        %dma_wait3A_144 = tpu.memref_slice %arg10[%dma_wait3A_142, %dma_wait3A_143] : memref<10000x128xf32, #tpu.memory_space<vmem_shared>> -> memref<16x128xf32, #tpu.memory_space<vmem_shared>>
        tpu.wait_dma2 semaphore(%run_scoped3A_130 : memref<!tpu.dma_semaphore, #tpu.memory_space<semaphore_mem>>) src(%dma_wait3A_144 : memref<16x128xf32, #tpu.memory_space<vmem_shared>>) dst(%dma_wait3A_141 : memref<16x128xf32, #tpu.memory_space<hbm>>)
        tpu.yield
      }) : () -> ()
    } else {
    }
    return
  }
}

#map = affine_map<(d0, d1) -> (0, 0)>
#map1 = affine_map<(d0, d1) -> (0, 0, 0)>
module attributes {stable_mosaic.version = 14 : i64} {
  func.func @_sc_aggregate(%arg0: i32, %arg1: i32, %arg2: memref<10000x128xf32, #tpu.memory_space<hbm>>, %arg3: memref<32x10000xi32, #tpu.memory_space<hbm>>, %arg4: memref<32x125x80xi32, #tpu.memory_space<hbm>>, %arg5: memref<624x128xf32, #tpu.memory_space<hbm>>, %arg6: memref<2x10000x128xf32, #tpu.memory_space<hbm>>, %arg7: memref<10000xi32, #tpu.memory_space<vmem>>, %arg8: memref<125x80xi32, #tpu.memory_space<vmem>>, %arg9: memref<2x80x128xf32, #tpu.memory_space<vmem>>, %arg10: memref<10000x128xf32, #tpu.memory_space<vmem_shared>>, %arg11: memref<2x!tpu.dma_semaphore, #tpu.memory_space<semaphore_mem>>, %arg12: memref<!tpu.dma_semaphore, #tpu.memory_space<semaphore_mem>>) attributes {dimension_semantics = [#tpu.dimension_semantics<core_parallel>, #tpu.dimension_semantics<subcore_parallel>], iteration_bounds = array<i64: 2, 16>, scalar_prefetch = 0 : i64, scratch_operands = 6 : i64, tpu.core_type = #tpu.core_type<sc_vector_subcore>, window_params = [{transform_indices = #map}, {transform_indices = #map}, {transform_indices = #map1}, {transform_indices = #map}, {transform_indices = #map1}]} {
    %mul3A = arith.constant 16 : i32
    %mul3A_0 = arith.muli %arg0, %mul3A : i32
    %add3A = arith.addi %mul3A_0, %arg1 : i32
    %dma_start3A = arith.constant 0 : i32
    %dma_start3A_1 = tpu.memref_slice %arg3[%add3A, %dma_start3A] : memref<32x10000xi32, #tpu.memory_space<hbm>> -> memref<1x10000xi32, #tpu.memory_space<hbm>>
    %dma_start3A_2 = tpu.memref_squeeze %dma_start3A_1 : memref<1x10000xi32, #tpu.memory_space<hbm>> -> memref<10000xi32, #tpu.memory_space<hbm>>
    %dma_start3A_3 = arith.constant 0 : i32
    %dma_start3A_4 = tpu.memref_slice %arg3[%add3A, %dma_start3A_3] : memref<32x10000xi32, #tpu.memory_space<hbm>> -> memref<1x10000xi32, #tpu.memory_space<hbm>>
    %dma_start3A_5 = tpu.memref_squeeze %dma_start3A_4 : memref<1x10000xi32, #tpu.memory_space<hbm>> -> memref<10000xi32, #tpu.memory_space<hbm>>
    tpu.enqueue_dma source(%dma_start3A_5 : memref<10000xi32, #tpu.memory_space<hbm>>) target(%arg7 : memref<10000xi32, #tpu.memory_space<vmem>>) target_semaphore(%arg12 : memref<!tpu.dma_semaphore, #tpu.memory_space<semaphore_mem>>)
    %dma_wait3A = arith.constant 0 : i32
    %dma_wait3A_6 = tpu.memref_slice %arg3[%add3A, %dma_wait3A] : memref<32x10000xi32, #tpu.memory_space<hbm>> -> memref<1x10000xi32, #tpu.memory_space<hbm>>
    %dma_wait3A_7 = tpu.memref_squeeze %dma_wait3A_6 : memref<1x10000xi32, #tpu.memory_space<hbm>> -> memref<10000xi32, #tpu.memory_space<hbm>>
    %dma_wait3A_8 = arith.constant 0 : i32
    %dma_wait3A_9 = tpu.memref_slice %arg3[%add3A, %dma_wait3A_8] : memref<32x10000xi32, #tpu.memory_space<hbm>> -> memref<1x10000xi32, #tpu.memory_space<hbm>>
    %dma_wait3A_10 = tpu.memref_squeeze %dma_wait3A_9 : memref<1x10000xi32, #tpu.memory_space<hbm>> -> memref<10000xi32, #tpu.memory_space<hbm>>
    tpu.wait_dma2 semaphore(%arg12 : memref<!tpu.dma_semaphore, #tpu.memory_space<semaphore_mem>>) src(%dma_wait3A_10 : memref<10000xi32, #tpu.memory_space<hbm>>) dst(%arg7 : memref<10000xi32, #tpu.memory_space<vmem>>)
    %dma_start3A_11 = arith.constant 0 : i32
    %dma_start3A_12 = arith.constant 0 : i32
    %dma_start3A_13 = arith.constant 0 : i32
    %dma_start3A_14 = arith.constant 0 : i32
    %dma_start3A_15 = tpu.memref_slice %arg9[%dma_start3A_11, %dma_start3A_13, %dma_start3A_14] : memref<2x80x128xf32, #tpu.memory_space<vmem>> -> memref<1x80x128xf32, #tpu.memory_space<vmem>>
    %dma_start3A_16 = tpu.memref_squeeze %dma_start3A_15 : memref<1x80x128xf32, #tpu.memory_space<vmem>> -> memref<80x128xf32, #tpu.memory_space<vmem>>
    %dma_start3A_17 = arith.constant 0 : i32
    %dma_start3A_18 = tpu.memref_slice %arg7[%dma_start3A_17] : memref<10000xi32, #tpu.memory_space<vmem>> -> memref<80xi32, #tpu.memory_space<vmem>>
    %dma_start3A_19 = arith.constant 0 : i32
    %dma_start3A_20 = arith.constant 0 : i32
    %dma_start3A_21 = tpu.memref_slice %arg2[%dma_start3A_19, %dma_start3A_20] : memref<10000x128xf32, #tpu.memory_space<hbm>> -> memref<10000x128xf32, #tpu.memory_space<hbm>>
    %dma_start3A_22 = tpu.memref_slice %arg11[%dma_start3A_12] : memref<2x!tpu.dma_semaphore, #tpu.memory_space<semaphore_mem>> -> memref<1x!tpu.dma_semaphore, #tpu.memory_space<semaphore_mem>>
    %dma_start3A_23 = tpu.memref_squeeze %dma_start3A_22 : memref<1x!tpu.dma_semaphore, #tpu.memory_space<semaphore_mem>> -> memref<!tpu.dma_semaphore, #tpu.memory_space<semaphore_mem>>
    tpu.enqueue_indirect_dma source(%dma_start3A_21 : memref<10000x128xf32, #tpu.memory_space<hbm>>) target(%dma_start3A_16 : memref<80x128xf32, #tpu.memory_space<vmem>>) offsets(%dma_start3A_18 : memref<80xi32, #tpu.memory_space<vmem>>) semaphore(%dma_start3A_23 : memref<!tpu.dma_semaphore, #tpu.memory_space<semaphore_mem>>)
    %dma_start3A_24 = arith.constant 1 : i32
    %dma_start3A_25 = arith.constant 1 : i32
    %dma_start3A_26 = arith.constant 0 : i32
    %dma_start3A_27 = arith.constant 0 : i32
    %dma_start3A_28 = tpu.memref_slice %arg9[%dma_start3A_24, %dma_start3A_26, %dma_start3A_27] : memref<2x80x128xf32, #tpu.memory_space<vmem>> -> memref<1x80x128xf32, #tpu.memory_space<vmem>>
    %dma_start3A_29 = tpu.memref_squeeze %dma_start3A_28 : memref<1x80x128xf32, #tpu.memory_space<vmem>> -> memref<80x128xf32, #tpu.memory_space<vmem>>
    %dma_start3A_30 = arith.constant 80 : i32
    %dma_start3A_31 = tpu.memref_slice %arg7[%dma_start3A_30] : memref<10000xi32, #tpu.memory_space<vmem>> -> memref<80xi32, #tpu.memory_space<vmem>>
    %dma_start3A_32 = arith.constant 0 : i32
    %dma_start3A_33 = arith.constant 0 : i32
    %dma_start3A_34 = tpu.memref_slice %arg2[%dma_start3A_32, %dma_start3A_33] : memref<10000x128xf32, #tpu.memory_space<hbm>> -> memref<10000x128xf32, #tpu.memory_space<hbm>>
    %dma_start3A_35 = tpu.memref_slice %arg11[%dma_start3A_25] : memref<2x!tpu.dma_semaphore, #tpu.memory_space<semaphore_mem>> -> memref<1x!tpu.dma_semaphore, #tpu.memory_space<semaphore_mem>>
    %dma_start3A_36 = tpu.memref_squeeze %dma_start3A_35 : memref<1x!tpu.dma_semaphore, #tpu.memory_space<semaphore_mem>> -> memref<!tpu.dma_semaphore, #tpu.memory_space<semaphore_mem>>
    tpu.enqueue_indirect_dma source(%dma_start3A_34 : memref<10000x128xf32, #tpu.memory_space<hbm>>) target(%dma_start3A_29 : memref<80x128xf32, #tpu.memory_space<vmem>>) offsets(%dma_start3A_31 : memref<80xi32, #tpu.memory_space<vmem>>) semaphore(%dma_start3A_36 : memref<!tpu.dma_semaphore, #tpu.memory_space<semaphore_mem>>)
    %dma_start3A_37 = arith.constant 0 : i32
    %dma_start3A_38 = arith.constant 0 : i32
    %dma_start3A_39 = tpu.memref_slice %arg4[%add3A, %dma_start3A_37, %dma_start3A_38] : memref<32x125x80xi32, #tpu.memory_space<hbm>> -> memref<1x125x80xi32, #tpu.memory_space<hbm>>
    %dma_start3A_40 = tpu.memref_squeeze %dma_start3A_39 : memref<1x125x80xi32, #tpu.memory_space<hbm>> -> memref<125x80xi32, #tpu.memory_space<hbm>>
    %dma_start3A_41 = arith.constant 0 : i32
    %dma_start3A_42 = arith.constant 0 : i32
    %dma_start3A_43 = tpu.memref_slice %arg4[%add3A, %dma_start3A_41, %dma_start3A_42] : memref<32x125x80xi32, #tpu.memory_space<hbm>> -> memref<1x125x80xi32, #tpu.memory_space<hbm>>
    %dma_start3A_44 = tpu.memref_squeeze %dma_start3A_43 : memref<1x125x80xi32, #tpu.memory_space<hbm>> -> memref<125x80xi32, #tpu.memory_space<hbm>>
    tpu.enqueue_dma source(%dma_start3A_44 : memref<125x80xi32, #tpu.memory_space<hbm>>) target(%arg8 : memref<125x80xi32, #tpu.memory_space<vmem>>) target_semaphore(%arg12 : memref<!tpu.dma_semaphore, #tpu.memory_space<semaphore_mem>>)
    %mul3A_45 = arith.constant 624 : i32
    %mul3A_46 = arith.muli %arg1, %mul3A_45 : i32
    "tpu.region"() ({
      %run_scoped3A_130 = tpu.sem_alloc : memref<!tpu.dma_semaphore, #tpu.memory_space<semaphore_mem>>
      %dma_start3A_131 = arith.constant 0 : i32
      %dma_start3A_132 = tpu.memref_slice %arg10[%mul3A_46, %dma_start3A_131] : memref<10000x128xf32, #tpu.memory_space<vmem_shared>> -> memref<624x128xf32, #tpu.memory_space<vmem_shared>>
      tpu.enqueue_dma source(%arg5 : memref<624x128xf32, #tpu.memory_space<hbm>>) target(%dma_start3A_132 : memref<624x128xf32, #tpu.memory_space<vmem_shared>>) target_semaphore(%run_scoped3A_130 : memref<!tpu.dma_semaphore, #tpu.memory_space<semaphore_mem>>)
      %dma_wait3A_133 = arith.constant 0 : i32
      %dma_wait3A_134 = tpu.memref_slice %arg10[%mul3A_46, %dma_wait3A_133] : memref<10000x128xf32, #tpu.memory_space<vmem_shared>> -> memref<624x128xf32, #tpu.memory_space<vmem_shared>>
      tpu.wait_dma2 semaphore(%run_scoped3A_130 : memref<!tpu.dma_semaphore, #tpu.memory_space<semaphore_mem>>) src(%arg5 : memref<624x128xf32, #tpu.memory_space<hbm>>) dst(%dma_wait3A_134 : memref<624x128xf32, #tpu.memory_space<vmem_shared>>)
      tpu.yield
    }) : () -> ()
    %eq3A = arith.constant 0 : i32
    %eq3A_47 = arith.cmpi eq, %arg1, %eq3A : i32
    %convert_element_type3A = arith.extui %eq3A_47 : i1 to i32
    %cond3A = arith.constant 0 : i32
    %cond3A_48 = arith.cmpi ne, %convert_element_type3A, %cond3A : i32
    scf.if %cond3A_48 {
      "tpu.region"() ({
        %run_scoped3A_130 = tpu.sem_alloc : memref<!tpu.dma_semaphore, #tpu.memory_space<semaphore_mem>>
        %dma_start3A_131 = arith.constant 9984 : i32
        %dma_start3A_132 = arith.constant 0 : i32
        %dma_start3A_133 = tpu.memref_slice %arg10[%dma_start3A_131, %dma_start3A_132] : memref<10000x128xf32, #tpu.memory_space<vmem_shared>> -> memref<16x128xf32, #tpu.memory_space<vmem_shared>>
        %dma_start3A_134 = arith.constant 0 : i32
        %dma_start3A_135 = arith.constant 0 : i32
        %dma_start3A_136 = tpu.memref_slice %arg5[%dma_start3A_134, %dma_start3A_135] : memref<624x128xf32, #tpu.memory_space<hbm>> -> memref<16x128xf32, #tpu.memory_space<hbm>>
        tpu.enqueue_dma source(%dma_start3A_136 : memref<16x128xf32, #tpu.memory_space<hbm>>) target(%dma_start3A_133 : memref<16x128xf32, #tpu.memory_space<vmem_shared>>) target_semaphore(%run_scoped3A_130 : memref<!tpu.dma_semaphore, #tpu.memory_space<semaphore_mem>>)
        %dma_wait3A_137 = arith.constant 9984 : i32
        %dma_wait3A_138 = arith.constant 0 : i32
        %dma_wait3A_139 = tpu.memref_slice %arg10[%dma_wait3A_137, %dma_wait3A_138] : memref<10000x128xf32, #tpu.memory_space<vmem_shared>> -> memref<16x128xf32, #tpu.memory_space<vmem_shared>>
        %dma_wait3A_140 = arith.constant 0 : i32
        %dma_wait3A_141 = arith.constant 0 : i32
        %dma_wait3A_142 = tpu.memref_slice %arg5[%dma_wait3A_140, %dma_wait3A_141] : memref<624x128xf32, #tpu.memory_space<hbm>> -> memref<16x128xf32, #tpu.memory_space<hbm>>
        tpu.wait_dma2 semaphore(%run_scoped3A_130 : memref<!tpu.dma_semaphore, #tpu.memory_space<semaphore_mem>>) src(%dma_wait3A_142 : memref<16x128xf32, #tpu.memory_space<hbm>>) dst(%dma_wait3A_139 : memref<16x128xf32, #tpu.memory_space<vmem_shared>>)
        tpu.yield
      }) : () -> ()
    } else {
    }
    %dma_wait3A_49 = arith.constant 0 : i32
    %dma_wait3A_50 = arith.constant 0 : i32
    %dma_wait3A_51 = tpu.memref_slice %arg4[%add3A, %dma_wait3A_49, %dma_wait3A_50] : memref<32x125x80xi32, #tpu.memory_space<hbm>> -> memref<1x125x80xi32, #tpu.memory_space<hbm>>
    %dma_wait3A_52 = tpu.memref_squeeze %dma_wait3A_51 : memref<1x125x80xi32, #tpu.memory_space<hbm>> -> memref<125x80xi32, #tpu.memory_space<hbm>>
    %dma_wait3A_53 = arith.constant 0 : i32
    %dma_wait3A_54 = arith.constant 0 : i32
    %dma_wait3A_55 = tpu.memref_slice %arg4[%add3A, %dma_wait3A_53, %dma_wait3A_54] : memref<32x125x80xi32, #tpu.memory_space<hbm>> -> memref<1x125x80xi32, #tpu.memory_space<hbm>>
    %dma_wait3A_56 = tpu.memref_squeeze %dma_wait3A_55 : memref<1x125x80xi32, #tpu.memory_space<hbm>> -> memref<125x80xi32, #tpu.memory_space<hbm>>
    tpu.wait_dma2 semaphore(%arg12 : memref<!tpu.dma_semaphore, #tpu.memory_space<semaphore_mem>>) src(%dma_wait3A_56 : memref<125x80xi32, #tpu.memory_space<hbm>>) dst(%arg8 : memref<125x80xi32, #tpu.memory_space<vmem>>)
    %barrier3A = arith.constant 0 : index
    tpu.barrier barrier_id(%barrier3A)
    %scan3A = arith.constant 0 : i32
    %scan3A_57 = arith.constant 0 : i32
    %scan3A_58 = arith.constant 61 : i32
    %scan3A_59 = arith.addi %scan3A_57, %scan3A_58 : i32
    %scan3A_60 = arith.constant 1 : i32
    %scan3A_61 = scf.for %scan3A_130 = %scan3A_57 to %scan3A_59 step %scan3A_60 iter_args(%scan3A_131 = %scan3A) -> (i32)  : i32 {
      %mul3A_132 = arith.constant 2 : i32
      %mul3A_133 = arith.muli %scan3A_130, %mul3A_132 : i32
      %add3A_134 = arith.constant 0 : i32
      %add3A_135 = arith.addi %mul3A_133, %add3A_134 : i32
      %mul3A_136 = arith.constant 80 : i32
      %mul3A_137 = arith.muli %add3A_135, %mul3A_136 : i32
      %dma_wait3A_138 = arith.constant 0 : i32
      %dma_wait3A_139 = arith.constant 0 : i32
      %dma_wait3A_140 = arith.constant 0 : i32
      %dma_wait3A_141 = arith.constant 0 : i32
      %dma_wait3A_142 = tpu.memref_slice %arg9[%dma_wait3A_138, %dma_wait3A_140, %dma_wait3A_141] : memref<2x80x128xf32, #tpu.memory_space<vmem>> -> memref<1x80x128xf32, #tpu.memory_space<vmem>>
      %dma_wait3A_143 = tpu.memref_squeeze %dma_wait3A_142 : memref<1x80x128xf32, #tpu.memory_space<vmem>> -> memref<80x128xf32, #tpu.memory_space<vmem>>
      %dma_wait3A_144 = tpu.memref_slice %arg7[%mul3A_137] : memref<10000xi32, #tpu.memory_space<vmem>> -> memref<80xi32, #tpu.memory_space<vmem>>
      %dma_wait3A_145 = arith.constant 0 : i32
      %dma_wait3A_146 = arith.constant 0 : i32
      %dma_wait3A_147 = tpu.memref_slice %arg2[%dma_wait3A_145, %dma_wait3A_146] : memref<10000x128xf32, #tpu.memory_space<hbm>> -> memref<10000x128xf32, #tpu.memory_space<hbm>>
      %dma_wait3A_148 = tpu.memref_slice %arg11[%dma_wait3A_139] : memref<2x!tpu.dma_semaphore, #tpu.memory_space<semaphore_mem>> -> memref<1x!tpu.dma_semaphore, #tpu.memory_space<semaphore_mem>>
      %dma_wait3A_149 = tpu.memref_squeeze %dma_wait3A_148 : memref<1x!tpu.dma_semaphore, #tpu.memory_space<semaphore_mem>> -> memref<!tpu.dma_semaphore, #tpu.memory_space<semaphore_mem>>
      tpu.wait_indirect_dma semaphore(%dma_wait3A_149 : memref<!tpu.dma_semaphore, #tpu.memory_space<semaphore_mem>>) src(%dma_wait3A_147 : memref<10000x128xf32, #tpu.memory_space<hbm>>) dst(%dma_wait3A_143 : memref<80x128xf32, #tpu.memory_space<vmem>>)
      %run_scoped3A_150 = arith.constant 0 : i32
      "tpu.region"() ({
        %run_scoped3A_201 = tpu.sem_alloc : memref<!tpu.dma_semaphore, #tpu.memory_space<semaphore_mem>>
        %dma_start3A_202 = arith.constant 0 : i32
        %dma_start3A_203 = arith.constant 0 : i32
        %dma_start3A_204 = tpu.memref_slice %arg9[%run_scoped3A_150, %dma_start3A_202, %dma_start3A_203] : memref<2x80x128xf32, #tpu.memory_space<vmem>> -> memref<1x80x128xf32, #tpu.memory_space<vmem>>
        %dma_start3A_205 = tpu.memref_squeeze %dma_start3A_204 : memref<1x80x128xf32, #tpu.memory_space<vmem>> -> memref<80x128xf32, #tpu.memory_space<vmem>>
        %dma_start3A_206 = arith.constant 0 : i32
        %dma_start3A_207 = tpu.memref_slice %arg8[%add3A_135, %dma_start3A_206] : memref<125x80xi32, #tpu.memory_space<vmem>> -> memref<1x80xi32, #tpu.memory_space<vmem>>
        %dma_start3A_208 = tpu.memref_squeeze %dma_start3A_207 : memref<1x80xi32, #tpu.memory_space<vmem>> -> memref<80xi32, #tpu.memory_space<vmem>>
        %dma_start3A_209 = arith.constant 0 : i32
        %dma_start3A_210 = arith.constant 0 : i32
        %dma_start3A_211 = tpu.memref_slice %arg10[%dma_start3A_209, %dma_start3A_210] : memref<10000x128xf32, #tpu.memory_space<vmem_shared>> -> memref<10000x128xf32, #tpu.memory_space<vmem_shared>>
        tpu.enqueue_indirect_dma source(%dma_start3A_205 : memref<80x128xf32, #tpu.memory_space<vmem>>) target(%dma_start3A_211 : memref<10000x128xf32, #tpu.memory_space<vmem_shared>>) offsets(%dma_start3A_208 : memref<80xi32, #tpu.memory_space<vmem>>) semaphore(%run_scoped3A_201 : memref<!tpu.dma_semaphore, #tpu.memory_space<semaphore_mem>>) {add = true}
        %dma_wait3A_212 = arith.constant 0 : i32
        %dma_wait3A_213 = arith.constant 0 : i32
        %dma_wait3A_214 = tpu.memref_slice %arg9[%run_scoped3A_150, %dma_wait3A_212, %dma_wait3A_213] : memref<2x80x128xf32, #tpu.memory_space<vmem>> -> memref<1x80x128xf32, #tpu.memory_space<vmem>>
        %dma_wait3A_215 = tpu.memref_squeeze %dma_wait3A_214 : memref<1x80x128xf32, #tpu.memory_space<vmem>> -> memref<80x128xf32, #tpu.memory_space<vmem>>
        %dma_wait3A_216 = arith.constant 0 : i32
        %dma_wait3A_217 = tpu.memref_slice %arg8[%add3A_135, %dma_wait3A_216] : memref<125x80xi32, #tpu.memory_space<vmem>> -> memref<1x80xi32, #tpu.memory_space<vmem>>
        %dma_wait3A_218 = tpu.memref_squeeze %dma_wait3A_217 : memref<1x80xi32, #tpu.memory_space<vmem>> -> memref<80xi32, #tpu.memory_space<vmem>>
        %dma_wait3A_219 = arith.constant 0 : i32
        %dma_wait3A_220 = arith.constant 0 : i32
        %dma_wait3A_221 = tpu.memref_slice %arg10[%dma_wait3A_219, %dma_wait3A_220] : memref<10000x128xf32, #tpu.memory_space<vmem_shared>> -> memref<10000x128xf32, #tpu.memory_space<vmem_shared>>
        tpu.wait_indirect_dma semaphore(%run_scoped3A_201 : memref<!tpu.dma_semaphore, #tpu.memory_space<semaphore_mem>>) src(%dma_wait3A_215 : memref<80x128xf32, #tpu.memory_space<vmem>>) dst(%dma_wait3A_221 : memref<10000x128xf32, #tpu.memory_space<vmem_shared>>)
        tpu.yield
      }) : () -> ()
      %add3A_151 = arith.constant 2 : i32
      %add3A_152 = arith.addi %add3A_135, %add3A_151 : i32
      %mul3A_153 = arith.constant 80 : i32
      %mul3A_154 = arith.muli %add3A_152, %mul3A_153 : i32
      %dma_start3A_155 = arith.constant 0 : i32
      %dma_start3A_156 = arith.constant 0 : i32
      %dma_start3A_157 = arith.constant 0 : i32
      %dma_start3A_158 = arith.constant 0 : i32
      %dma_start3A_159 = tpu.memref_slice %arg9[%dma_start3A_155, %dma_start3A_157, %dma_start3A_158] : memref<2x80x128xf32, #tpu.memory_space<vmem>> -> memref<1x80x128xf32, #tpu.memory_space<vmem>>
      %dma_start3A_160 = tpu.memref_squeeze %dma_start3A_159 : memref<1x80x128xf32, #tpu.memory_space<vmem>> -> memref<80x128xf32, #tpu.memory_space<vmem>>
      %dma_start3A_161 = tpu.memref_slice %arg7[%mul3A_154] : memref<10000xi32, #tpu.memory_space<vmem>> -> memref<80xi32, #tpu.memory_space<vmem>>
      %dma_start3A_162 = arith.constant 0 : i32
      %dma_start3A_163 = arith.constant 0 : i32
      %dma_start3A_164 = tpu.memref_slice %arg2[%dma_start3A_162, %dma_start3A_163] : memref<10000x128xf32, #tpu.memory_space<hbm>> -> memref<10000x128xf32, #tpu.memory_space<hbm>>
      %dma_start3A_165 = tpu.memref_slice %arg11[%dma_start3A_156] : memref<2x!tpu.dma_semaphore, #tpu.memory_space<semaphore_mem>> -> memref<1x!tpu.dma_semaphore, #tpu.memory_space<semaphore_mem>>
      %dma_start3A_166 = tpu.memref_squeeze %dma_start3A_165 : memref<1x!tpu.dma_semaphore, #tpu.memory_space<semaphore_mem>> -> memref<!tpu.dma_semaphore, #tpu.memory_space<semaphore_mem>>
      tpu.enqueue_indirect_dma source(%dma_start3A_164 : memref<10000x128xf32, #tpu.memory_space<hbm>>) target(%dma_start3A_160 : memref<80x128xf32, #tpu.memory_space<vmem>>) offsets(%dma_start3A_161 : memref<80xi32, #tpu.memory_space<vmem>>) semaphore(%dma_start3A_166 : memref<!tpu.dma_semaphore, #tpu.memory_space<semaphore_mem>>)
      %add3A_167 = arith.constant 1 : i32
      %add3A_168 = arith.addi %mul3A_133, %add3A_167 : i32
      %mul3A_169 = arith.constant 80 : i32
      %mul3A_170 = arith.muli %add3A_168, %mul3A_169 : i32
      %dma_wait3A_171 = arith.constant 1 : i32
      %dma_wait3A_172 = arith.constant 1 : i32
      %dma_wait3A_173 = arith.constant 0 : i32
      %dma_wait3A_174 = arith.constant 0 : i32
      %dma_wait3A_175 = tpu.memref_slice %arg9[%dma_wait3A_171, %dma_wait3A_173, %dma_wait3A_174] : memref<2x80x128xf32, #tpu.memory_space<vmem>> -> memref<1x80x128xf32, #tpu.memory_space<vmem>>
      %dma_wait3A_176 = tpu.memref_squeeze %dma_wait3A_175 : memref<1x80x128xf32, #tpu.memory_space<vmem>> -> memref<80x128xf32, #tpu.memory_space<vmem>>
      %dma_wait3A_177 = tpu.memref_slice %arg7[%mul3A_170] : memref<10000xi32, #tpu.memory_space<vmem>> -> memref<80xi32, #tpu.memory_space<vmem>>
      %dma_wait3A_178 = arith.constant 0 : i32
      %dma_wait3A_179 = arith.constant 0 : i32
      %dma_wait3A_180 = tpu.memref_slice %arg2[%dma_wait3A_178, %dma_wait3A_179] : memref<10000x128xf32, #tpu.memory_space<hbm>> -> memref<10000x128xf32, #tpu.memory_space<hbm>>
      %dma_wait3A_181 = tpu.memref_slice %arg11[%dma_wait3A_172] : memref<2x!tpu.dma_semaphore, #tpu.memory_space<semaphore_mem>> -> memref<1x!tpu.dma_semaphore, #tpu.memory_space<semaphore_mem>>
      %dma_wait3A_182 = tpu.memref_squeeze %dma_wait3A_181 : memref<1x!tpu.dma_semaphore, #tpu.memory_space<semaphore_mem>> -> memref<!tpu.dma_semaphore, #tpu.memory_space<semaphore_mem>>
      tpu.wait_indirect_dma semaphore(%dma_wait3A_182 : memref<!tpu.dma_semaphore, #tpu.memory_space<semaphore_mem>>) src(%dma_wait3A_180 : memref<10000x128xf32, #tpu.memory_space<hbm>>) dst(%dma_wait3A_176 : memref<80x128xf32, #tpu.memory_space<vmem>>)
      %run_scoped3A_183 = arith.constant 1 : i32
      "tpu.region"() ({
        %run_scoped3A_201 = tpu.sem_alloc : memref<!tpu.dma_semaphore, #tpu.memory_space<semaphore_mem>>
        %dma_start3A_202 = arith.constant 0 : i32
        %dma_start3A_203 = arith.constant 0 : i32
        %dma_start3A_204 = tpu.memref_slice %arg9[%run_scoped3A_183, %dma_start3A_202, %dma_start3A_203] : memref<2x80x128xf32, #tpu.memory_space<vmem>> -> memref<1x80x128xf32, #tpu.memory_space<vmem>>
        %dma_start3A_205 = tpu.memref_squeeze %dma_start3A_204 : memref<1x80x128xf32, #tpu.memory_space<vmem>> -> memref<80x128xf32, #tpu.memory_space<vmem>>
        %dma_start3A_206 = arith.constant 0 : i32
        %dma_start3A_207 = tpu.memref_slice %arg8[%add3A_168, %dma_start3A_206] : memref<125x80xi32, #tpu.memory_space<vmem>> -> memref<1x80xi32, #tpu.memory_space<vmem>>
        %dma_start3A_208 = tpu.memref_squeeze %dma_start3A_207 : memref<1x80xi32, #tpu.memory_space<vmem>> -> memref<80xi32, #tpu.memory_space<vmem>>
        %dma_start3A_209 = arith.constant 0 : i32
        %dma_start3A_210 = arith.constant 0 : i32
        %dma_start3A_211 = tpu.memref_slice %arg10[%dma_start3A_209, %dma_start3A_210] : memref<10000x128xf32, #tpu.memory_space<vmem_shared>> -> memref<10000x128xf32, #tpu.memory_space<vmem_shared>>
        tpu.enqueue_indirect_dma source(%dma_start3A_205 : memref<80x128xf32, #tpu.memory_space<vmem>>) target(%dma_start3A_211 : memref<10000x128xf32, #tpu.memory_space<vmem_shared>>) offsets(%dma_start3A_208 : memref<80xi32, #tpu.memory_space<vmem>>) semaphore(%run_scoped3A_201 : memref<!tpu.dma_semaphore, #tpu.memory_space<semaphore_mem>>) {add = true}
        %dma_wait3A_212 = arith.constant 0 : i32
        %dma_wait3A_213 = arith.constant 0 : i32
        %dma_wait3A_214 = tpu.memref_slice %arg9[%run_scoped3A_183, %dma_wait3A_212, %dma_wait3A_213] : memref<2x80x128xf32, #tpu.memory_space<vmem>> -> memref<1x80x128xf32, #tpu.memory_space<vmem>>
        %dma_wait3A_215 = tpu.memref_squeeze %dma_wait3A_214 : memref<1x80x128xf32, #tpu.memory_space<vmem>> -> memref<80x128xf32, #tpu.memory_space<vmem>>
        %dma_wait3A_216 = arith.constant 0 : i32
        %dma_wait3A_217 = tpu.memref_slice %arg8[%add3A_168, %dma_wait3A_216] : memref<125x80xi32, #tpu.memory_space<vmem>> -> memref<1x80xi32, #tpu.memory_space<vmem>>
        %dma_wait3A_218 = tpu.memref_squeeze %dma_wait3A_217 : memref<1x80xi32, #tpu.memory_space<vmem>> -> memref<80xi32, #tpu.memory_space<vmem>>
        %dma_wait3A_219 = arith.constant 0 : i32
        %dma_wait3A_220 = arith.constant 0 : i32
        %dma_wait3A_221 = tpu.memref_slice %arg10[%dma_wait3A_219, %dma_wait3A_220] : memref<10000x128xf32, #tpu.memory_space<vmem_shared>> -> memref<10000x128xf32, #tpu.memory_space<vmem_shared>>
        tpu.wait_indirect_dma semaphore(%run_scoped3A_201 : memref<!tpu.dma_semaphore, #tpu.memory_space<semaphore_mem>>) src(%dma_wait3A_215 : memref<80x128xf32, #tpu.memory_space<vmem>>) dst(%dma_wait3A_221 : memref<10000x128xf32, #tpu.memory_space<vmem_shared>>)
        tpu.yield
      }) : () -> ()
      %add3A_184 = arith.constant 2 : i32
      %add3A_185 = arith.addi %add3A_168, %add3A_184 : i32
      %mul3A_186 = arith.constant 80 : i32
      %mul3A_187 = arith.muli %add3A_185, %mul3A_186 : i32
      %dma_start3A_188 = arith.constant 1 : i32
      %dma_start3A_189 = arith.constant 1 : i32
      %dma_start3A_190 = arith.constant 0 : i32
      %dma_start3A_191 = arith.constant 0 : i32
      %dma_start3A_192 = tpu.memref_slice %arg9[%dma_start3A_188, %dma_start3A_190, %dma_start3A_191] : memref<2x80x128xf32, #tpu.memory_space<vmem>> -> memref<1x80x128xf32, #tpu.memory_space<vmem>>
      %dma_start3A_193 = tpu.memref_squeeze %dma_start3A_192 : memref<1x80x128xf32, #tpu.memory_space<vmem>> -> memref<80x128xf32, #tpu.memory_space<vmem>>
      %dma_start3A_194 = tpu.memref_slice %arg7[%mul3A_187] : memref<10000xi32, #tpu.memory_space<vmem>> -> memref<80xi32, #tpu.memory_space<vmem>>
      %dma_start3A_195 = arith.constant 0 : i32
      %dma_start3A_196 = arith.constant 0 : i32
      %dma_start3A_197 = tpu.memref_slice %arg2[%dma_start3A_195, %dma_start3A_196] : memref<10000x128xf32, #tpu.memory_space<hbm>> -> memref<10000x128xf32, #tpu.memory_space<hbm>>
      %dma_start3A_198 = tpu.memref_slice %arg11[%dma_start3A_189] : memref<2x!tpu.dma_semaphore, #tpu.memory_space<semaphore_mem>> -> memref<1x!tpu.dma_semaphore, #tpu.memory_space<semaphore_mem>>
      %dma_start3A_199 = tpu.memref_squeeze %dma_start3A_198 : memref<1x!tpu.dma_semaphore, #tpu.memory_space<semaphore_mem>> -> memref<!tpu.dma_semaphore, #tpu.memory_space<semaphore_mem>>
      tpu.enqueue_indirect_dma source(%dma_start3A_197 : memref<10000x128xf32, #tpu.memory_space<hbm>>) target(%dma_start3A_193 : memref<80x128xf32, #tpu.memory_space<vmem>>) offsets(%dma_start3A_194 : memref<80xi32, #tpu.memory_space<vmem>>) semaphore(%dma_start3A_199 : memref<!tpu.dma_semaphore, #tpu.memory_space<semaphore_mem>>)
      %scan3A_200 = arith.constant 0 : i32
      scf.yield %scan3A_200 : i32
    }
    %scan3A_62 = arith.constant 61 : i32
    %dma_wait3A_63 = arith.constant 0 : i32
    %dma_wait3A_64 = arith.constant 0 : i32
    %dma_wait3A_65 = arith.constant 0 : i32
    %dma_wait3A_66 = arith.constant 0 : i32
    %dma_wait3A_67 = tpu.memref_slice %arg9[%dma_wait3A_63, %dma_wait3A_65, %dma_wait3A_66] : memref<2x80x128xf32, #tpu.memory_space<vmem>> -> memref<1x80x128xf32, #tpu.memory_space<vmem>>
    %dma_wait3A_68 = tpu.memref_squeeze %dma_wait3A_67 : memref<1x80x128xf32, #tpu.memory_space<vmem>> -> memref<80x128xf32, #tpu.memory_space<vmem>>
    %dma_wait3A_69 = arith.constant 9760 : i32
    %dma_wait3A_70 = tpu.memref_slice %arg7[%dma_wait3A_69] : memref<10000xi32, #tpu.memory_space<vmem>> -> memref<80xi32, #tpu.memory_space<vmem>>
    %dma_wait3A_71 = arith.constant 0 : i32
    %dma_wait3A_72 = arith.constant 0 : i32
    %dma_wait3A_73 = tpu.memref_slice %arg2[%dma_wait3A_71, %dma_wait3A_72] : memref<10000x128xf32, #tpu.memory_space<hbm>> -> memref<10000x128xf32, #tpu.memory_space<hbm>>
    %dma_wait3A_74 = tpu.memref_slice %arg11[%dma_wait3A_64] : memref<2x!tpu.dma_semaphore, #tpu.memory_space<semaphore_mem>> -> memref<1x!tpu.dma_semaphore, #tpu.memory_space<semaphore_mem>>
    %dma_wait3A_75 = tpu.memref_squeeze %dma_wait3A_74 : memref<1x!tpu.dma_semaphore, #tpu.memory_space<semaphore_mem>> -> memref<!tpu.dma_semaphore, #tpu.memory_space<semaphore_mem>>
    tpu.wait_indirect_dma semaphore(%dma_wait3A_75 : memref<!tpu.dma_semaphore, #tpu.memory_space<semaphore_mem>>) src(%dma_wait3A_73 : memref<10000x128xf32, #tpu.memory_space<hbm>>) dst(%dma_wait3A_68 : memref<80x128xf32, #tpu.memory_space<vmem>>)
    %run_scoped3A = arith.constant 0 : i32
    %run_scoped3A_76 = arith.constant 122 : i32
    "tpu.region"() ({
      %run_scoped3A_130 = tpu.sem_alloc : memref<!tpu.dma_semaphore, #tpu.memory_space<semaphore_mem>>
      %dma_start3A_131 = arith.constant 0 : i32
      %dma_start3A_132 = arith.constant 0 : i32
      %dma_start3A_133 = tpu.memref_slice %arg9[%run_scoped3A, %dma_start3A_131, %dma_start3A_132] : memref<2x80x128xf32, #tpu.memory_space<vmem>> -> memref<1x80x128xf32, #tpu.memory_space<vmem>>
      %dma_start3A_134 = tpu.memref_squeeze %dma_start3A_133 : memref<1x80x128xf32, #tpu.memory_space<vmem>> -> memref<80x128xf32, #tpu.memory_space<vmem>>
      %dma_start3A_135 = arith.constant 0 : i32
      %dma_start3A_136 = tpu.memref_slice %arg8[%run_scoped3A_76, %dma_start3A_135] : memref<125x80xi32, #tpu.memory_space<vmem>> -> memref<1x80xi32, #tpu.memory_space<vmem>>
      %dma_start3A_137 = tpu.memref_squeeze %dma_start3A_136 : memref<1x80xi32, #tpu.memory_space<vmem>> -> memref<80xi32, #tpu.memory_space<vmem>>
      %dma_start3A_138 = arith.constant 0 : i32
      %dma_start3A_139 = arith.constant 0 : i32
      %dma_start3A_140 = tpu.memref_slice %arg10[%dma_start3A_138, %dma_start3A_139] : memref<10000x128xf32, #tpu.memory_space<vmem_shared>> -> memref<10000x128xf32, #tpu.memory_space<vmem_shared>>
      tpu.enqueue_indirect_dma source(%dma_start3A_134 : memref<80x128xf32, #tpu.memory_space<vmem>>) target(%dma_start3A_140 : memref<10000x128xf32, #tpu.memory_space<vmem_shared>>) offsets(%dma_start3A_137 : memref<80xi32, #tpu.memory_space<vmem>>) semaphore(%run_scoped3A_130 : memref<!tpu.dma_semaphore, #tpu.memory_space<semaphore_mem>>) {add = true}
      %dma_wait3A_141 = arith.constant 0 : i32
      %dma_wait3A_142 = arith.constant 0 : i32
      %dma_wait3A_143 = tpu.memref_slice %arg9[%run_scoped3A, %dma_wait3A_141, %dma_wait3A_142] : memref<2x80x128xf32, #tpu.memory_space<vmem>> -> memref<1x80x128xf32, #tpu.memory_space<vmem>>
      %dma_wait3A_144 = tpu.memref_squeeze %dma_wait3A_143 : memref<1x80x128xf32, #tpu.memory_space<vmem>> -> memref<80x128xf32, #tpu.memory_space<vmem>>
      %dma_wait3A_145 = arith.constant 0 : i32
      %dma_wait3A_146 = tpu.memref_slice %arg8[%run_scoped3A_76, %dma_wait3A_145] : memref<125x80xi32, #tpu.memory_space<vmem>> -> memref<1x80xi32, #tpu.memory_space<vmem>>
      %dma_wait3A_147 = tpu.memref_squeeze %dma_wait3A_146 : memref<1x80xi32, #tpu.memory_space<vmem>> -> memref<80xi32, #tpu.memory_space<vmem>>
      %dma_wait3A_148 = arith.constant 0 : i32
      %dma_wait3A_149 = arith.constant 0 : i32
      %dma_wait3A_150 = tpu.memref_slice %arg10[%dma_wait3A_148, %dma_wait3A_149] : memref<10000x128xf32, #tpu.memory_space<vmem_shared>> -> memref<10000x128xf32, #tpu.memory_space<vmem_shared>>
      tpu.wait_indirect_dma semaphore(%run_scoped3A_130 : memref<!tpu.dma_semaphore, #tpu.memory_space<semaphore_mem>>) src(%dma_wait3A_144 : memref<80x128xf32, #tpu.memory_space<vmem>>) dst(%dma_wait3A_150 : memref<10000x128xf32, #tpu.memory_space<vmem_shared>>)
      tpu.yield
    }) : () -> ()
    %dma_wait3A_77 = arith.constant 1 : i32
    %dma_wait3A_78 = arith.constant 1 : i32
    %dma_wait3A_79 = arith.constant 0 : i32
    %dma_wait3A_80 = arith.constant 0 : i32
    %dma_wait3A_81 = tpu.memref_slice %arg9[%dma_wait3A_77, %dma_wait3A_79, %dma_wait3A_80] : memref<2x80x128xf32, #tpu.memory_space<vmem>> -> memref<1x80x128xf32, #tpu.memory_space<vmem>>
    %dma_wait3A_82 = tpu.memref_squeeze %dma_wait3A_81 : memref<1x80x128xf32, #tpu.memory_space<vmem>> -> memref<80x128xf32, #tpu.memory_space<vmem>>
    %dma_wait3A_83 = arith.constant 9840 : i32
    %dma_wait3A_84 = tpu.memref_slice %arg7[%dma_wait3A_83] : memref<10000xi32, #tpu.memory_space<vmem>> -> memref<80xi32, #tpu.memory_space<vmem>>
    %dma_wait3A_85 = arith.constant 0 : i32
    %dma_wait3A_86 = arith.constant 0 : i32
    %dma_wait3A_87 = tpu.memref_slice %arg2[%dma_wait3A_85, %dma_wait3A_86] : memref<10000x128xf32, #tpu.memory_space<hbm>> -> memref<10000x128xf32, #tpu.memory_space<hbm>>
    %dma_wait3A_88 = tpu.memref_slice %arg11[%dma_wait3A_78] : memref<2x!tpu.dma_semaphore, #tpu.memory_space<semaphore_mem>> -> memref<1x!tpu.dma_semaphore, #tpu.memory_space<semaphore_mem>>
    %dma_wait3A_89 = tpu.memref_squeeze %dma_wait3A_88 : memref<1x!tpu.dma_semaphore, #tpu.memory_space<semaphore_mem>> -> memref<!tpu.dma_semaphore, #tpu.memory_space<semaphore_mem>>
    tpu.wait_indirect_dma semaphore(%dma_wait3A_89 : memref<!tpu.dma_semaphore, #tpu.memory_space<semaphore_mem>>) src(%dma_wait3A_87 : memref<10000x128xf32, #tpu.memory_space<hbm>>) dst(%dma_wait3A_82 : memref<80x128xf32, #tpu.memory_space<vmem>>)
    %run_scoped3A_90 = arith.constant 1 : i32
    %run_scoped3A_91 = arith.constant 123 : i32
    "tpu.region"() ({
      %run_scoped3A_130 = tpu.sem_alloc : memref<!tpu.dma_semaphore, #tpu.memory_space<semaphore_mem>>
      %dma_start3A_131 = arith.constant 0 : i32
      %dma_start3A_132 = arith.constant 0 : i32
      %dma_start3A_133 = tpu.memref_slice %arg9[%run_scoped3A_90, %dma_start3A_131, %dma_start3A_132] : memref<2x80x128xf32, #tpu.memory_space<vmem>> -> memref<1x80x128xf32, #tpu.memory_space<vmem>>
      %dma_start3A_134 = tpu.memref_squeeze %dma_start3A_133 : memref<1x80x128xf32, #tpu.memory_space<vmem>> -> memref<80x128xf32, #tpu.memory_space<vmem>>
      %dma_start3A_135 = arith.constant 0 : i32
      %dma_start3A_136 = tpu.memref_slice %arg8[%run_scoped3A_91, %dma_start3A_135] : memref<125x80xi32, #tpu.memory_space<vmem>> -> memref<1x80xi32, #tpu.memory_space<vmem>>
      %dma_start3A_137 = tpu.memref_squeeze %dma_start3A_136 : memref<1x80xi32, #tpu.memory_space<vmem>> -> memref<80xi32, #tpu.memory_space<vmem>>
      %dma_start3A_138 = arith.constant 0 : i32
      %dma_start3A_139 = arith.constant 0 : i32
      %dma_start3A_140 = tpu.memref_slice %arg10[%dma_start3A_138, %dma_start3A_139] : memref<10000x128xf32, #tpu.memory_space<vmem_shared>> -> memref<10000x128xf32, #tpu.memory_space<vmem_shared>>
      tpu.enqueue_indirect_dma source(%dma_start3A_134 : memref<80x128xf32, #tpu.memory_space<vmem>>) target(%dma_start3A_140 : memref<10000x128xf32, #tpu.memory_space<vmem_shared>>) offsets(%dma_start3A_137 : memref<80xi32, #tpu.memory_space<vmem>>) semaphore(%run_scoped3A_130 : memref<!tpu.dma_semaphore, #tpu.memory_space<semaphore_mem>>) {add = true}
      %dma_wait3A_141 = arith.constant 0 : i32
      %dma_wait3A_142 = arith.constant 0 : i32
      %dma_wait3A_143 = tpu.memref_slice %arg9[%run_scoped3A_90, %dma_wait3A_141, %dma_wait3A_142] : memref<2x80x128xf32, #tpu.memory_space<vmem>> -> memref<1x80x128xf32, #tpu.memory_space<vmem>>
      %dma_wait3A_144 = tpu.memref_squeeze %dma_wait3A_143 : memref<1x80x128xf32, #tpu.memory_space<vmem>> -> memref<80x128xf32, #tpu.memory_space<vmem>>
      %dma_wait3A_145 = arith.constant 0 : i32
      %dma_wait3A_146 = tpu.memref_slice %arg8[%run_scoped3A_91, %dma_wait3A_145] : memref<125x80xi32, #tpu.memory_space<vmem>> -> memref<1x80xi32, #tpu.memory_space<vmem>>
      %dma_wait3A_147 = tpu.memref_squeeze %dma_wait3A_146 : memref<1x80xi32, #tpu.memory_space<vmem>> -> memref<80xi32, #tpu.memory_space<vmem>>
      %dma_wait3A_148 = arith.constant 0 : i32
      %dma_wait3A_149 = arith.constant 0 : i32
      %dma_wait3A_150 = tpu.memref_slice %arg10[%dma_wait3A_148, %dma_wait3A_149] : memref<10000x128xf32, #tpu.memory_space<vmem_shared>> -> memref<10000x128xf32, #tpu.memory_space<vmem_shared>>
      tpu.wait_indirect_dma semaphore(%run_scoped3A_130 : memref<!tpu.dma_semaphore, #tpu.memory_space<semaphore_mem>>) src(%dma_wait3A_144 : memref<80x128xf32, #tpu.memory_space<vmem>>) dst(%dma_wait3A_150 : memref<10000x128xf32, #tpu.memory_space<vmem_shared>>)
      tpu.yield
    }) : () -> ()
    %dma_start3A_92 = arith.constant 0 : i32
    %dma_start3A_93 = arith.constant 0 : i32
    %dma_start3A_94 = arith.constant 0 : i32
    %dma_start3A_95 = arith.constant 0 : i32
    %dma_start3A_96 = tpu.memref_slice %arg9[%dma_start3A_92, %dma_start3A_94, %dma_start3A_95] : memref<2x80x128xf32, #tpu.memory_space<vmem>> -> memref<1x80x128xf32, #tpu.memory_space<vmem>>
    %dma_start3A_97 = tpu.memref_squeeze %dma_start3A_96 : memref<1x80x128xf32, #tpu.memory_space<vmem>> -> memref<80x128xf32, #tpu.memory_space<vmem>>
    %dma_start3A_98 = arith.constant 9920 : i32
    %dma_start3A_99 = tpu.memref_slice %arg7[%dma_start3A_98] : memref<10000xi32, #tpu.memory_space<vmem>> -> memref<80xi32, #tpu.memory_space<vmem>>
    %dma_start3A_100 = arith.constant 0 : i32
    %dma_start3A_101 = arith.constant 0 : i32
    %dma_start3A_102 = tpu.memref_slice %arg2[%dma_start3A_100, %dma_start3A_101] : memref<10000x128xf32, #tpu.memory_space<hbm>> -> memref<10000x128xf32, #tpu.memory_space<hbm>>
    %dma_start3A_103 = tpu.memref_slice %arg11[%dma_start3A_93] : memref<2x!tpu.dma_semaphore, #tpu.memory_space<semaphore_mem>> -> memref<1x!tpu.dma_semaphore, #tpu.memory_space<semaphore_mem>>
    %dma_start3A_104 = tpu.memref_squeeze %dma_start3A_103 : memref<1x!tpu.dma_semaphore, #tpu.memory_space<semaphore_mem>> -> memref<!tpu.dma_semaphore, #tpu.memory_space<semaphore_mem>>
    tpu.enqueue_indirect_dma source(%dma_start3A_102 : memref<10000x128xf32, #tpu.memory_space<hbm>>) target(%dma_start3A_97 : memref<80x128xf32, #tpu.memory_space<vmem>>) offsets(%dma_start3A_99 : memref<80xi32, #tpu.memory_space<vmem>>) semaphore(%dma_start3A_104 : memref<!tpu.dma_semaphore, #tpu.memory_space<semaphore_mem>>)
    %dma_wait3A_105 = arith.constant 0 : i32
    %dma_wait3A_106 = arith.constant 0 : i32
    %dma_wait3A_107 = arith.constant 0 : i32
    %dma_wait3A_108 = arith.constant 0 : i32
    %dma_wait3A_109 = tpu.memref_slice %arg9[%dma_wait3A_105, %dma_wait3A_107, %dma_wait3A_108] : memref<2x80x128xf32, #tpu.memory_space<vmem>> -> memref<1x80x128xf32, #tpu.memory_space<vmem>>
    %dma_wait3A_110 = tpu.memref_squeeze %dma_wait3A_109 : memref<1x80x128xf32, #tpu.memory_space<vmem>> -> memref<80x128xf32, #tpu.memory_space<vmem>>
    %dma_wait3A_111 = arith.constant 9920 : i32
    %dma_wait3A_112 = tpu.memref_slice %arg7[%dma_wait3A_111] : memref<10000xi32, #tpu.memory_space<vmem>> -> memref<80xi32, #tpu.memory_space<vmem>>
    %dma_wait3A_113 = arith.constant 0 : i32
    %dma_wait3A_114 = arith.constant 0 : i32
    %dma_wait3A_115 = tpu.memref_slice %arg2[%dma_wait3A_113, %dma_wait3A_114] : memref<10000x128xf32, #tpu.memory_space<hbm>> -> memref<10000x128xf32, #tpu.memory_space<hbm>>
    %dma_wait3A_116 = tpu.memref_slice %arg11[%dma_wait3A_106] : memref<2x!tpu.dma_semaphore, #tpu.memory_space<semaphore_mem>> -> memref<1x!tpu.dma_semaphore, #tpu.memory_space<semaphore_mem>>
    %dma_wait3A_117 = tpu.memref_squeeze %dma_wait3A_116 : memref<1x!tpu.dma_semaphore, #tpu.memory_space<semaphore_mem>> -> memref<!tpu.dma_semaphore, #tpu.memory_space<semaphore_mem>>
    tpu.wait_indirect_dma semaphore(%dma_wait3A_117 : memref<!tpu.dma_semaphore, #tpu.memory_space<semaphore_mem>>) src(%dma_wait3A_115 : memref<10000x128xf32, #tpu.memory_space<hbm>>) dst(%dma_wait3A_110 : memref<80x128xf32, #tpu.memory_space<vmem>>)
    %run_scoped3A_118 = arith.constant 0 : i32
    %run_scoped3A_119 = arith.constant 124 : i32
    "tpu.region"() ({
      %run_scoped3A_130 = tpu.sem_alloc : memref<!tpu.dma_semaphore, #tpu.memory_space<semaphore_mem>>
      %dma_start3A_131 = arith.constant 0 : i32
      %dma_start3A_132 = arith.constant 0 : i32
      %dma_start3A_133 = tpu.memref_slice %arg9[%run_scoped3A_118, %dma_start3A_131, %dma_start3A_132] : memref<2x80x128xf32, #tpu.memory_space<vmem>> -> memref<1x80x128xf32, #tpu.memory_space<vmem>>
      %dma_start3A_134 = tpu.memref_squeeze %dma_start3A_133 : memref<1x80x128xf32, #tpu.memory_space<vmem>> -> memref<80x128xf32, #tpu.memory_space<vmem>>
      %dma_start3A_135 = arith.constant 0 : i32
      %dma_start3A_136 = tpu.memref_slice %arg8[%run_scoped3A_119, %dma_start3A_135] : memref<125x80xi32, #tpu.memory_space<vmem>> -> memref<1x80xi32, #tpu.memory_space<vmem>>
      %dma_start3A_137 = tpu.memref_squeeze %dma_start3A_136 : memref<1x80xi32, #tpu.memory_space<vmem>> -> memref<80xi32, #tpu.memory_space<vmem>>
      %dma_start3A_138 = arith.constant 0 : i32
      %dma_start3A_139 = arith.constant 0 : i32
      %dma_start3A_140 = tpu.memref_slice %arg10[%dma_start3A_138, %dma_start3A_139] : memref<10000x128xf32, #tpu.memory_space<vmem_shared>> -> memref<10000x128xf32, #tpu.memory_space<vmem_shared>>
      tpu.enqueue_indirect_dma source(%dma_start3A_134 : memref<80x128xf32, #tpu.memory_space<vmem>>) target(%dma_start3A_140 : memref<10000x128xf32, #tpu.memory_space<vmem_shared>>) offsets(%dma_start3A_137 : memref<80xi32, #tpu.memory_space<vmem>>) semaphore(%run_scoped3A_130 : memref<!tpu.dma_semaphore, #tpu.memory_space<semaphore_mem>>) {add = true}
      %dma_wait3A_141 = arith.constant 0 : i32
      %dma_wait3A_142 = arith.constant 0 : i32
      %dma_wait3A_143 = tpu.memref_slice %arg9[%run_scoped3A_118, %dma_wait3A_141, %dma_wait3A_142] : memref<2x80x128xf32, #tpu.memory_space<vmem>> -> memref<1x80x128xf32, #tpu.memory_space<vmem>>
      %dma_wait3A_144 = tpu.memref_squeeze %dma_wait3A_143 : memref<1x80x128xf32, #tpu.memory_space<vmem>> -> memref<80x128xf32, #tpu.memory_space<vmem>>
      %dma_wait3A_145 = arith.constant 0 : i32
      %dma_wait3A_146 = tpu.memref_slice %arg8[%run_scoped3A_119, %dma_wait3A_145] : memref<125x80xi32, #tpu.memory_space<vmem>> -> memref<1x80xi32, #tpu.memory_space<vmem>>
      %dma_wait3A_147 = tpu.memref_squeeze %dma_wait3A_146 : memref<1x80xi32, #tpu.memory_space<vmem>> -> memref<80xi32, #tpu.memory_space<vmem>>
      %dma_wait3A_148 = arith.constant 0 : i32
      %dma_wait3A_149 = arith.constant 0 : i32
      %dma_wait3A_150 = tpu.memref_slice %arg10[%dma_wait3A_148, %dma_wait3A_149] : memref<10000x128xf32, #tpu.memory_space<vmem_shared>> -> memref<10000x128xf32, #tpu.memory_space<vmem_shared>>
      tpu.wait_indirect_dma semaphore(%run_scoped3A_130 : memref<!tpu.dma_semaphore, #tpu.memory_space<semaphore_mem>>) src(%dma_wait3A_144 : memref<80x128xf32, #tpu.memory_space<vmem>>) dst(%dma_wait3A_150 : memref<10000x128xf32, #tpu.memory_space<vmem_shared>>)
      tpu.yield
    }) : () -> ()
    %barrier3A_120 = arith.constant 0 : index
    tpu.barrier barrier_id(%barrier3A_120)
    %mul3A_121 = arith.constant 624 : i32
    %mul3A_122 = arith.muli %arg1, %mul3A_121 : i32
    %mul3A_123 = arith.constant 624 : i32
    %mul3A_124 = arith.muli %arg1, %mul3A_123 : i32
    "tpu.region"() ({
      %run_scoped3A_130 = tpu.sem_alloc : memref<!tpu.dma_semaphore, #tpu.memory_space<semaphore_mem>>
      %dma_start3A_131 = arith.constant 0 : i32
      %dma_start3A_132 = tpu.memref_slice %arg6[%arg0, %mul3A_124, %dma_start3A_131] : memref<2x10000x128xf32, #tpu.memory_space<hbm>> -> memref<1x624x128xf32, #tpu.memory_space<hbm>>
      %dma_start3A_133 = tpu.memref_squeeze %dma_start3A_132 : memref<1x624x128xf32, #tpu.memory_space<hbm>> -> memref<624x128xf32, #tpu.memory_space<hbm>>
      %dma_start3A_134 = arith.constant 0 : i32
      %dma_start3A_135 = tpu.memref_slice %arg10[%mul3A_122, %dma_start3A_134] : memref<10000x128xf32, #tpu.memory_space<vmem_shared>> -> memref<624x128xf32, #tpu.memory_space<vmem_shared>>
      tpu.enqueue_dma source(%dma_start3A_135 : memref<624x128xf32, #tpu.memory_space<vmem_shared>>) target(%dma_start3A_133 : memref<624x128xf32, #tpu.memory_space<hbm>>) target_semaphore(%run_scoped3A_130 : memref<!tpu.dma_semaphore, #tpu.memory_space<semaphore_mem>>)
      %dma_wait3A_136 = arith.constant 0 : i32
      %dma_wait3A_137 = tpu.memref_slice %arg6[%arg0, %mul3A_124, %dma_wait3A_136] : memref<2x10000x128xf32, #tpu.memory_space<hbm>> -> memref<1x624x128xf32, #tpu.memory_space<hbm>>
      %dma_wait3A_138 = tpu.memref_squeeze %dma_wait3A_137 : memref<1x624x128xf32, #tpu.memory_space<hbm>> -> memref<624x128xf32, #tpu.memory_space<hbm>>
      %dma_wait3A_139 = arith.constant 0 : i32
      %dma_wait3A_140 = tpu.memref_slice %arg10[%mul3A_122, %dma_wait3A_139] : memref<10000x128xf32, #tpu.memory_space<vmem_shared>> -> memref<624x128xf32, #tpu.memory_space<vmem_shared>>
      tpu.wait_dma2 semaphore(%run_scoped3A_130 : memref<!tpu.dma_semaphore, #tpu.memory_space<semaphore_mem>>) src(%dma_wait3A_140 : memref<624x128xf32, #tpu.memory_space<vmem_shared>>) dst(%dma_wait3A_138 : memref<624x128xf32, #tpu.memory_space<hbm>>)
      tpu.yield
    }) : () -> ()
    %eq3A_125 = arith.constant 0 : i32
    %eq3A_126 = arith.cmpi eq, %arg1, %eq3A_125 : i32
    %convert_element_type3A_127 = arith.extui %eq3A_126 : i1 to i32
    %cond3A_128 = arith.constant 0 : i32
    %cond3A_129 = arith.cmpi ne, %convert_element_type3A_127, %cond3A_128 : i32
    scf.if %cond3A_129 {
      "tpu.region"() ({
        %run_scoped3A_130 = tpu.sem_alloc : memref<!tpu.dma_semaphore, #tpu.memory_space<semaphore_mem>>
        %dma_start3A_131 = arith.constant 9984 : i32
        %dma_start3A_132 = arith.constant 0 : i32
        %dma_start3A_133 = tpu.memref_slice %arg6[%arg0, %dma_start3A_131, %dma_start3A_132] : memref<2x10000x128xf32, #tpu.memory_space<hbm>> -> memref<1x16x128xf32, #tpu.memory_space<hbm>>
        %dma_start3A_134 = tpu.memref_squeeze %dma_start3A_133 : memref<1x16x128xf32, #tpu.memory_space<hbm>> -> memref<16x128xf32, #tpu.memory_space<hbm>>
        %dma_start3A_135 = arith.constant 9984 : i32
        %dma_start3A_136 = arith.constant 0 : i32
        %dma_start3A_137 = tpu.memref_slice %arg10[%dma_start3A_135, %dma_start3A_136] : memref<10000x128xf32, #tpu.memory_space<vmem_shared>> -> memref<16x128xf32, #tpu.memory_space<vmem_shared>>
        tpu.enqueue_dma source(%dma_start3A_137 : memref<16x128xf32, #tpu.memory_space<vmem_shared>>) target(%dma_start3A_134 : memref<16x128xf32, #tpu.memory_space<hbm>>) target_semaphore(%run_scoped3A_130 : memref<!tpu.dma_semaphore, #tpu.memory_space<semaphore_mem>>)
        %dma_wait3A_138 = arith.constant 9984 : i32
        %dma_wait3A_139 = arith.constant 0 : i32
        %dma_wait3A_140 = tpu.memref_slice %arg6[%arg0, %dma_wait3A_138, %dma_wait3A_139] : memref<2x10000x128xf32, #tpu.memory_space<hbm>> -> memref<1x16x128xf32, #tpu.memory_space<hbm>>
        %dma_wait3A_141 = tpu.memref_squeeze %dma_wait3A_140 : memref<1x16x128xf32, #tpu.memory_space<hbm>> -> memref<16x128xf32, #tpu.memory_space<hbm>>
        %dma_wait3A_142 = arith.constant 9984 : i32
        %dma_wait3A_143 = arith.constant 0 : i32
        %dma_wait3A_144 = tpu.memref_slice %arg10[%dma_wait3A_142, %dma_wait3A_143] : memref<10000x128xf32, #tpu.memory_space<vmem_shared>> -> memref<16x128xf32, #tpu.memory_space<vmem_shared>>
        tpu.wait_dma2 semaphore(%run_scoped3A_130 : memref<!tpu.dma_semaphore, #tpu.memory_space<semaphore_mem>>) src(%dma_wait3A_144 : memref<16x128xf32, #tpu.memory_space<vmem_shared>>) dst(%dma_wait3A_141 : memref<16x128xf32, #tpu.memory_space<hbm>>)
        tpu.yield
      }) : () -> ()
    } else {
    }
    return
  }
}

#map = affine_map<(d0, d1) -> (0, 0)>
#map1 = affine_map<(d0, d1) -> (0, 0, 0)>
module attributes {stable_mosaic.version = 14 : i64} {
  func.func @_sc_aggregate(%arg0: i32, %arg1: i32, %arg2: memref<10000x128xf32, #tpu.memory_space<hbm>>, %arg3: memref<32x10000xi32, #tpu.memory_space<hbm>>, %arg4: memref<32x125x80xi32, #tpu.memory_space<hbm>>, %arg5: memref<624x128xf32, #tpu.memory_space<hbm>>, %arg6: memref<2x10000x128xf32, #tpu.memory_space<hbm>>, %arg7: memref<10000xi32, #tpu.memory_space<vmem>>, %arg8: memref<125x80xi32, #tpu.memory_space<vmem>>, %arg9: memref<2x80x128xf32, #tpu.memory_space<vmem>>, %arg10: memref<10000x128xf32, #tpu.memory_space<vmem_shared>>, %arg11: memref<2x!tpu.dma_semaphore, #tpu.memory_space<semaphore_mem>>, %arg12: memref<!tpu.dma_semaphore, #tpu.memory_space<semaphore_mem>>) attributes {dimension_semantics = [#tpu.dimension_semantics<core_parallel>, #tpu.dimension_semantics<subcore_parallel>], iteration_bounds = array<i64: 2, 16>, scalar_prefetch = 0 : i64, scratch_operands = 6 : i64, tpu.core_type = #tpu.core_type<sc_vector_subcore>, window_params = [{transform_indices = #map}, {transform_indices = #map}, {transform_indices = #map1}, {transform_indices = #map}, {transform_indices = #map1}]} {
    %mul3A = arith.constant 16 : i32
    %mul3A_0 = arith.muli %arg0, %mul3A : i32
    %add3A = arith.addi %mul3A_0, %arg1 : i32
    %dma_start3A = arith.constant 0 : i32
    %dma_start3A_1 = tpu.memref_slice %arg3[%add3A, %dma_start3A] : memref<32x10000xi32, #tpu.memory_space<hbm>> -> memref<1x10000xi32, #tpu.memory_space<hbm>>
    %dma_start3A_2 = tpu.memref_squeeze %dma_start3A_1 : memref<1x10000xi32, #tpu.memory_space<hbm>> -> memref<10000xi32, #tpu.memory_space<hbm>>
    %dma_start3A_3 = arith.constant 0 : i32
    %dma_start3A_4 = tpu.memref_slice %arg3[%add3A, %dma_start3A_3] : memref<32x10000xi32, #tpu.memory_space<hbm>> -> memref<1x10000xi32, #tpu.memory_space<hbm>>
    %dma_start3A_5 = tpu.memref_squeeze %dma_start3A_4 : memref<1x10000xi32, #tpu.memory_space<hbm>> -> memref<10000xi32, #tpu.memory_space<hbm>>
    tpu.enqueue_dma source(%dma_start3A_5 : memref<10000xi32, #tpu.memory_space<hbm>>) target(%arg7 : memref<10000xi32, #tpu.memory_space<vmem>>) target_semaphore(%arg12 : memref<!tpu.dma_semaphore, #tpu.memory_space<semaphore_mem>>)
    %dma_wait3A = arith.constant 0 : i32
    %dma_wait3A_6 = tpu.memref_slice %arg3[%add3A, %dma_wait3A] : memref<32x10000xi32, #tpu.memory_space<hbm>> -> memref<1x10000xi32, #tpu.memory_space<hbm>>
    %dma_wait3A_7 = tpu.memref_squeeze %dma_wait3A_6 : memref<1x10000xi32, #tpu.memory_space<hbm>> -> memref<10000xi32, #tpu.memory_space<hbm>>
    %dma_wait3A_8 = arith.constant 0 : i32
    %dma_wait3A_9 = tpu.memref_slice %arg3[%add3A, %dma_wait3A_8] : memref<32x10000xi32, #tpu.memory_space<hbm>> -> memref<1x10000xi32, #tpu.memory_space<hbm>>
    %dma_wait3A_10 = tpu.memref_squeeze %dma_wait3A_9 : memref<1x10000xi32, #tpu.memory_space<hbm>> -> memref<10000xi32, #tpu.memory_space<hbm>>
    tpu.wait_dma2 semaphore(%arg12 : memref<!tpu.dma_semaphore, #tpu.memory_space<semaphore_mem>>) src(%dma_wait3A_10 : memref<10000xi32, #tpu.memory_space<hbm>>) dst(%arg7 : memref<10000xi32, #tpu.memory_space<vmem>>)
    %dma_start3A_11 = arith.constant 0 : i32
    %dma_start3A_12 = arith.constant 0 : i32
    %dma_start3A_13 = arith.constant 0 : i32
    %dma_start3A_14 = arith.constant 0 : i32
    %dma_start3A_15 = tpu.memref_slice %arg9[%dma_start3A_11, %dma_start3A_13, %dma_start3A_14] : memref<2x80x128xf32, #tpu.memory_space<vmem>> -> memref<1x80x128xf32, #tpu.memory_space<vmem>>
    %dma_start3A_16 = tpu.memref_squeeze %dma_start3A_15 : memref<1x80x128xf32, #tpu.memory_space<vmem>> -> memref<80x128xf32, #tpu.memory_space<vmem>>
    %dma_start3A_17 = arith.constant 0 : i32
    %dma_start3A_18 = tpu.memref_slice %arg7[%dma_start3A_17] : memref<10000xi32, #tpu.memory_space<vmem>> -> memref<80xi32, #tpu.memory_space<vmem>>
    %dma_start3A_19 = arith.constant 0 : i32
    %dma_start3A_20 = arith.constant 0 : i32
    %dma_start3A_21 = tpu.memref_slice %arg2[%dma_start3A_19, %dma_start3A_20] : memref<10000x128xf32, #tpu.memory_space<hbm>> -> memref<10000x128xf32, #tpu.memory_space<hbm>>
    %dma_start3A_22 = tpu.memref_slice %arg11[%dma_start3A_12] : memref<2x!tpu.dma_semaphore, #tpu.memory_space<semaphore_mem>> -> memref<1x!tpu.dma_semaphore, #tpu.memory_space<semaphore_mem>>
    %dma_start3A_23 = tpu.memref_squeeze %dma_start3A_22 : memref<1x!tpu.dma_semaphore, #tpu.memory_space<semaphore_mem>> -> memref<!tpu.dma_semaphore, #tpu.memory_space<semaphore_mem>>
    tpu.enqueue_indirect_dma source(%dma_start3A_21 : memref<10000x128xf32, #tpu.memory_space<hbm>>) target(%dma_start3A_16 : memref<80x128xf32, #tpu.memory_space<vmem>>) offsets(%dma_start3A_18 : memref<80xi32, #tpu.memory_space<vmem>>) semaphore(%dma_start3A_23 : memref<!tpu.dma_semaphore, #tpu.memory_space<semaphore_mem>>)
    %dma_start3A_24 = arith.constant 1 : i32
    %dma_start3A_25 = arith.constant 1 : i32
    %dma_start3A_26 = arith.constant 0 : i32
    %dma_start3A_27 = arith.constant 0 : i32
    %dma_start3A_28 = tpu.memref_slice %arg9[%dma_start3A_24, %dma_start3A_26, %dma_start3A_27] : memref<2x80x128xf32, #tpu.memory_space<vmem>> -> memref<1x80x128xf32, #tpu.memory_space<vmem>>
    %dma_start3A_29 = tpu.memref_squeeze %dma_start3A_28 : memref<1x80x128xf32, #tpu.memory_space<vmem>> -> memref<80x128xf32, #tpu.memory_space<vmem>>
    %dma_start3A_30 = arith.constant 80 : i32
    %dma_start3A_31 = tpu.memref_slice %arg7[%dma_start3A_30] : memref<10000xi32, #tpu.memory_space<vmem>> -> memref<80xi32, #tpu.memory_space<vmem>>
    %dma_start3A_32 = arith.constant 0 : i32
    %dma_start3A_33 = arith.constant 0 : i32
    %dma_start3A_34 = tpu.memref_slice %arg2[%dma_start3A_32, %dma_start3A_33] : memref<10000x128xf32, #tpu.memory_space<hbm>> -> memref<10000x128xf32, #tpu.memory_space<hbm>>
    %dma_start3A_35 = tpu.memref_slice %arg11[%dma_start3A_25] : memref<2x!tpu.dma_semaphore, #tpu.memory_space<semaphore_mem>> -> memref<1x!tpu.dma_semaphore, #tpu.memory_space<semaphore_mem>>
    %dma_start3A_36 = tpu.memref_squeeze %dma_start3A_35 : memref<1x!tpu.dma_semaphore, #tpu.memory_space<semaphore_mem>> -> memref<!tpu.dma_semaphore, #tpu.memory_space<semaphore_mem>>
    tpu.enqueue_indirect_dma source(%dma_start3A_34 : memref<10000x128xf32, #tpu.memory_space<hbm>>) target(%dma_start3A_29 : memref<80x128xf32, #tpu.memory_space<vmem>>) offsets(%dma_start3A_31 : memref<80xi32, #tpu.memory_space<vmem>>) semaphore(%dma_start3A_36 : memref<!tpu.dma_semaphore, #tpu.memory_space<semaphore_mem>>)
    %dma_start3A_37 = arith.constant 0 : i32
    %dma_start3A_38 = arith.constant 0 : i32
    %dma_start3A_39 = tpu.memref_slice %arg4[%add3A, %dma_start3A_37, %dma_start3A_38] : memref<32x125x80xi32, #tpu.memory_space<hbm>> -> memref<1x125x80xi32, #tpu.memory_space<hbm>>
    %dma_start3A_40 = tpu.memref_squeeze %dma_start3A_39 : memref<1x125x80xi32, #tpu.memory_space<hbm>> -> memref<125x80xi32, #tpu.memory_space<hbm>>
    %dma_start3A_41 = arith.constant 0 : i32
    %dma_start3A_42 = arith.constant 0 : i32
    %dma_start3A_43 = tpu.memref_slice %arg4[%add3A, %dma_start3A_41, %dma_start3A_42] : memref<32x125x80xi32, #tpu.memory_space<hbm>> -> memref<1x125x80xi32, #tpu.memory_space<hbm>>
    %dma_start3A_44 = tpu.memref_squeeze %dma_start3A_43 : memref<1x125x80xi32, #tpu.memory_space<hbm>> -> memref<125x80xi32, #tpu.memory_space<hbm>>
    tpu.enqueue_dma source(%dma_start3A_44 : memref<125x80xi32, #tpu.memory_space<hbm>>) target(%arg8 : memref<125x80xi32, #tpu.memory_space<vmem>>) target_semaphore(%arg12 : memref<!tpu.dma_semaphore, #tpu.memory_space<semaphore_mem>>)
    %mul3A_45 = arith.constant 624 : i32
    %mul3A_46 = arith.muli %arg1, %mul3A_45 : i32
    "tpu.region"() ({
      %run_scoped3A_130 = tpu.sem_alloc : memref<!tpu.dma_semaphore, #tpu.memory_space<semaphore_mem>>
      %dma_start3A_131 = arith.constant 0 : i32
      %dma_start3A_132 = tpu.memref_slice %arg10[%mul3A_46, %dma_start3A_131] : memref<10000x128xf32, #tpu.memory_space<vmem_shared>> -> memref<624x128xf32, #tpu.memory_space<vmem_shared>>
      tpu.enqueue_dma source(%arg5 : memref<624x128xf32, #tpu.memory_space<hbm>>) target(%dma_start3A_132 : memref<624x128xf32, #tpu.memory_space<vmem_shared>>) target_semaphore(%run_scoped3A_130 : memref<!tpu.dma_semaphore, #tpu.memory_space<semaphore_mem>>)
      %dma_wait3A_133 = arith.constant 0 : i32
      %dma_wait3A_134 = tpu.memref_slice %arg10[%mul3A_46, %dma_wait3A_133] : memref<10000x128xf32, #tpu.memory_space<vmem_shared>> -> memref<624x128xf32, #tpu.memory_space<vmem_shared>>
      tpu.wait_dma2 semaphore(%run_scoped3A_130 : memref<!tpu.dma_semaphore, #tpu.memory_space<semaphore_mem>>) src(%arg5 : memref<624x128xf32, #tpu.memory_space<hbm>>) dst(%dma_wait3A_134 : memref<624x128xf32, #tpu.memory_space<vmem_shared>>)
      tpu.yield
    }) : () -> ()
    %eq3A = arith.constant 0 : i32
    %eq3A_47 = arith.cmpi eq, %arg1, %eq3A : i32
    %convert_element_type3A = arith.extui %eq3A_47 : i1 to i32
    %cond3A = arith.constant 0 : i32
    %cond3A_48 = arith.cmpi ne, %convert_element_type3A, %cond3A : i32
    scf.if %cond3A_48 {
      "tpu.region"() ({
        %run_scoped3A_130 = tpu.sem_alloc : memref<!tpu.dma_semaphore, #tpu.memory_space<semaphore_mem>>
        %dma_start3A_131 = arith.constant 9984 : i32
        %dma_start3A_132 = arith.constant 0 : i32
        %dma_start3A_133 = tpu.memref_slice %arg10[%dma_start3A_131, %dma_start3A_132] : memref<10000x128xf32, #tpu.memory_space<vmem_shared>> -> memref<16x128xf32, #tpu.memory_space<vmem_shared>>
        %dma_start3A_134 = arith.constant 0 : i32
        %dma_start3A_135 = arith.constant 0 : i32
        %dma_start3A_136 = tpu.memref_slice %arg5[%dma_start3A_134, %dma_start3A_135] : memref<624x128xf32, #tpu.memory_space<hbm>> -> memref<16x128xf32, #tpu.memory_space<hbm>>
        tpu.enqueue_dma source(%dma_start3A_136 : memref<16x128xf32, #tpu.memory_space<hbm>>) target(%dma_start3A_133 : memref<16x128xf32, #tpu.memory_space<vmem_shared>>) target_semaphore(%run_scoped3A_130 : memref<!tpu.dma_semaphore, #tpu.memory_space<semaphore_mem>>)
        %dma_wait3A_137 = arith.constant 9984 : i32
        %dma_wait3A_138 = arith.constant 0 : i32
        %dma_wait3A_139 = tpu.memref_slice %arg10[%dma_wait3A_137, %dma_wait3A_138] : memref<10000x128xf32, #tpu.memory_space<vmem_shared>> -> memref<16x128xf32, #tpu.memory_space<vmem_shared>>
        %dma_wait3A_140 = arith.constant 0 : i32
        %dma_wait3A_141 = arith.constant 0 : i32
        %dma_wait3A_142 = tpu.memref_slice %arg5[%dma_wait3A_140, %dma_wait3A_141] : memref<624x128xf32, #tpu.memory_space<hbm>> -> memref<16x128xf32, #tpu.memory_space<hbm>>
        tpu.wait_dma2 semaphore(%run_scoped3A_130 : memref<!tpu.dma_semaphore, #tpu.memory_space<semaphore_mem>>) src(%dma_wait3A_142 : memref<16x128xf32, #tpu.memory_space<hbm>>) dst(%dma_wait3A_139 : memref<16x128xf32, #tpu.memory_space<vmem_shared>>)
        tpu.yield
      }) : () -> ()
    } else {
    }
    %dma_wait3A_49 = arith.constant 0 : i32
    %dma_wait3A_50 = arith.constant 0 : i32
    %dma_wait3A_51 = tpu.memref_slice %arg4[%add3A, %dma_wait3A_49, %dma_wait3A_50] : memref<32x125x80xi32, #tpu.memory_space<hbm>> -> memref<1x125x80xi32, #tpu.memory_space<hbm>>
    %dma_wait3A_52 = tpu.memref_squeeze %dma_wait3A_51 : memref<1x125x80xi32, #tpu.memory_space<hbm>> -> memref<125x80xi32, #tpu.memory_space<hbm>>
    %dma_wait3A_53 = arith.constant 0 : i32
    %dma_wait3A_54 = arith.constant 0 : i32
    %dma_wait3A_55 = tpu.memref_slice %arg4[%add3A, %dma_wait3A_53, %dma_wait3A_54] : memref<32x125x80xi32, #tpu.memory_space<hbm>> -> memref<1x125x80xi32, #tpu.memory_space<hbm>>
    %dma_wait3A_56 = tpu.memref_squeeze %dma_wait3A_55 : memref<1x125x80xi32, #tpu.memory_space<hbm>> -> memref<125x80xi32, #tpu.memory_space<hbm>>
    tpu.wait_dma2 semaphore(%arg12 : memref<!tpu.dma_semaphore, #tpu.memory_space<semaphore_mem>>) src(%dma_wait3A_56 : memref<125x80xi32, #tpu.memory_space<hbm>>) dst(%arg8 : memref<125x80xi32, #tpu.memory_space<vmem>>)
    %barrier3A = arith.constant 0 : index
    tpu.barrier barrier_id(%barrier3A)
    %scan3A = arith.constant 0 : i32
    %scan3A_57 = arith.constant 0 : i32
    %scan3A_58 = arith.constant 61 : i32
    %scan3A_59 = arith.addi %scan3A_57, %scan3A_58 : i32
    %scan3A_60 = arith.constant 1 : i32
    %scan3A_61 = scf.for %scan3A_130 = %scan3A_57 to %scan3A_59 step %scan3A_60 iter_args(%scan3A_131 = %scan3A) -> (i32)  : i32 {
      %mul3A_132 = arith.constant 2 : i32
      %mul3A_133 = arith.muli %scan3A_130, %mul3A_132 : i32
      %add3A_134 = arith.constant 0 : i32
      %add3A_135 = arith.addi %mul3A_133, %add3A_134 : i32
      %mul3A_136 = arith.constant 80 : i32
      %mul3A_137 = arith.muli %add3A_135, %mul3A_136 : i32
      %dma_wait3A_138 = arith.constant 0 : i32
      %dma_wait3A_139 = arith.constant 0 : i32
      %dma_wait3A_140 = arith.constant 0 : i32
      %dma_wait3A_141 = arith.constant 0 : i32
      %dma_wait3A_142 = tpu.memref_slice %arg9[%dma_wait3A_138, %dma_wait3A_140, %dma_wait3A_141] : memref<2x80x128xf32, #tpu.memory_space<vmem>> -> memref<1x80x128xf32, #tpu.memory_space<vmem>>
      %dma_wait3A_143 = tpu.memref_squeeze %dma_wait3A_142 : memref<1x80x128xf32, #tpu.memory_space<vmem>> -> memref<80x128xf32, #tpu.memory_space<vmem>>
      %dma_wait3A_144 = tpu.memref_slice %arg7[%mul3A_137] : memref<10000xi32, #tpu.memory_space<vmem>> -> memref<80xi32, #tpu.memory_space<vmem>>
      %dma_wait3A_145 = arith.constant 0 : i32
      %dma_wait3A_146 = arith.constant 0 : i32
      %dma_wait3A_147 = tpu.memref_slice %arg2[%dma_wait3A_145, %dma_wait3A_146] : memref<10000x128xf32, #tpu.memory_space<hbm>> -> memref<10000x128xf32, #tpu.memory_space<hbm>>
      %dma_wait3A_148 = tpu.memref_slice %arg11[%dma_wait3A_139] : memref<2x!tpu.dma_semaphore, #tpu.memory_space<semaphore_mem>> -> memref<1x!tpu.dma_semaphore, #tpu.memory_space<semaphore_mem>>
      %dma_wait3A_149 = tpu.memref_squeeze %dma_wait3A_148 : memref<1x!tpu.dma_semaphore, #tpu.memory_space<semaphore_mem>> -> memref<!tpu.dma_semaphore, #tpu.memory_space<semaphore_mem>>
      tpu.wait_indirect_dma semaphore(%dma_wait3A_149 : memref<!tpu.dma_semaphore, #tpu.memory_space<semaphore_mem>>) src(%dma_wait3A_147 : memref<10000x128xf32, #tpu.memory_space<hbm>>) dst(%dma_wait3A_143 : memref<80x128xf32, #tpu.memory_space<vmem>>)
      %run_scoped3A_150 = arith.constant 0 : i32
      "tpu.region"() ({
        %run_scoped3A_201 = tpu.sem_alloc : memref<!tpu.dma_semaphore, #tpu.memory_space<semaphore_mem>>
        %dma_start3A_202 = arith.constant 0 : i32
        %dma_start3A_203 = arith.constant 0 : i32
        %dma_start3A_204 = tpu.memref_slice %arg9[%run_scoped3A_150, %dma_start3A_202, %dma_start3A_203] : memref<2x80x128xf32, #tpu.memory_space<vmem>> -> memref<1x80x128xf32, #tpu.memory_space<vmem>>
        %dma_start3A_205 = tpu.memref_squeeze %dma_start3A_204 : memref<1x80x128xf32, #tpu.memory_space<vmem>> -> memref<80x128xf32, #tpu.memory_space<vmem>>
        %dma_start3A_206 = arith.constant 0 : i32
        %dma_start3A_207 = tpu.memref_slice %arg8[%add3A_135, %dma_start3A_206] : memref<125x80xi32, #tpu.memory_space<vmem>> -> memref<1x80xi32, #tpu.memory_space<vmem>>
        %dma_start3A_208 = tpu.memref_squeeze %dma_start3A_207 : memref<1x80xi32, #tpu.memory_space<vmem>> -> memref<80xi32, #tpu.memory_space<vmem>>
        %dma_start3A_209 = arith.constant 0 : i32
        %dma_start3A_210 = arith.constant 0 : i32
        %dma_start3A_211 = tpu.memref_slice %arg10[%dma_start3A_209, %dma_start3A_210] : memref<10000x128xf32, #tpu.memory_space<vmem_shared>> -> memref<10000x128xf32, #tpu.memory_space<vmem_shared>>
        tpu.enqueue_indirect_dma source(%dma_start3A_205 : memref<80x128xf32, #tpu.memory_space<vmem>>) target(%dma_start3A_211 : memref<10000x128xf32, #tpu.memory_space<vmem_shared>>) offsets(%dma_start3A_208 : memref<80xi32, #tpu.memory_space<vmem>>) semaphore(%run_scoped3A_201 : memref<!tpu.dma_semaphore, #tpu.memory_space<semaphore_mem>>) {add = true}
        %dma_wait3A_212 = arith.constant 0 : i32
        %dma_wait3A_213 = arith.constant 0 : i32
        %dma_wait3A_214 = tpu.memref_slice %arg9[%run_scoped3A_150, %dma_wait3A_212, %dma_wait3A_213] : memref<2x80x128xf32, #tpu.memory_space<vmem>> -> memref<1x80x128xf32, #tpu.memory_space<vmem>>
        %dma_wait3A_215 = tpu.memref_squeeze %dma_wait3A_214 : memref<1x80x128xf32, #tpu.memory_space<vmem>> -> memref<80x128xf32, #tpu.memory_space<vmem>>
        %dma_wait3A_216 = arith.constant 0 : i32
        %dma_wait3A_217 = tpu.memref_slice %arg8[%add3A_135, %dma_wait3A_216] : memref<125x80xi32, #tpu.memory_space<vmem>> -> memref<1x80xi32, #tpu.memory_space<vmem>>
        %dma_wait3A_218 = tpu.memref_squeeze %dma_wait3A_217 : memref<1x80xi32, #tpu.memory_space<vmem>> -> memref<80xi32, #tpu.memory_space<vmem>>
        %dma_wait3A_219 = arith.constant 0 : i32
        %dma_wait3A_220 = arith.constant 0 : i32
        %dma_wait3A_221 = tpu.memref_slice %arg10[%dma_wait3A_219, %dma_wait3A_220] : memref<10000x128xf32, #tpu.memory_space<vmem_shared>> -> memref<10000x128xf32, #tpu.memory_space<vmem_shared>>
        tpu.wait_indirect_dma semaphore(%run_scoped3A_201 : memref<!tpu.dma_semaphore, #tpu.memory_space<semaphore_mem>>) src(%dma_wait3A_215 : memref<80x128xf32, #tpu.memory_space<vmem>>) dst(%dma_wait3A_221 : memref<10000x128xf32, #tpu.memory_space<vmem_shared>>)
        tpu.yield
      }) : () -> ()
      %add3A_151 = arith.constant 2 : i32
      %add3A_152 = arith.addi %add3A_135, %add3A_151 : i32
      %mul3A_153 = arith.constant 80 : i32
      %mul3A_154 = arith.muli %add3A_152, %mul3A_153 : i32
      %dma_start3A_155 = arith.constant 0 : i32
      %dma_start3A_156 = arith.constant 0 : i32
      %dma_start3A_157 = arith.constant 0 : i32
      %dma_start3A_158 = arith.constant 0 : i32
      %dma_start3A_159 = tpu.memref_slice %arg9[%dma_start3A_155, %dma_start3A_157, %dma_start3A_158] : memref<2x80x128xf32, #tpu.memory_space<vmem>> -> memref<1x80x128xf32, #tpu.memory_space<vmem>>
      %dma_start3A_160 = tpu.memref_squeeze %dma_start3A_159 : memref<1x80x128xf32, #tpu.memory_space<vmem>> -> memref<80x128xf32, #tpu.memory_space<vmem>>
      %dma_start3A_161 = tpu.memref_slice %arg7[%mul3A_154] : memref<10000xi32, #tpu.memory_space<vmem>> -> memref<80xi32, #tpu.memory_space<vmem>>
      %dma_start3A_162 = arith.constant 0 : i32
      %dma_start3A_163 = arith.constant 0 : i32
      %dma_start3A_164 = tpu.memref_slice %arg2[%dma_start3A_162, %dma_start3A_163] : memref<10000x128xf32, #tpu.memory_space<hbm>> -> memref<10000x128xf32, #tpu.memory_space<hbm>>
      %dma_start3A_165 = tpu.memref_slice %arg11[%dma_start3A_156] : memref<2x!tpu.dma_semaphore, #tpu.memory_space<semaphore_mem>> -> memref<1x!tpu.dma_semaphore, #tpu.memory_space<semaphore_mem>>
      %dma_start3A_166 = tpu.memref_squeeze %dma_start3A_165 : memref<1x!tpu.dma_semaphore, #tpu.memory_space<semaphore_mem>> -> memref<!tpu.dma_semaphore, #tpu.memory_space<semaphore_mem>>
      tpu.enqueue_indirect_dma source(%dma_start3A_164 : memref<10000x128xf32, #tpu.memory_space<hbm>>) target(%dma_start3A_160 : memref<80x128xf32, #tpu.memory_space<vmem>>) offsets(%dma_start3A_161 : memref<80xi32, #tpu.memory_space<vmem>>) semaphore(%dma_start3A_166 : memref<!tpu.dma_semaphore, #tpu.memory_space<semaphore_mem>>)
      %add3A_167 = arith.constant 1 : i32
      %add3A_168 = arith.addi %mul3A_133, %add3A_167 : i32
      %mul3A_169 = arith.constant 80 : i32
      %mul3A_170 = arith.muli %add3A_168, %mul3A_169 : i32
      %dma_wait3A_171 = arith.constant 1 : i32
      %dma_wait3A_172 = arith.constant 1 : i32
      %dma_wait3A_173 = arith.constant 0 : i32
      %dma_wait3A_174 = arith.constant 0 : i32
      %dma_wait3A_175 = tpu.memref_slice %arg9[%dma_wait3A_171, %dma_wait3A_173, %dma_wait3A_174] : memref<2x80x128xf32, #tpu.memory_space<vmem>> -> memref<1x80x128xf32, #tpu.memory_space<vmem>>
      %dma_wait3A_176 = tpu.memref_squeeze %dma_wait3A_175 : memref<1x80x128xf32, #tpu.memory_space<vmem>> -> memref<80x128xf32, #tpu.memory_space<vmem>>
      %dma_wait3A_177 = tpu.memref_slice %arg7[%mul3A_170] : memref<10000xi32, #tpu.memory_space<vmem>> -> memref<80xi32, #tpu.memory_space<vmem>>
      %dma_wait3A_178 = arith.constant 0 : i32
      %dma_wait3A_179 = arith.constant 0 : i32
      %dma_wait3A_180 = tpu.memref_slice %arg2[%dma_wait3A_178, %dma_wait3A_179] : memref<10000x128xf32, #tpu.memory_space<hbm>> -> memref<10000x128xf32, #tpu.memory_space<hbm>>
      %dma_wait3A_181 = tpu.memref_slice %arg11[%dma_wait3A_172] : memref<2x!tpu.dma_semaphore, #tpu.memory_space<semaphore_mem>> -> memref<1x!tpu.dma_semaphore, #tpu.memory_space<semaphore_mem>>
      %dma_wait3A_182 = tpu.memref_squeeze %dma_wait3A_181 : memref<1x!tpu.dma_semaphore, #tpu.memory_space<semaphore_mem>> -> memref<!tpu.dma_semaphore, #tpu.memory_space<semaphore_mem>>
      tpu.wait_indirect_dma semaphore(%dma_wait3A_182 : memref<!tpu.dma_semaphore, #tpu.memory_space<semaphore_mem>>) src(%dma_wait3A_180 : memref<10000x128xf32, #tpu.memory_space<hbm>>) dst(%dma_wait3A_176 : memref<80x128xf32, #tpu.memory_space<vmem>>)
      %run_scoped3A_183 = arith.constant 1 : i32
      "tpu.region"() ({
        %run_scoped3A_201 = tpu.sem_alloc : memref<!tpu.dma_semaphore, #tpu.memory_space<semaphore_mem>>
        %dma_start3A_202 = arith.constant 0 : i32
        %dma_start3A_203 = arith.constant 0 : i32
        %dma_start3A_204 = tpu.memref_slice %arg9[%run_scoped3A_183, %dma_start3A_202, %dma_start3A_203] : memref<2x80x128xf32, #tpu.memory_space<vmem>> -> memref<1x80x128xf32, #tpu.memory_space<vmem>>
        %dma_start3A_205 = tpu.memref_squeeze %dma_start3A_204 : memref<1x80x128xf32, #tpu.memory_space<vmem>> -> memref<80x128xf32, #tpu.memory_space<vmem>>
        %dma_start3A_206 = arith.constant 0 : i32
        %dma_start3A_207 = tpu.memref_slice %arg8[%add3A_168, %dma_start3A_206] : memref<125x80xi32, #tpu.memory_space<vmem>> -> memref<1x80xi32, #tpu.memory_space<vmem>>
        %dma_start3A_208 = tpu.memref_squeeze %dma_start3A_207 : memref<1x80xi32, #tpu.memory_space<vmem>> -> memref<80xi32, #tpu.memory_space<vmem>>
        %dma_start3A_209 = arith.constant 0 : i32
        %dma_start3A_210 = arith.constant 0 : i32
        %dma_start3A_211 = tpu.memref_slice %arg10[%dma_start3A_209, %dma_start3A_210] : memref<10000x128xf32, #tpu.memory_space<vmem_shared>> -> memref<10000x128xf32, #tpu.memory_space<vmem_shared>>
        tpu.enqueue_indirect_dma source(%dma_start3A_205 : memref<80x128xf32, #tpu.memory_space<vmem>>) target(%dma_start3A_211 : memref<10000x128xf32, #tpu.memory_space<vmem_shared>>) offsets(%dma_start3A_208 : memref<80xi32, #tpu.memory_space<vmem>>) semaphore(%run_scoped3A_201 : memref<!tpu.dma_semaphore, #tpu.memory_space<semaphore_mem>>) {add = true}
        %dma_wait3A_212 = arith.constant 0 : i32
        %dma_wait3A_213 = arith.constant 0 : i32
        %dma_wait3A_214 = tpu.memref_slice %arg9[%run_scoped3A_183, %dma_wait3A_212, %dma_wait3A_213] : memref<2x80x128xf32, #tpu.memory_space<vmem>> -> memref<1x80x128xf32, #tpu.memory_space<vmem>>
        %dma_wait3A_215 = tpu.memref_squeeze %dma_wait3A_214 : memref<1x80x128xf32, #tpu.memory_space<vmem>> -> memref<80x128xf32, #tpu.memory_space<vmem>>
        %dma_wait3A_216 = arith.constant 0 : i32
        %dma_wait3A_217 = tpu.memref_slice %arg8[%add3A_168, %dma_wait3A_216] : memref<125x80xi32, #tpu.memory_space<vmem>> -> memref<1x80xi32, #tpu.memory_space<vmem>>
        %dma_wait3A_218 = tpu.memref_squeeze %dma_wait3A_217 : memref<1x80xi32, #tpu.memory_space<vmem>> -> memref<80xi32, #tpu.memory_space<vmem>>
        %dma_wait3A_219 = arith.constant 0 : i32
        %dma_wait3A_220 = arith.constant 0 : i32
        %dma_wait3A_221 = tpu.memref_slice %arg10[%dma_wait3A_219, %dma_wait3A_220] : memref<10000x128xf32, #tpu.memory_space<vmem_shared>> -> memref<10000x128xf32, #tpu.memory_space<vmem_shared>>
        tpu.wait_indirect_dma semaphore(%run_scoped3A_201 : memref<!tpu.dma_semaphore, #tpu.memory_space<semaphore_mem>>) src(%dma_wait3A_215 : memref<80x128xf32, #tpu.memory_space<vmem>>) dst(%dma_wait3A_221 : memref<10000x128xf32, #tpu.memory_space<vmem_shared>>)
        tpu.yield
      }) : () -> ()
      %add3A_184 = arith.constant 2 : i32
      %add3A_185 = arith.addi %add3A_168, %add3A_184 : i32
      %mul3A_186 = arith.constant 80 : i32
      %mul3A_187 = arith.muli %add3A_185, %mul3A_186 : i32
      %dma_start3A_188 = arith.constant 1 : i32
      %dma_start3A_189 = arith.constant 1 : i32
      %dma_start3A_190 = arith.constant 0 : i32
      %dma_start3A_191 = arith.constant 0 : i32
      %dma_start3A_192 = tpu.memref_slice %arg9[%dma_start3A_188, %dma_start3A_190, %dma_start3A_191] : memref<2x80x128xf32, #tpu.memory_space<vmem>> -> memref<1x80x128xf32, #tpu.memory_space<vmem>>
      %dma_start3A_193 = tpu.memref_squeeze %dma_start3A_192 : memref<1x80x128xf32, #tpu.memory_space<vmem>> -> memref<80x128xf32, #tpu.memory_space<vmem>>
      %dma_start3A_194 = tpu.memref_slice %arg7[%mul3A_187] : memref<10000xi32, #tpu.memory_space<vmem>> -> memref<80xi32, #tpu.memory_space<vmem>>
      %dma_start3A_195 = arith.constant 0 : i32
      %dma_start3A_196 = arith.constant 0 : i32
      %dma_start3A_197 = tpu.memref_slice %arg2[%dma_start3A_195, %dma_start3A_196] : memref<10000x128xf32, #tpu.memory_space<hbm>> -> memref<10000x128xf32, #tpu.memory_space<hbm>>
      %dma_start3A_198 = tpu.memref_slice %arg11[%dma_start3A_189] : memref<2x!tpu.dma_semaphore, #tpu.memory_space<semaphore_mem>> -> memref<1x!tpu.dma_semaphore, #tpu.memory_space<semaphore_mem>>
      %dma_start3A_199 = tpu.memref_squeeze %dma_start3A_198 : memref<1x!tpu.dma_semaphore, #tpu.memory_space<semaphore_mem>> -> memref<!tpu.dma_semaphore, #tpu.memory_space<semaphore_mem>>
      tpu.enqueue_indirect_dma source(%dma_start3A_197 : memref<10000x128xf32, #tpu.memory_space<hbm>>) target(%dma_start3A_193 : memref<80x128xf32, #tpu.memory_space<vmem>>) offsets(%dma_start3A_194 : memref<80xi32, #tpu.memory_space<vmem>>) semaphore(%dma_start3A_199 : memref<!tpu.dma_semaphore, #tpu.memory_space<semaphore_mem>>)
      %scan3A_200 = arith.constant 0 : i32
      scf.yield %scan3A_200 : i32
    }
    %scan3A_62 = arith.constant 61 : i32
    %dma_wait3A_63 = arith.constant 0 : i32
    %dma_wait3A_64 = arith.constant 0 : i32
    %dma_wait3A_65 = arith.constant 0 : i32
    %dma_wait3A_66 = arith.constant 0 : i32
    %dma_wait3A_67 = tpu.memref_slice %arg9[%dma_wait3A_63, %dma_wait3A_65, %dma_wait3A_66] : memref<2x80x128xf32, #tpu.memory_space<vmem>> -> memref<1x80x128xf32, #tpu.memory_space<vmem>>
    %dma_wait3A_68 = tpu.memref_squeeze %dma_wait3A_67 : memref<1x80x128xf32, #tpu.memory_space<vmem>> -> memref<80x128xf32, #tpu.memory_space<vmem>>
    %dma_wait3A_69 = arith.constant 9760 : i32
    %dma_wait3A_70 = tpu.memref_slice %arg7[%dma_wait3A_69] : memref<10000xi32, #tpu.memory_space<vmem>> -> memref<80xi32, #tpu.memory_space<vmem>>
    %dma_wait3A_71 = arith.constant 0 : i32
    %dma_wait3A_72 = arith.constant 0 : i32
    %dma_wait3A_73 = tpu.memref_slice %arg2[%dma_wait3A_71, %dma_wait3A_72] : memref<10000x128xf32, #tpu.memory_space<hbm>> -> memref<10000x128xf32, #tpu.memory_space<hbm>>
    %dma_wait3A_74 = tpu.memref_slice %arg11[%dma_wait3A_64] : memref<2x!tpu.dma_semaphore, #tpu.memory_space<semaphore_mem>> -> memref<1x!tpu.dma_semaphore, #tpu.memory_space<semaphore_mem>>
    %dma_wait3A_75 = tpu.memref_squeeze %dma_wait3A_74 : memref<1x!tpu.dma_semaphore, #tpu.memory_space<semaphore_mem>> -> memref<!tpu.dma_semaphore, #tpu.memory_space<semaphore_mem>>
    tpu.wait_indirect_dma semaphore(%dma_wait3A_75 : memref<!tpu.dma_semaphore, #tpu.memory_space<semaphore_mem>>) src(%dma_wait3A_73 : memref<10000x128xf32, #tpu.memory_space<hbm>>) dst(%dma_wait3A_68 : memref<80x128xf32, #tpu.memory_space<vmem>>)
    %run_scoped3A = arith.constant 0 : i32
    %run_scoped3A_76 = arith.constant 122 : i32
    "tpu.region"() ({
      %run_scoped3A_130 = tpu.sem_alloc : memref<!tpu.dma_semaphore, #tpu.memory_space<semaphore_mem>>
      %dma_start3A_131 = arith.constant 0 : i32
      %dma_start3A_132 = arith.constant 0 : i32
      %dma_start3A_133 = tpu.memref_slice %arg9[%run_scoped3A, %dma_start3A_131, %dma_start3A_132] : memref<2x80x128xf32, #tpu.memory_space<vmem>> -> memref<1x80x128xf32, #tpu.memory_space<vmem>>
      %dma_start3A_134 = tpu.memref_squeeze %dma_start3A_133 : memref<1x80x128xf32, #tpu.memory_space<vmem>> -> memref<80x128xf32, #tpu.memory_space<vmem>>
      %dma_start3A_135 = arith.constant 0 : i32
      %dma_start3A_136 = tpu.memref_slice %arg8[%run_scoped3A_76, %dma_start3A_135] : memref<125x80xi32, #tpu.memory_space<vmem>> -> memref<1x80xi32, #tpu.memory_space<vmem>>
      %dma_start3A_137 = tpu.memref_squeeze %dma_start3A_136 : memref<1x80xi32, #tpu.memory_space<vmem>> -> memref<80xi32, #tpu.memory_space<vmem>>
      %dma_start3A_138 = arith.constant 0 : i32
      %dma_start3A_139 = arith.constant 0 : i32
      %dma_start3A_140 = tpu.memref_slice %arg10[%dma_start3A_138, %dma_start3A_139] : memref<10000x128xf32, #tpu.memory_space<vmem_shared>> -> memref<10000x128xf32, #tpu.memory_space<vmem_shared>>
      tpu.enqueue_indirect_dma source(%dma_start3A_134 : memref<80x128xf32, #tpu.memory_space<vmem>>) target(%dma_start3A_140 : memref<10000x128xf32, #tpu.memory_space<vmem_shared>>) offsets(%dma_start3A_137 : memref<80xi32, #tpu.memory_space<vmem>>) semaphore(%run_scoped3A_130 : memref<!tpu.dma_semaphore, #tpu.memory_space<semaphore_mem>>) {add = true}
      %dma_wait3A_141 = arith.constant 0 : i32
      %dma_wait3A_142 = arith.constant 0 : i32
      %dma_wait3A_143 = tpu.memref_slice %arg9[%run_scoped3A, %dma_wait3A_141, %dma_wait3A_142] : memref<2x80x128xf32, #tpu.memory_space<vmem>> -> memref<1x80x128xf32, #tpu.memory_space<vmem>>
      %dma_wait3A_144 = tpu.memref_squeeze %dma_wait3A_143 : memref<1x80x128xf32, #tpu.memory_space<vmem>> -> memref<80x128xf32, #tpu.memory_space<vmem>>
      %dma_wait3A_145 = arith.constant 0 : i32
      %dma_wait3A_146 = tpu.memref_slice %arg8[%run_scoped3A_76, %dma_wait3A_145] : memref<125x80xi32, #tpu.memory_space<vmem>> -> memref<1x80xi32, #tpu.memory_space<vmem>>
      %dma_wait3A_147 = tpu.memref_squeeze %dma_wait3A_146 : memref<1x80xi32, #tpu.memory_space<vmem>> -> memref<80xi32, #tpu.memory_space<vmem>>
      %dma_wait3A_148 = arith.constant 0 : i32
      %dma_wait3A_149 = arith.constant 0 : i32
      %dma_wait3A_150 = tpu.memref_slice %arg10[%dma_wait3A_148, %dma_wait3A_149] : memref<10000x128xf32, #tpu.memory_space<vmem_shared>> -> memref<10000x128xf32, #tpu.memory_space<vmem_shared>>
      tpu.wait_indirect_dma semaphore(%run_scoped3A_130 : memref<!tpu.dma_semaphore, #tpu.memory_space<semaphore_mem>>) src(%dma_wait3A_144 : memref<80x128xf32, #tpu.memory_space<vmem>>) dst(%dma_wait3A_150 : memref<10000x128xf32, #tpu.memory_space<vmem_shared>>)
      tpu.yield
    }) : () -> ()
    %dma_wait3A_77 = arith.constant 1 : i32
    %dma_wait3A_78 = arith.constant 1 : i32
    %dma_wait3A_79 = arith.constant 0 : i32
    %dma_wait3A_80 = arith.constant 0 : i32
    %dma_wait3A_81 = tpu.memref_slice %arg9[%dma_wait3A_77, %dma_wait3A_79, %dma_wait3A_80] : memref<2x80x128xf32, #tpu.memory_space<vmem>> -> memref<1x80x128xf32, #tpu.memory_space<vmem>>
    %dma_wait3A_82 = tpu.memref_squeeze %dma_wait3A_81 : memref<1x80x128xf32, #tpu.memory_space<vmem>> -> memref<80x128xf32, #tpu.memory_space<vmem>>
    %dma_wait3A_83 = arith.constant 9840 : i32
    %dma_wait3A_84 = tpu.memref_slice %arg7[%dma_wait3A_83] : memref<10000xi32, #tpu.memory_space<vmem>> -> memref<80xi32, #tpu.memory_space<vmem>>
    %dma_wait3A_85 = arith.constant 0 : i32
    %dma_wait3A_86 = arith.constant 0 : i32
    %dma_wait3A_87 = tpu.memref_slice %arg2[%dma_wait3A_85, %dma_wait3A_86] : memref<10000x128xf32, #tpu.memory_space<hbm>> -> memref<10000x128xf32, #tpu.memory_space<hbm>>
    %dma_wait3A_88 = tpu.memref_slice %arg11[%dma_wait3A_78] : memref<2x!tpu.dma_semaphore, #tpu.memory_space<semaphore_mem>> -> memref<1x!tpu.dma_semaphore, #tpu.memory_space<semaphore_mem>>
    %dma_wait3A_89 = tpu.memref_squeeze %dma_wait3A_88 : memref<1x!tpu.dma_semaphore, #tpu.memory_space<semaphore_mem>> -> memref<!tpu.dma_semaphore, #tpu.memory_space<semaphore_mem>>
    tpu.wait_indirect_dma semaphore(%dma_wait3A_89 : memref<!tpu.dma_semaphore, #tpu.memory_space<semaphore_mem>>) src(%dma_wait3A_87 : memref<10000x128xf32, #tpu.memory_space<hbm>>) dst(%dma_wait3A_82 : memref<80x128xf32, #tpu.memory_space<vmem>>)
    %run_scoped3A_90 = arith.constant 1 : i32
    %run_scoped3A_91 = arith.constant 123 : i32
    "tpu.region"() ({
      %run_scoped3A_130 = tpu.sem_alloc : memref<!tpu.dma_semaphore, #tpu.memory_space<semaphore_mem>>
      %dma_start3A_131 = arith.constant 0 : i32
      %dma_start3A_132 = arith.constant 0 : i32
      %dma_start3A_133 = tpu.memref_slice %arg9[%run_scoped3A_90, %dma_start3A_131, %dma_start3A_132] : memref<2x80x128xf32, #tpu.memory_space<vmem>> -> memref<1x80x128xf32, #tpu.memory_space<vmem>>
      %dma_start3A_134 = tpu.memref_squeeze %dma_start3A_133 : memref<1x80x128xf32, #tpu.memory_space<vmem>> -> memref<80x128xf32, #tpu.memory_space<vmem>>
      %dma_start3A_135 = arith.constant 0 : i32
      %dma_start3A_136 = tpu.memref_slice %arg8[%run_scoped3A_91, %dma_start3A_135] : memref<125x80xi32, #tpu.memory_space<vmem>> -> memref<1x80xi32, #tpu.memory_space<vmem>>
      %dma_start3A_137 = tpu.memref_squeeze %dma_start3A_136 : memref<1x80xi32, #tpu.memory_space<vmem>> -> memref<80xi32, #tpu.memory_space<vmem>>
      %dma_start3A_138 = arith.constant 0 : i32
      %dma_start3A_139 = arith.constant 0 : i32
      %dma_start3A_140 = tpu.memref_slice %arg10[%dma_start3A_138, %dma_start3A_139] : memref<10000x128xf32, #tpu.memory_space<vmem_shared>> -> memref<10000x128xf32, #tpu.memory_space<vmem_shared>>
      tpu.enqueue_indirect_dma source(%dma_start3A_134 : memref<80x128xf32, #tpu.memory_space<vmem>>) target(%dma_start3A_140 : memref<10000x128xf32, #tpu.memory_space<vmem_shared>>) offsets(%dma_start3A_137 : memref<80xi32, #tpu.memory_space<vmem>>) semaphore(%run_scoped3A_130 : memref<!tpu.dma_semaphore, #tpu.memory_space<semaphore_mem>>) {add = true}
      %dma_wait3A_141 = arith.constant 0 : i32
      %dma_wait3A_142 = arith.constant 0 : i32
      %dma_wait3A_143 = tpu.memref_slice %arg9[%run_scoped3A_90, %dma_wait3A_141, %dma_wait3A_142] : memref<2x80x128xf32, #tpu.memory_space<vmem>> -> memref<1x80x128xf32, #tpu.memory_space<vmem>>
      %dma_wait3A_144 = tpu.memref_squeeze %dma_wait3A_143 : memref<1x80x128xf32, #tpu.memory_space<vmem>> -> memref<80x128xf32, #tpu.memory_space<vmem>>
      %dma_wait3A_145 = arith.constant 0 : i32
      %dma_wait3A_146 = tpu.memref_slice %arg8[%run_scoped3A_91, %dma_wait3A_145] : memref<125x80xi32, #tpu.memory_space<vmem>> -> memref<1x80xi32, #tpu.memory_space<vmem>>
      %dma_wait3A_147 = tpu.memref_squeeze %dma_wait3A_146 : memref<1x80xi32, #tpu.memory_space<vmem>> -> memref<80xi32, #tpu.memory_space<vmem>>
      %dma_wait3A_148 = arith.constant 0 : i32
      %dma_wait3A_149 = arith.constant 0 : i32
      %dma_wait3A_150 = tpu.memref_slice %arg10[%dma_wait3A_148, %dma_wait3A_149] : memref<10000x128xf32, #tpu.memory_space<vmem_shared>> -> memref<10000x128xf32, #tpu.memory_space<vmem_shared>>
      tpu.wait_indirect_dma semaphore(%run_scoped3A_130 : memref<!tpu.dma_semaphore, #tpu.memory_space<semaphore_mem>>) src(%dma_wait3A_144 : memref<80x128xf32, #tpu.memory_space<vmem>>) dst(%dma_wait3A_150 : memref<10000x128xf32, #tpu.memory_space<vmem_shared>>)
      tpu.yield
    }) : () -> ()
    %dma_start3A_92 = arith.constant 0 : i32
    %dma_start3A_93 = arith.constant 0 : i32
    %dma_start3A_94 = arith.constant 0 : i32
    %dma_start3A_95 = arith.constant 0 : i32
    %dma_start3A_96 = tpu.memref_slice %arg9[%dma_start3A_92, %dma_start3A_94, %dma_start3A_95] : memref<2x80x128xf32, #tpu.memory_space<vmem>> -> memref<1x80x128xf32, #tpu.memory_space<vmem>>
    %dma_start3A_97 = tpu.memref_squeeze %dma_start3A_96 : memref<1x80x128xf32, #tpu.memory_space<vmem>> -> memref<80x128xf32, #tpu.memory_space<vmem>>
    %dma_start3A_98 = arith.constant 9920 : i32
    %dma_start3A_99 = tpu.memref_slice %arg7[%dma_start3A_98] : memref<10000xi32, #tpu.memory_space<vmem>> -> memref<80xi32, #tpu.memory_space<vmem>>
    %dma_start3A_100 = arith.constant 0 : i32
    %dma_start3A_101 = arith.constant 0 : i32
    %dma_start3A_102 = tpu.memref_slice %arg2[%dma_start3A_100, %dma_start3A_101] : memref<10000x128xf32, #tpu.memory_space<hbm>> -> memref<10000x128xf32, #tpu.memory_space<hbm>>
    %dma_start3A_103 = tpu.memref_slice %arg11[%dma_start3A_93] : memref<2x!tpu.dma_semaphore, #tpu.memory_space<semaphore_mem>> -> memref<1x!tpu.dma_semaphore, #tpu.memory_space<semaphore_mem>>
    %dma_start3A_104 = tpu.memref_squeeze %dma_start3A_103 : memref<1x!tpu.dma_semaphore, #tpu.memory_space<semaphore_mem>> -> memref<!tpu.dma_semaphore, #tpu.memory_space<semaphore_mem>>
    tpu.enqueue_indirect_dma source(%dma_start3A_102 : memref<10000x128xf32, #tpu.memory_space<hbm>>) target(%dma_start3A_97 : memref<80x128xf32, #tpu.memory_space<vmem>>) offsets(%dma_start3A_99 : memref<80xi32, #tpu.memory_space<vmem>>) semaphore(%dma_start3A_104 : memref<!tpu.dma_semaphore, #tpu.memory_space<semaphore_mem>>)
    %dma_wait3A_105 = arith.constant 0 : i32
    %dma_wait3A_106 = arith.constant 0 : i32
    %dma_wait3A_107 = arith.constant 0 : i32
    %dma_wait3A_108 = arith.constant 0 : i32
    %dma_wait3A_109 = tpu.memref_slice %arg9[%dma_wait3A_105, %dma_wait3A_107, %dma_wait3A_108] : memref<2x80x128xf32, #tpu.memory_space<vmem>> -> memref<1x80x128xf32, #tpu.memory_space<vmem>>
    %dma_wait3A_110 = tpu.memref_squeeze %dma_wait3A_109 : memref<1x80x128xf32, #tpu.memory_space<vmem>> -> memref<80x128xf32, #tpu.memory_space<vmem>>
    %dma_wait3A_111 = arith.constant 9920 : i32
    %dma_wait3A_112 = tpu.memref_slice %arg7[%dma_wait3A_111] : memref<10000xi32, #tpu.memory_space<vmem>> -> memref<80xi32, #tpu.memory_space<vmem>>
    %dma_wait3A_113 = arith.constant 0 : i32
    %dma_wait3A_114 = arith.constant 0 : i32
    %dma_wait3A_115 = tpu.memref_slice %arg2[%dma_wait3A_113, %dma_wait3A_114] : memref<10000x128xf32, #tpu.memory_space<hbm>> -> memref<10000x128xf32, #tpu.memory_space<hbm>>
    %dma_wait3A_116 = tpu.memref_slice %arg11[%dma_wait3A_106] : memref<2x!tpu.dma_semaphore, #tpu.memory_space<semaphore_mem>> -> memref<1x!tpu.dma_semaphore, #tpu.memory_space<semaphore_mem>>
    %dma_wait3A_117 = tpu.memref_squeeze %dma_wait3A_116 : memref<1x!tpu.dma_semaphore, #tpu.memory_space<semaphore_mem>> -> memref<!tpu.dma_semaphore, #tpu.memory_space<semaphore_mem>>
    tpu.wait_indirect_dma semaphore(%dma_wait3A_117 : memref<!tpu.dma_semaphore, #tpu.memory_space<semaphore_mem>>) src(%dma_wait3A_115 : memref<10000x128xf32, #tpu.memory_space<hbm>>) dst(%dma_wait3A_110 : memref<80x128xf32, #tpu.memory_space<vmem>>)
    %run_scoped3A_118 = arith.constant 0 : i32
    %run_scoped3A_119 = arith.constant 124 : i32
    "tpu.region"() ({
      %run_scoped3A_130 = tpu.sem_alloc : memref<!tpu.dma_semaphore, #tpu.memory_space<semaphore_mem>>
      %dma_start3A_131 = arith.constant 0 : i32
      %dma_start3A_132 = arith.constant 0 : i32
      %dma_start3A_133 = tpu.memref_slice %arg9[%run_scoped3A_118, %dma_start3A_131, %dma_start3A_132] : memref<2x80x128xf32, #tpu.memory_space<vmem>> -> memref<1x80x128xf32, #tpu.memory_space<vmem>>
      %dma_start3A_134 = tpu.memref_squeeze %dma_start3A_133 : memref<1x80x128xf32, #tpu.memory_space<vmem>> -> memref<80x128xf32, #tpu.memory_space<vmem>>
      %dma_start3A_135 = arith.constant 0 : i32
      %dma_start3A_136 = tpu.memref_slice %arg8[%run_scoped3A_119, %dma_start3A_135] : memref<125x80xi32, #tpu.memory_space<vmem>> -> memref<1x80xi32, #tpu.memory_space<vmem>>
      %dma_start3A_137 = tpu.memref_squeeze %dma_start3A_136 : memref<1x80xi32, #tpu.memory_space<vmem>> -> memref<80xi32, #tpu.memory_space<vmem>>
      %dma_start3A_138 = arith.constant 0 : i32
      %dma_start3A_139 = arith.constant 0 : i32
      %dma_start3A_140 = tpu.memref_slice %arg10[%dma_start3A_138, %dma_start3A_139] : memref<10000x128xf32, #tpu.memory_space<vmem_shared>> -> memref<10000x128xf32, #tpu.memory_space<vmem_shared>>
      tpu.enqueue_indirect_dma source(%dma_start3A_134 : memref<80x128xf32, #tpu.memory_space<vmem>>) target(%dma_start3A_140 : memref<10000x128xf32, #tpu.memory_space<vmem_shared>>) offsets(%dma_start3A_137 : memref<80xi32, #tpu.memory_space<vmem>>) semaphore(%run_scoped3A_130 : memref<!tpu.dma_semaphore, #tpu.memory_space<semaphore_mem>>) {add = true}
      %dma_wait3A_141 = arith.constant 0 : i32
      %dma_wait3A_142 = arith.constant 0 : i32
      %dma_wait3A_143 = tpu.memref_slice %arg9[%run_scoped3A_118, %dma_wait3A_141, %dma_wait3A_142] : memref<2x80x128xf32, #tpu.memory_space<vmem>> -> memref<1x80x128xf32, #tpu.memory_space<vmem>>
      %dma_wait3A_144 = tpu.memref_squeeze %dma_wait3A_143 : memref<1x80x128xf32, #tpu.memory_space<vmem>> -> memref<80x128xf32, #tpu.memory_space<vmem>>
      %dma_wait3A_145 = arith.constant 0 : i32
      %dma_wait3A_146 = tpu.memref_slice %arg8[%run_scoped3A_119, %dma_wait3A_145] : memref<125x80xi32, #tpu.memory_space<vmem>> -> memref<1x80xi32, #tpu.memory_space<vmem>>
      %dma_wait3A_147 = tpu.memref_squeeze %dma_wait3A_146 : memref<1x80xi32, #tpu.memory_space<vmem>> -> memref<80xi32, #tpu.memory_space<vmem>>
      %dma_wait3A_148 = arith.constant 0 : i32
      %dma_wait3A_149 = arith.constant 0 : i32
      %dma_wait3A_150 = tpu.memref_slice %arg10[%dma_wait3A_148, %dma_wait3A_149] : memref<10000x128xf32, #tpu.memory_space<vmem_shared>> -> memref<10000x128xf32, #tpu.memory_space<vmem_shared>>
      tpu.wait_indirect_dma semaphore(%run_scoped3A_130 : memref<!tpu.dma_semaphore, #tpu.memory_space<semaphore_mem>>) src(%dma_wait3A_144 : memref<80x128xf32, #tpu.memory_space<vmem>>) dst(%dma_wait3A_150 : memref<10000x128xf32, #tpu.memory_space<vmem_shared>>)
      tpu.yield
    }) : () -> ()
    %barrier3A_120 = arith.constant 0 : index
    tpu.barrier barrier_id(%barrier3A_120)
    %mul3A_121 = arith.constant 624 : i32
    %mul3A_122 = arith.muli %arg1, %mul3A_121 : i32
    %mul3A_123 = arith.constant 624 : i32
    %mul3A_124 = arith.muli %arg1, %mul3A_123 : i32
    "tpu.region"() ({
      %run_scoped3A_130 = tpu.sem_alloc : memref<!tpu.dma_semaphore, #tpu.memory_space<semaphore_mem>>
      %dma_start3A_131 = arith.constant 0 : i32
      %dma_start3A_132 = tpu.memref_slice %arg6[%arg0, %mul3A_124, %dma_start3A_131] : memref<2x10000x128xf32, #tpu.memory_space<hbm>> -> memref<1x624x128xf32, #tpu.memory_space<hbm>>
      %dma_start3A_133 = tpu.memref_squeeze %dma_start3A_132 : memref<1x624x128xf32, #tpu.memory_space<hbm>> -> memref<624x128xf32, #tpu.memory_space<hbm>>
      %dma_start3A_134 = arith.constant 0 : i32
      %dma_start3A_135 = tpu.memref_slice %arg10[%mul3A_122, %dma_start3A_134] : memref<10000x128xf32, #tpu.memory_space<vmem_shared>> -> memref<624x128xf32, #tpu.memory_space<vmem_shared>>
      tpu.enqueue_dma source(%dma_start3A_135 : memref<624x128xf32, #tpu.memory_space<vmem_shared>>) target(%dma_start3A_133 : memref<624x128xf32, #tpu.memory_space<hbm>>) target_semaphore(%run_scoped3A_130 : memref<!tpu.dma_semaphore, #tpu.memory_space<semaphore_mem>>)
      %dma_wait3A_136 = arith.constant 0 : i32
      %dma_wait3A_137 = tpu.memref_slice %arg6[%arg0, %mul3A_124, %dma_wait3A_136] : memref<2x10000x128xf32, #tpu.memory_space<hbm>> -> memref<1x624x128xf32, #tpu.memory_space<hbm>>
      %dma_wait3A_138 = tpu.memref_squeeze %dma_wait3A_137 : memref<1x624x128xf32, #tpu.memory_space<hbm>> -> memref<624x128xf32, #tpu.memory_space<hbm>>
      %dma_wait3A_139 = arith.constant 0 : i32
      %dma_wait3A_140 = tpu.memref_slice %arg10[%mul3A_122, %dma_wait3A_139] : memref<10000x128xf32, #tpu.memory_space<vmem_shared>> -> memref<624x128xf32, #tpu.memory_space<vmem_shared>>
      tpu.wait_dma2 semaphore(%run_scoped3A_130 : memref<!tpu.dma_semaphore, #tpu.memory_space<semaphore_mem>>) src(%dma_wait3A_140 : memref<624x128xf32, #tpu.memory_space<vmem_shared>>) dst(%dma_wait3A_138 : memref<624x128xf32, #tpu.memory_space<hbm>>)
      tpu.yield
    }) : () -> ()
    %eq3A_125 = arith.constant 0 : i32
    %eq3A_126 = arith.cmpi eq, %arg1, %eq3A_125 : i32
    %convert_element_type3A_127 = arith.extui %eq3A_126 : i1 to i32
    %cond3A_128 = arith.constant 0 : i32
    %cond3A_129 = arith.cmpi ne, %convert_element_type3A_127, %cond3A_128 : i32
    scf.if %cond3A_129 {
      "tpu.region"() ({
        %run_scoped3A_130 = tpu.sem_alloc : memref<!tpu.dma_semaphore, #tpu.memory_space<semaphore_mem>>
        %dma_start3A_131 = arith.constant 9984 : i32
        %dma_start3A_132 = arith.constant 0 : i32
        %dma_start3A_133 = tpu.memref_slice %arg6[%arg0, %dma_start3A_131, %dma_start3A_132] : memref<2x10000x128xf32, #tpu.memory_space<hbm>> -> memref<1x16x128xf32, #tpu.memory_space<hbm>>
        %dma_start3A_134 = tpu.memref_squeeze %dma_start3A_133 : memref<1x16x128xf32, #tpu.memory_space<hbm>> -> memref<16x128xf32, #tpu.memory_space<hbm>>
        %dma_start3A_135 = arith.constant 9984 : i32
        %dma_start3A_136 = arith.constant 0 : i32
        %dma_start3A_137 = tpu.memref_slice %arg10[%dma_start3A_135, %dma_start3A_136] : memref<10000x128xf32, #tpu.memory_space<vmem_shared>> -> memref<16x128xf32, #tpu.memory_space<vmem_shared>>
        tpu.enqueue_dma source(%dma_start3A_137 : memref<16x128xf32, #tpu.memory_space<vmem_shared>>) target(%dma_start3A_134 : memref<16x128xf32, #tpu.memory_space<hbm>>) target_semaphore(%run_scoped3A_130 : memref<!tpu.dma_semaphore, #tpu.memory_space<semaphore_mem>>)
        %dma_wait3A_138 = arith.constant 9984 : i32
        %dma_wait3A_139 = arith.constant 0 : i32
        %dma_wait3A_140 = tpu.memref_slice %arg6[%arg0, %dma_wait3A_138, %dma_wait3A_139] : memref<2x10000x128xf32, #tpu.memory_space<hbm>> -> memref<1x16x128xf32, #tpu.memory_space<hbm>>
        %dma_wait3A_141 = tpu.memref_squeeze %dma_wait3A_140 : memref<1x16x128xf32, #tpu.memory_space<hbm>> -> memref<16x128xf32, #tpu.memory_space<hbm>>
        %dma_wait3A_142 = arith.constant 9984 : i32
        %dma_wait3A_143 = arith.constant 0 : i32
        %dma_wait3A_144 = tpu.memref_slice %arg10[%dma_wait3A_142, %dma_wait3A_143] : memref<10000x128xf32, #tpu.memory_space<vmem_shared>> -> memref<16x128xf32, #tpu.memory_space<vmem_shared>>
        tpu.wait_dma2 semaphore(%run_scoped3A_130 : memref<!tpu.dma_semaphore, #tpu.memory_space<semaphore_mem>>) src(%dma_wait3A_144 : memref<16x128xf32, #tpu.memory_space<vmem_shared>>) dst(%dma_wait3A_141 : memref<16x128xf32, #tpu.memory_space<hbm>>)
        tpu.yield
      }) : () -> ()
    } else {
    }
    return
  }
}

module attributes {stable_mosaic.version = 14 : i64} {
  func.func @_cmb_mm_relu_body(%arg0: i32, %arg1: memref<400x128xf32, #tpu.memory_space<vmem>>, %arg2: memref<400x128xf32, #tpu.memory_space<vmem>>, %arg3: memref<128x128xf32, #tpu.memory_space<vmem>>, %arg4: memref<1x128xf32, #tpu.memory_space<vmem>>, %arg5: memref<400x128xf32, #tpu.memory_space<vmem>>) attributes {dimension_semantics = [#tpu.dimension_semantics<arbitrary>], iteration_bounds = array<i64: 25>, scalar_prefetch = 0 : i64, scratch_operands = 0 : i64, tpu.core_type = #tpu.core_type<tc>, window_params = [{transform_indices = @transform_0, window_bounds = array<i64: 400, 128>}, {transform_indices = @transform_1, window_bounds = array<i64: 400, 128>}, {pipeline_mode = #tpu.pipeline_mode<synchronous>, transform_indices = @transform_2, window_bounds = array<i64: 128, 128>}, {pipeline_mode = #tpu.pipeline_mode<synchronous>, transform_indices = @transform_3, window_bounds = array<i64: 1, 128>}, {transform_indices = @transform_4, window_bounds = array<i64: 400, 128>}]} {
    %get3A = arith.constant 0 : index
    %get3A_0 = arith.constant 0 : index
    %get3A_1 = vector.load %arg1[%get3A, %get3A_0] : memref<400x128xf32, #tpu.memory_space<vmem>>, vector<400x128xf32>
    %get3A_2 = arith.constant 0 : index
    %get3A_3 = arith.constant 0 : index
    %get3A_4 = vector.load %arg2[%get3A_2, %get3A_3] : memref<400x128xf32, #tpu.memory_space<vmem>>, vector<400x128xf32>
    %add3A = arith.addf %get3A_1, %get3A_4 : vector<400x128xf32>
    %get3A_5 = arith.constant 0 : index
    %get3A_6 = arith.constant 0 : index
    %get3A_7 = vector.load %arg3[%get3A_5, %get3A_6] : memref<128x128xf32, #tpu.memory_space<vmem>>, vector<128x128xf32>
    %dot_general3A = arith.constant dense<0.000000e+00> : vector<400x128xf32>
    %dot_general3A_8 = tpu.matmul %add3A, %get3A_7, %dot_general3A {dimension_numbers = #tpu.dot_dimension_numbers<[1], [0], [0], [1], [0, 0, 1, 1], [], []>, transpose_lhs_hint = false} : vector<400x128xf32>, vector<128x128xf32>, vector<400x128xf32> -> vector<400x128xf32>
    %get3A_9 = arith.constant 0 : index
    %get3A_10 = arith.constant 0 : index
    %get3A_11 = vector.load %arg4[%get3A_9, %get3A_10] : memref<1x128xf32, #tpu.memory_space<vmem>>, vector<1x128xf32>
    %add3A_12 = vector.broadcast %get3A_11 : vector<1x128xf32> to vector<400x128xf32>
    %add3A_13 = arith.addf %dot_general3A_8, %add3A_12 : vector<400x128xf32>
    %max3A = arith.constant 0.000000e+00 : f32
    %max3A_14 = vector.broadcast %max3A : f32 to vector<400x128xf32>
    %max3A_15 = arith.maximumf %add3A_13, %max3A_14 : vector<400x128xf32>
    %swap3A = arith.constant 0 : index
    %swap3A_16 = arith.constant 0 : index
    %swap3A_17 = vector.load %arg5[%swap3A, %swap3A_16] : memref<400x128xf32, #tpu.memory_space<vmem>>, vector<400x128xf32>
    tpu.vector_store %arg5[%swap3A, %swap3A_16], %max3A_15 {strides = array<i32>} : memref<400x128xf32, #tpu.memory_space<vmem>>, vector<400x128xf32>,
    return
  }
  func.func @transform_0(%arg0: i32) -> (i32, i32) {
    %c0_i32 = arith.constant 0 : i32
    %c0_i32_0 = arith.constant 0 : i32
    return %arg0, %c0_i32 : i32, i32
  }
  func.func @transform_1(%arg0: i32) -> (i32, i32) {
    %c0_i32 = arith.constant 0 : i32
    %c0_i32_0 = arith.constant 0 : i32
    return %arg0, %c0_i32 : i32, i32
  }
  func.func @transform_2(%arg0: i32) -> (i32, i32) {
    %c0_i32 = arith.constant 0 : i32
    %c0_i32_0 = arith.constant 0 : i32
    %c0_i32_1 = arith.constant 0 : i32
    return %c0_i32, %c0_i32_0 : i32, i32
  }
  func.func @transform_3(%arg0: i32) -> (i32, i32) {
    %c0_i32 = arith.constant 0 : i32
    %c0_i32_0 = arith.constant 0 : i32
    %c0_i32_1 = arith.constant 0 : i32
    return %c0_i32, %c0_i32_0 : i32, i32
  }
  func.func @transform_4(%arg0: i32) -> (i32, i32) {
    %c0_i32 = arith.constant 0 : i32
    %c0_i32_0 = arith.constant 0 : i32
    return %arg0, %c0_i32 : i32, i32
  }
}

module attributes {stable_mosaic.version = 14 : i64} {
  func.func @_cmb_out_body(%arg0: i32, %arg1: memref<400x128xf32, #tpu.memory_space<vmem>>, %arg2: memref<400x128xf32, #tpu.memory_space<vmem>>, %arg3: memref<128x40xf32, #tpu.memory_space<vmem>>, %arg4: memref<1x40xf32, #tpu.memory_space<vmem>>, %arg5: memref<400x40xf32, #tpu.memory_space<vmem>>) attributes {dimension_semantics = [#tpu.dimension_semantics<arbitrary>], iteration_bounds = array<i64: 25>, scalar_prefetch = 0 : i64, scratch_operands = 0 : i64, tpu.core_type = #tpu.core_type<tc>, window_params = [{transform_indices = @transform_0, window_bounds = array<i64: 400, 128>}, {transform_indices = @transform_1, window_bounds = array<i64: 400, 128>}, {pipeline_mode = #tpu.pipeline_mode<synchronous>, transform_indices = @transform_2, window_bounds = array<i64: 128, 40>}, {pipeline_mode = #tpu.pipeline_mode<synchronous>, transform_indices = @transform_3, window_bounds = array<i64: 1, 40>}, {transform_indices = @transform_4, window_bounds = array<i64: 400, 40>}]} {
    %get3A = arith.constant 0 : index
    %get3A_0 = arith.constant 0 : index
    %get3A_1 = vector.load %arg1[%get3A, %get3A_0] : memref<400x128xf32, #tpu.memory_space<vmem>>, vector<400x128xf32>
    %get3A_2 = arith.constant 0 : index
    %get3A_3 = arith.constant 0 : index
    %get3A_4 = vector.load %arg2[%get3A_2, %get3A_3] : memref<400x128xf32, #tpu.memory_space<vmem>>, vector<400x128xf32>
    %add3A = arith.addf %get3A_1, %get3A_4 : vector<400x128xf32>
    %get3A_5 = arith.constant 0 : index
    %get3A_6 = arith.constant 0 : index
    %get3A_7 = vector.load %arg3[%get3A_5, %get3A_6] : memref<128x40xf32, #tpu.memory_space<vmem>>, vector<128x40xf32>
    %dot_general3A = arith.constant dense<0.000000e+00> : vector<400x40xf32>
    %dot_general3A_8 = tpu.matmul %add3A, %get3A_7, %dot_general3A {dimension_numbers = #tpu.dot_dimension_numbers<[1], [0], [0], [1], [0, 0, 1, 1], [], []>, transpose_lhs_hint = false} : vector<400x128xf32>, vector<128x40xf32>, vector<400x40xf32> -> vector<400x40xf32>
    %get3A_9 = arith.constant 0 : index
    %get3A_10 = arith.constant 0 : index
    %get3A_11 = vector.load %arg4[%get3A_9, %get3A_10] : memref<1x40xf32, #tpu.memory_space<vmem>>, vector<1x40xf32>
    %add3A_12 = vector.broadcast %get3A_11 : vector<1x40xf32> to vector<400x40xf32>
    %add3A_13 = arith.addf %dot_general3A_8, %add3A_12 : vector<400x40xf32>
    %swap3A = arith.constant 0 : index
    %swap3A_14 = arith.constant 0 : index
    %swap3A_15 = vector.load %arg5[%swap3A, %swap3A_14] : memref<400x40xf32, #tpu.memory_space<vmem>>, vector<400x40xf32>
    tpu.vector_store %arg5[%swap3A, %swap3A_14], %add3A_13 {strides = array<i32>} : memref<400x40xf32, #tpu.memory_space<vmem>>, vector<400x40xf32>,
    return
  }
  func.func @transform_0(%arg0: i32) -> (i32, i32) {
    %c0_i32 = arith.constant 0 : i32
    %c0_i32_0 = arith.constant 0 : i32
    return %arg0, %c0_i32 : i32, i32
  }
  func.func @transform_1(%arg0: i32) -> (i32, i32) {
    %c0_i32 = arith.constant 0 : i32
    %c0_i32_0 = arith.constant 0 : i32
    return %arg0, %c0_i32 : i32, i32
  }
  func.func @transform_2(%arg0: i32) -> (i32, i32) {
    %c0_i32 = arith.constant 0 : i32
    %c0_i32_0 = arith.constant 0 : i32
    %c0_i32_1 = arith.constant 0 : i32
    return %c0_i32, %c0_i32_0 : i32, i32
  }
  func.func @transform_3(%arg0: i32) -> (i32, i32) {
    %c0_i32 = arith.constant 0 : i32
    %c0_i32_0 = arith.constant 0 : i32
    %c0_i32_1 = arith.constant 0 : i32
    return %c0_i32, %c0_i32_0 : i32, i32
  }
  func.func @transform_4(%arg0: i32) -> (i32, i32) {
    %c0_i32 = arith.constant 0 : i32
    %c0_i32_0 = arith.constant 0 : i32
    return %arg0, %c0_i32 : i32, i32
  }
}

</mosaic_0001>

<sc_bundles>
// kernel: kernel.11.cloned.1.call-start
scs
__scs_entry_jumppad:
0x0: {  	(pc) =	sbr.rel $0x88, $3  }
0x1: {  	(tag) =	ssettag $0x0;
	lr =	simm.s32 $0x1  }
0x2: {  	[smem:$0x3F99] =	sst lr;
	_ =	strace $0xD0000000  }
0x3: {  	_ = 	snop  }
0x4: {  	_ = 	snop  }
0x5: {  	_ = 	snop  }
0x6: {  	_ = 	snop  }
0x7: {  	_ = 	snop  }
__scs_overlays_trampoline_lowered:
0x8: {  	[smem:$0x3FA8] =	sst s0  }
0x9: {  	[smem:$0x3FA9] =	sst s1  }
0xa: {  	[smem:$0x3FAA] =	sst s2  }
0xb: {  	[smem:$0x3FAB] =	sst s3  }
0xc: {  	[smem:$0x3FAC] =	sst s4  }
0xd: {  	[smem:$0x3FAD] =	sst s5  }
0xe: {  	[smem:$0x3FAE] =	sst s6  }
0xf: {  	[smem:$0x3FAF] =	sst s7  }
0x10: {  	[smem:$0x3FB0] =	sst s8  }
0x11: {  	[smem:$0x3FB1] =	sst s9;
	s0 =	simm.s32 @!p0 $0x0  }
0x12: {  	s1 =	sld [smem:$0x3F97];
	s0 =	simm.s32 @p0 $0x1  }
0x13: {  	[smem:$0x3FB2] =	sst s0;
	s0 =	simm.s32 @!p1 $0x0  }
0x14: {  	s2 =	sld [smem:$0x3F96];
	s0 =	simm.s32 @p1 $0x1  }
0x15: {  	[smem:$0x3FB3] =	sst s0;
	s0 =	simm.s32 @!p2 $0x0  }
0x16: {  	s3 =	sld [smem:$0x3FDB];
	s0 =	simm.s32 @p2 $0x1  }
0x17: {  	s4 =	simm.s32 $0x1BF5;
	[smem:$0x3FB5] =	sst s0  }
0x18: {  	s0 =	sld [smem:$0x3F98];
	_ =	swait.ge [sflag:s4], $0x0  }
0x19: {  	s7 =	sld [smem:$0x3F99]  }
0x1a: {  	s8 =	sadd.s32 $0xFFFFE003, lr  }
0x1b: {  	s9 =	sadd.s32 $0xFFFFFEF7, lr;
	s5 =	simm.s32 $0xFFFFFFFF;
	p2 =	slt.u32 s8, $0xFFFFF086  }
0x1c: {  	p1 =	slt.u32 s9, $0xF7A;
	s5 =	simm.s32 @!p2 $0x0  }
0x1d: {  	s5 =	simm.s32 @p1 $0x1;
	p0 =	seq.s32 s7, s2  }
0x1e: {  	s7 =	smul.u32 @!p0 $0xF7A, s2;
	p2 =	seq.s32 @!p0 s5, $0x0  }
0x1f: {  	s9 =	smul.u32 $0xF7A, s1;
	s8 =	simm.s32 @!p0 $0x1BF5;
	p2 =	por !p2, p0  }
0x20: {  	[sflag:s8] =	ssyncset.s32 @!p0 $0xFFFFF086;
	s6 =	sadd.s32 @!p0 s3, s7;
	s7 =	simm.s32 @!p0 $0x108  }
0x21: {  	s3 =	sadd.s32 s3, s9;
	s6 =	sadd.s32 @!p0 $0x88, s6;
	s7 =	simm.s32 @p2 $0x1082  }
0x22: {  	[simem:s7], [sflag:s8] =	dma.local @!p0 [hbm:s6], $0xF7A  }
0x23: {  	s9 =	sor.u32 $0xD0000000, s2;
	s6 =	simm.s32 $0x108;
	_ =	swait.ge @!p0 [sflag:s8], $0x0  }
0x24: {  	s3 =	sadd.s32 $0x88, s3;
	s6 =	simm.s32 @!p1 $0x1082;
	[sflag:s4] =	ssyncset.s32 $0xFFFFF086  }
0x25: {  	[simem:s6], [sflag:s4] =	dma.local [hbm:s3], $0xF7A  }
0x26: {  	[smem:$0x3F99] =	sst s1;
	(tag) =	ssettag s2;
	_ =	strace s9  }
0x27: {  	s1 =	sld [smem:$0x3FA9]  }
0x28: {  	s2 =	sld [smem:$0x3FAA]  }
0x29: {  	s4 =	sld [smem:$0x3FAC]  }
0x2a: {  	p0 =	seq.s32 s5, $0x0;
	s5 =	sld [smem:$0x3FAD]  }
0x2b: {  	s6 =	sld [smem:$0x3FAE]  }
0x2c: {  	s7 =	sld [smem:$0x3FAF]  }
0x2d: {  	s3 =	simm.s32 $0x108;
	s8 =	sld [smem:$0x3FB0]  }
0x2e: {  	s3 =	simm.s32 @!p0 $0x1082;
	s9 =	sld [smem:$0x3FB1]  }
0x2f: {  	lr =	sadd.s32 s0, s3;
	s0 =	sld [smem:$0x3FA8]  }
0x30: {  	s3 =	sld [smem:$0x3FAB]  }
0x31: {  	[smem:$0x3FB4] =	sst s10  }
0x32: {  	s10 =	sld [smem:$0x3FB2];
	_ =	sdelay $0x3  }
0x33: {  	p0 =	seq.s32 s10, $0x1;
	s10 =	sld [smem:$0x3FB4];
	_ =	sdelay $0x3  }
0x34: {  	[smem:$0x3FB4] =	sst s10  }
0x35: {  	s10 =	sld [smem:$0x3FB3];
	_ =	sdelay $0x3  }
0x36: {  	p1 =	seq.s32 s10, $0x1;
	s10 =	sld [smem:$0x3FB4];
	_ =	sdelay $0x3  }
0x37: {  	[smem:$0x3FB4] =	sst s10  }
0x38: {  	s10 =	sld [smem:$0x3FB5]  }
0x39: {  	_ = 	snop;
	(pc) =	sbr.ind lr, $3  }
0x3a: {  	_ = 	snop  }
0x3b: {  	_ = 	snop  }
0x3c: {  	p2 =	seq.s32 s10, $0x1;
	s10 =	sld [smem:$0x3FB4]  }
0x3d: {  	_ =	shalt  }
0x3e: {  	_ =	shalt  }
0x3f: {  	_ =	shalt  }
0x40: {  	_ =	shalt  }
0x41: {  	_ =	shalt  }
0x42: {  	_ =	shalt  }
0x43: {  	_ =	shalt  }
0x44: {  	_ =	shalt  }
0x45: {  	_ =	shalt  }
0x46: {  	_ =	shalt  }
0x47: {  	_ =	shalt  }
0x48: {  	_ =	shalt  }
0x49: {  	_ =	shalt  }
0x4a: {  	_ =	shalt  }
0x4b: {  	_ =	shalt  }
0x4c: {  	_ =	shalt  }
0x4d: {  	_ =	shalt  }
0x4e: {  	_ =	shalt  }
0x4f: {  	_ =	shalt  }
0x50: {  	_ =	shalt  }
0x51: {  	_ =	shalt  }
0x52: {  	_ =	shalt  }
0x53: {  	_ =	shalt  }
0x54: {  	_ =	shalt  }
0x55: {  	_ =	shalt  }
0x56: {  	_ =	shalt  }
0x57: {  	_ =	shalt  }
0x58: {  	_ =	shalt  }
0x59: {  	_ =	shalt  }
0x5a: {  	_ =	shalt  }
0x5b: {  	_ =	shalt  }
0x5c: {  	_ =	shalt  }
0x5d: {  	_ =	shalt  }
0x5e: {  	_ =	shalt  }
0x5f: {  	_ =	shalt  }
0x60: {  	_ =	shalt  }
0x61: {  	_ =	shalt  }
0x62: {  	_ =	shalt  }
0x63: {  	_ =	shalt  }
0x64: {  	_ =	shalt  }
0x65: {  	_ =	shalt  }
0x66: {  	_ =	shalt  }
0x67: {  	_ =	shalt  }
0x68: {  	_ =	shalt  }
0x69: {  	_ =	shalt  }
0x6a: {  	_ =	shalt  }
0x6b: {  	_ =	shalt  }
0x6c: {  	_ =	shalt  }
0x6d: {  	_ =	shalt  }
0x6e: {  	_ =	shalt  }
0x6f: {  	_ =	shalt  }
0x70: {  	_ =	shalt  }
0x71: {  	_ =	shalt  }
0x72: {  	_ =	shalt  }
0x73: {  	_ =	shalt  }
0x74: {  	_ =	shalt  }
0x75: {  	_ =	shalt  }
0x76: {  	_ =	shalt  }
0x77: {  	_ =	shalt  }
0x78: {  	_ =	shalt  }
0x79: {  	_ =	shalt  }
0x7a: {  	_ =	shalt  }
0x7b: {  	_ =	shalt  }
0x7c: {  	_ =	shalt  }
0x7d: {  	_ =	shalt  }
0x7e: {  	_ =	shalt  }
0x7f: {  	_ =	shalt  }
0x80: {  	_ =	shalt  }
0x81: {  	_ =	shalt  }
0x82: {  	_ =	shalt  }
0x83: {  	_ =	shalt  }
0x84: {  	_ =	shalt  }
0x85: {  	_ =	shalt  }
0x86: {  	_ =	shalt  }
0x87: {  	_ =	shalt  }
.Lfunc_end0:
.L_simem_size_0:
called_computation.1_lowered:
.L_overlay_start_0:
0x88: {  	s2 =	sld [smem:$0x3FD9]  }
0x89: {  	s3 =	sld [smem:$0x3FFE];
	_ =	sdelay $0x1  }
0x8a: {  	s1 =	srdreg.scid  }
0x8b: {  	s0 =	sand.u32 $0x1, s1  }
0x8c: {  	s17 =	sshll.u32 s0, $0xA;
	s2 =	sadd.s32 s3, s2  }
0x8d: {  	s2 =	sadd.s32 s2, s17  }
0x8e: {  	[smem:$0x3FC0] =	sst s2  }
0x8f: {  	_ = 	snop  }
0x90: {  	s2 =	sld [smem:$0x3FD0];
	(tm) =	ssettm $0x1  }
0x91: {  	s18 =	sld [smem:$0x3FFB];
	_ =	sdelay $0x3  }
0x92: {  	_ =	strace s18  }
0x93: {  	s3 =	sld [smem:$0x3FFC];
	_ =	sdelay $0x3  }
0x94: {  	_ =	strace s3  }
0x95: {  	s3 =	sld [smem:$0x3FFD];
	_ =	sdelay $0x3  }
0x96: {  	_ =	strace s3  }
0x97: {  	_ =	strace $0x8FFFFFFF  }
0x98: {  	s19 =	sld [smem:$0x3FDB];
	_ =	sdelay $0x1  }
0x99: {  	s4 =	simm.s32 $_scs_section_size  }
0x9a: {  	s5 =	simm.s32 $_size__tile_overlayer_lowered;
	s6 =	simm.s32 $_tile_overlayer_lowered  }
0x9b: {  	s22 =	simm.s32 $0x1BFF;
	s21 =	sshll.u32 s6, $0x1;
	s3 =	sadd.s32 s4, s19  }
0x9c: {  	s7 =	simm.s32 $0x0;
	s20 =	sshll.u32 s5, $0x1;
	s5 =	sadd.s32 s21, s3  }
0x9d: {  	[timem:s7], [sflag:s22] =	dma.local [hbm:s5], s20  }
0x9e: {  	_ =	swait.ge [sflag:s22], s20  }
0x9f: {  	s4 =	ssub.s32 $0x0, s20;
	[sflag:s22] =	ssyncset.done $0x0  }
0xa0: {  	[sflag:s22] =	ssyncadd.s32 s4;
	_ =	sdelay $0x1  }
0xa1: {  	s23 =	simm.s32 $0x1B8B  }
0xa2: {  	_ =	swait.ge [sflag:s23], $0x1  }
0xa3: {  	[sflag:s23] =	ssyncset.done $0x0  }
0xa4: {  	s25 =	simm.s32 $0x1B8E;
	s24 =	sld [smem:$0x3FFE];
	[sflag:s23] =	ssyncadd.s32 $0xFFFFFFFF  }
0xa5: {  	s26 =	simm.s32 $execute0_lowered;
	[smem:$0x3FD2] =	sst s25  }
0xa6: {  	s5 =	sshll.u32 s26, $0x1;
	_ =	strace $0x80000049;
	[dreg:$0x1] =	wrdreg $0xFFFFFFFF  }
0xa7: {  	s28 =	simm.s32 $_size_execute0_lowered;
	s3 =	sadd.s32 s3, s5;
	[dreg:$0x0] =	wrdreg $0x0  }
0xa8: {  	s5 =	sshll.u32 s28, $0x1;
	[dreg:$0x2] =	wrdreg s3  }
0xa9: {  	[dreg:$0x3] =	wrdreg s5  }
0xaa: {  	[dreg:$0x4] =	wrdreg $0xC0  }
0xab: {  	_ =	task [dreg:s7], $0x5FFFF  }
0xac: {  	[dreg:$0x1] =	wrdreg $0xFFFFFFFF  }
0xad: {  	[dreg:$0x0] =	wrdreg $0x60  }
0xae: {  	[dreg:$0x2] =	wrdreg s24  }
0xaf: {  	[dreg:$0x3] =	wrdreg s2  }
0xb0: {  	[dreg:$0x4] =	wrdreg $0xB7800  }
0xb1: {  	[dreg:$0x5] =	wrdreg $0x9  }
0xb2: {  	_ =	task.clear_ibuf [dreg:s7], $0x6FFFF;
	_ =	strace $0x90000049  }
0xb3: {  	s29 =	simm.s32 $0x9;
	_ =	strace $0x8000004B  }
0xb4: {  	_ =	swait.ge [sflag:s29], $0x1  }
0xb5: {  	[sflag:s29] =	ssyncadd.s32 $0xFFFFFFFF  }
0xb6: {  	_ =	strace $0x9000004B  }
0xb7: {  	_ =	sfence  }
0xb8: {  	s30 =	sld [smem:$0x0];
	_ =	sdelay $0x2  }
0xb9: {  	s31 =	sshll.u32 s1, $0xD;
	s1 =	sshrl.u32 s1, $0x2  }
0xba: {  	s3 =	sand.u32 $0x4000, s31;
	s1 =	sadd.s32 s1, s30  }
0xbb: {  	s0 =	sor.u32 s3, s0;
	s1 =	sshll.u32 s1, $0x11  }
0xbc: {  	s0 =	sor.u32 s1, s0  }
0xbd: {  	s0 =	sadd.s32 $0x8F2B, s0  }
0xbe: {  	[sflag:s0] =	ssyncadd.remote.s32 $0x1  }
0xbf: {  	_ =	sfence.sel $0xFFFF  }
0xc0: {  	[dreg:$0x0] =	wrdreg $0xFFFFFFFF;
	(pc) =	sbr.abs _section_cstart, $3  }
0xc1: {  	[dreg:$0x1] =	wrdreg $0xFFFFFFFF  }
0xc2: {  	_ =	task.clear_ibuf [dreg:s7], $0x2FFFF;
	_ =	strace $0x9FFFFFFF  }
0xc3: {  	(tm) =	ssettm $0x7FFFFFFF  }
tec
execute0_lowered:
.L_overlay_start_1:
0x0: {  	(tag) =	ssettag $0x1  }
0x1: {  	s5 =	rddreg [dreg:$0x0]  }
0x2: {  	s6 =	rddreg [dreg:$0x1]  }
0x3: {  	s1 =	rddreg [dreg:$0x2]  }
0x4: {  	s2 =	srdreg.scid;
	s16 =	stileid.u32  }
0x5: {  	s14 =	simm.s32 $0x6780;
	s15 =	simm.s32 $0x8F80;
	s19 =	simm.s32 $0x4  }
0x6: {  	s21 =	simm.s32 $0x1;
	s22 =	simm.s32 $0x2;
	s28 =	simm.s32 $0x0  }
0x7: {  	s7 =	sand.u32 $0x1, s2;
	s2 =	simm.s32 $0x0;
	s24 =	smul.u32 $0x4E000, s16  }
0x8: {  	s10 =	sshll.u32 s16, $0x7;
	s11 =	sadd.s32 $0x3B400, s5;
	s13 =	smul.u32 $0x13800, s16  }
0x9: {  	s20 =	sadd.s32 $0x138000, s1;
	p0 =	sne.s32 s16, $0x0;
	s17 =	sshll.u32 s16, $0x6  }
0xa: {  	s3 =	sshll.u32 s7, $0x4;
	[smem:$0x7FF] =	sst s2;
	s23 =	sand.u32 $0x380, s10  }
0xb: {  	s12 =	ssub.s32 $0x2, s7;
	s7 =	smul.u32 $0x138800, s7;
	s17 =	sor.u32 $0x1C04, s17  }
0xc: {  	s20 =	sshrl.u32 @!p0 s20, $0x3;
	s4 =	sor.u32 s16, s3;
	_ =	strace $0x8000004A  }
0xd: {  	s3 =	sadd.s32 $0x14200, s5;
	s25 =	sshrl.u32 s12, $0x1;
	s26 =	sshrl.u32 s24, $0x2  }
0xe: {  	s16 =	simm.s32 $0x2780;
	s24 =	simm.s32 $0x6500;
	s8 =	sshll.u32 s4, $0xB  }
0xf: {  	s9 =	sshrl.u32 s4, $0x3;
	s4 =	sadd.s32 $0x11A00, s5;
	s29 =	sadd.s32 s13, s7  }
0x10: {  	s7 =	sshrl.u32 s7, $0x3;
	s18 =	sadd.s32 s26, s1;
	s13 =	simm.s32 $0x50  }
0x11: {  	s26 =	simm.s32 $0x6580;
	s8 =	sadd.s32 s8, s5;
	s9 =	smul.u32 $0x13C00, s9  }
0x12: {  	s30 =	sshrl.u32 s29, $0x3;
	s31 =	sadd.s32 s11, s7;
	s18 =	sshrl.u32 s18, $0x3  }
0x13: {  	s7 =	sadd.s32 s11, s30;
	s11 =	simm.s32 $0x400;
	s5 =	sor.u32 s23, s9  }
0x14: {  	s9 =	ssub.s32 s12, s25;
	s12 =	simm.s32 $0x3;
	s23 =	simm.s32 $0x6480  }
0x15: {  	s25 =	simm.s32 $0x26C0;
	s5 =	sshrl.u32 s5, $0x3;
	s9 =	smax.u32 s9, $0x1  }
0x16: {  	s5 =	sadd.s32 s6, s5;
	s6 =	sadd.s32 $0x1A00, s8;
	s8 =	sadd.s32 $0x27000, s31  }
.LBB2_1:
0x17: {  	s0 =	simm.s32 $0x80  }
0x18: {  	[tilespmem:s2], [sflag:$0x3] =	stream.strided.gather [hbm4b:s5+s0], $0x2780, s11, s0, $0x38;
	[tilespmem:$0x1F000] =	vst v63  }
0x19: {  	_ =	swait.ge [sflag:s12], $0x2780  }
0x1a: {  	[sflag:s12] =	ssyncset.done $0x0  }
0x1b: {  	[sflag:s12] =	ssyncadd.s32 $0xFFFFD880  }
0x1c: {  	[tilespmem:s14], [sflag:$0x1] =	stream.indirect.gather [hbm4b:s3+s13], $0x80, s2, s13, $0xb8;
	[tilespmem:$0x1F000] =	vst v63  }
0x1d: {  	_ = 	snop  }
0x1e: {  	[tilespmem:s15], [sflag:$0x2] =	stream.indirect.gather [hbm4b:s3+s13], $0x80, s13, s13, $0xb8;
	[tilespmem:$0x1F000] =	vst v63  }
0x1f: {  	_ = 	snop  }
0x20: {  	[tilespmem:s16], [sflag:$0x3] =	stream.linear.gather [hbm4b:s6+s2], $0x3E80, $0x38;
	[tilespmem:$0x1F000] =	vst v63  }
0x21: {  	[spmem:s18], [sflag:s17] =	dma.local [hbm:s4], $0x2700  }
0x22: {  	_ =	swait.ge [sflag:s19], $0x2700  }
0x23: {  	[sflag:s19] =	ssyncset.done $0x0  }
0x24: {  	s29 =	simm.s32 @!p0 $0x4;
	[sflag:s19] =	ssyncadd.s32 $0xFFFFD900  }
0x25: {  	[spmem:s20], [sflag:s17] =	dma.local @!p0 [hbm:s4], $0x100  }
0x26: {  	_ =	swait.ge @!p0 [sflag:s29], $0x100  }
0x27: {  	[sflag:s29] =	ssyncset.done @!p0 $0x0  }
0x28: {  	[sflag:s29] =	ssyncadd.s32 @!p0 $0xFFFFFF00  }
0x29: {  	_ =	swait.ge [sflag:s12], $0x3E80  }
0x2a: {  	[sflag:s12] =	ssyncset.done $0x0  }
0x2b: {  	[sflag:s12] =	ssyncadd.s32 $0xFFFFC180  }
0x2c: {  	[bflag:$0x0] =	sbarrier.arrive $0xFFFF  }
0x2d: {  	_ =	swait.ge [sflag:s21], $0x2800  }
0x2e: {  	[sflag:s21] =	ssyncset.done $0x0  }
0x2f: {  	s29 =	simm.s32 $0x2780;
	[sflag:s21] =	ssyncadd.s32 $0xFFFFD800  }
0x30: {  	[spmem:s1] =	stream.indirect.scatter.add.f32 [tilespmem:s14], [sflag:$0x4], $0x80, s29, s13, $0xb8;
	[tilespmem:$0x1F000] =	vst v63  }
0x31: {  	_ =	swait.ge [sflag:s19], $0x2800  }
0x32: {  	[sflag:s19] =	ssyncset.done $0x0  }
0x33: {  	s29 =	simm.s32 $0xA0;
	[sflag:s19] =	ssyncadd.s32 $0xFFFFD800  }
0x34: {  	[tilespmem:s14], [sflag:$0x1] =	stream.indirect.gather [hbm4b:s3+s13], $0x80, s29, s13, $0xb8;
	[tilespmem:$0x1F000] =	vst v63  }
0x35: {  	_ =	swait.ge [sflag:s22], $0x2800  }
0x36: {  	[sflag:s22] =	ssyncset.done $0x0  }
0x37: {  	s29 =	simm.s32 $0x2800;
	[sflag:s22] =	ssyncadd.s32 $0xFFFFD800  }
0x38: {  	[spmem:s1] =	stream.indirect.scatter.add.f32 [tilespmem:s15], [sflag:$0x4], $0x80, s29, s13, $0xb8;
	[tilespmem:$0x1F000] =	vst v63  }
0x39: {  	_ =	swait.ge [sflag:s19], $0x2800  }
0x3a: {  	s30 =	simm.s32 $0x400;
	[sflag:s19] =	ssyncset.done $0x0  }
0x3b: {  	s31 =	simm.s32 $0x190;
	s29 =	simm.s32 $0xF0;
	[sflag:s19] =	ssyncadd.s32 $0xFFFFD800  }
.LBB2_2:
0x3c: {  	[tilespmem:s15], [sflag:$0x2] =	stream.indirect.gather [hbm4b:s3+s13], $0x80, s29, s13, $0xb8;
	[tilespmem:$0x1F000] =	vst v63  }
0x3d: {  	s0 =	smov.u32 s30;
	s29 =	smov.u32 s31  }
0x3e: {  	p1 =	sne.s32 s30, $0xF000;
	s30 =	sadd.s32 $0x400, s30;
	_ =	swait.ge [sflag:s21], $0x2800  }
0x3f: {  	s0 =	sshra.s32 s0, $0x2;
	[sflag:s21] =	ssyncset.done $0x0  }
0x40: {  	s10 =	sadd.s32 $0x2780, s0;
	[sflag:s21] =	ssyncadd.s32 $0xFFFFD800  }
0x41: {  	[spmem:s1] =	stream.indirect.scatter.add.f32 [tilespmem:s14], [sflag:$0x4], $0x80, s10, s13, $0xb8;
	[tilespmem:$0x1F000] =	vst v63  }
0x42: {  	_ =	swait.ge [sflag:s19], $0x2800  }
0x43: {  	[sflag:s19] =	ssyncset.done $0x0  }
0x44: {  	s10 =	sadd.s32 $0xFFFFFFB0, s31;
	[sflag:s19] =	ssyncadd.s32 $0xFFFFD800  }
0x45: {  	[tilespmem:s14], [sflag:$0x1] =	stream.indirect.gather [hbm4b:s3+s13], $0x80, s10, s13, $0xb8;
	[tilespmem:$0x1F000] =	vst v63  }
0x46: {  	_ =	swait.ge [sflag:s22], $0x2800  }
0x47: {  	[sflag:s22] =	ssyncset.done $0x0  }
.Ltmp0:
0x48: {  	s0 =	sadd.s32 $0x2800, s0;
	[sflag:s22] =	ssyncadd.s32 $0xFFFFD800;
	(pc) =	sbr.rel @p1 .LBB2_2-.Ltmp0, $4  }
0x49: {  	[spmem:s1] =	stream.indirect.scatter.add.f32 [tilespmem:s15], [sflag:$0x4], $0x80, s0, s13, $0xb8;
	[tilespmem:$0x1F000] =	vst v63  }
0x4a: {  	_ =	swait.ge [sflag:s19], $0x2800  }
0x4b: {  	[sflag:s19] =	ssyncset.done $0x0  }
0x4c: {  	s31 =	sadd.s32 $0xA0, s31;
	[sflag:s19] =	ssyncadd.s32 $0xFFFFD800  }
0x4d: {  	[tilespmem:s15], [sflag:$0x2] =	stream.indirect.gather [hbm4b:s3+s13], $0x80, s29, s13, $0xb8;
	[tilespmem:$0x1F000] =	vst v63  }
0x4e: {  	_ =	swait.ge [sflag:s21], $0x2800  }
0x4f: {  	[sflag:s21] =	ssyncset.done $0x0  }
0x50: {  	[sflag:s21] =	ssyncadd.s32 $0xFFFFD800  }
0x51: {  	[spmem:s1] =	stream.indirect.scatter.add.f32 [tilespmem:s14], [sflag:$0x4], $0x80, s23, s13, $0xb8;
	[tilespmem:$0x1F000] =	vst v63  }
0x52: {  	_ =	swait.ge [sflag:s19], $0x2800  }
0x53: {  	[sflag:s19] =	ssyncset.done $0x0  }
0x54: {  	[sflag:s19] =	ssyncadd.s32 $0xFFFFD800  }
0x55: {  	_ =	swait.ge [sflag:s22], $0x2800  }
0x56: {  	[sflag:s22] =	ssyncset.done $0x0  }
0x57: {  	[sflag:s22] =	ssyncadd.s32 $0xFFFFD800  }
0x58: {  	[spmem:s1] =	stream.indirect.scatter.add.f32 [tilespmem:s15], [sflag:$0x4], $0x80, s24, s13, $0xb8;
	[tilespmem:$0x1F000] =	vst v63  }
0x59: {  	_ =	swait.ge [sflag:s19], $0x2800  }
0x5a: {  	[sflag:s19] =	ssyncset.done $0x0  }
0x5b: {  	[sflag:s19] =	ssyncadd.s32 $0xFFFFD800  }
0x5c: {  	[tilespmem:s14], [sflag:$0x1] =	stream.indirect.gather [hbm4b:s3+s13], $0x80, s25, s13, $0xb8;
	[tilespmem:$0x1F000] =	vst v63  }
0x5d: {  	_ =	swait.ge [sflag:s21], $0x2800  }
0x5e: {  	[sflag:s21] =	ssyncset.done $0x0  }
0x5f: {  	[sflag:s21] =	ssyncadd.s32 $0xFFFFD800  }
0x60: {  	[spmem:s1] =	stream.indirect.scatter.add.f32 [tilespmem:s14], [sflag:$0x4], $0x80, s26, s13, $0xb8;
	[tilespmem:$0x1F000] =	vst v63  }
0x61: {  	_ =	swait.ge [sflag:s19], $0x2800  }
0x62: {  	[sflag:s19] =	ssyncset.done $0x0  }
0x63: {  	[sflag:s19] =	ssyncadd.s32 $0xFFFFD800  }
0x64: {  	[bflag:$0x0] =	sbarrier.arrive $0xFFFF  }
0x65: {  	[hbm:s7], [sflag:s17] =	dma.local [spmem:s18], $0x2700  }
0x66: {  	s28 =	sadd.s32 $0x1, s28;
	_ =	swait.ge [sflag:s19], $0x2700  }
0x67: {  	p1 =	sne.s32 s28, s9;
	[sflag:s19] =	ssyncset.done $0x0  }
.Ltmp1:
0x68: {  	s0 =	simm.s32 @!p0 $0x4;
	[sflag:s19] =	ssyncadd.s32 $0xFFFFD900;
	(pc) =	sbr.rel @p1 .LBB2_1-.Ltmp1, $4  }
0x69: {  	[hbm:s8], [sflag:s17] =	dma.local @!p0 [spmem:s20], $0x100  }
0x6a: {  	_ =	swait.ge @!p0 [sflag:s0], $0x100  }
0x6b: {  	[sflag:s0] =	ssyncset.done @!p0 $0x0  }
0x6c: {  	[sflag:s0] =	ssyncadd.s32 @!p0 $0xFFFFFF00  }
0x6d: {  	_ =	sfence.sel $0x180000  }
0x6e: {  	[bflag:$0x0] =	sbarrier.arrive $0xFFFF  }
0x6f: {  	_ =	strace $0x9000004A  }
0x70: {  	[bflag:$0x2] =	sbarrier.arrive $0xFFFF  }
0x71: {  	s0 =	rddreg [dreg:$0x3]  }
0x72: {  	s0 =	sadd.s32 @!p0 $0x100000, s0  }
0x73: {  	[sflag:s0] =	ssyncadd.tile.s32 @!p0 $0x1;
	_ =	shalt  }
.Lfunc_end2:
_tile_overlayer_lowered:
.L_overlay_start_2:
0x74: {  	(tag) =	ssettag $0x2  }
0x75: {  	s0 =	rddreg [dreg:$0x0];
	s2 =	stileid.u32  }
0x76: {  	s1 =	rddreg [dreg:$0x1];
	p0 =	sne.s32 s2, $0x0  }
0x77: {  	s3 =	rddreg [dreg:$0x2];
	[bflag:$0x3] =	sbarrier.arrive $0xFFFF;
	s2 =	simm.s32 @!p0 $0x1C04  }
0x78: {  	[timem:s3], [sflag:s2] =	dma.local @!p0 [hbm:s0], s1  }
0x79: {  	s0 =	simm.s32 @!p0 $0x4  }
0x7a: {  	_ =	swait.ge @!p0 [sflag:s0], s1  }
0x7b: {  	s1 =	ssub.s32 @!p0 $0x0, s1;
	[sflag:s0] =	ssyncset.done @!p0 $0x0  }
0x7c: {  	[sflag:s0] =	ssyncadd.s32 @!p0 s1  }
0x7d: {  	[bflag:$0x3] =	sbarrier.arrive $0xFFFF  }
0x7e: {  	_ =	shalt  }

// kernel: kernel.14.cloned.1.call-start
scs
__scs_entry_jumppad:
0x0: {  	(pc) =	sbr.rel $0x88, $3  }
0x1: {  	(tag) =	ssettag $0x0;
	lr =	simm.s32 $0x1  }
0x2: {  	[smem:$0x3F99] =	sst lr;
	_ =	strace $0xD0000000  }
0x3: {  	_ = 	snop  }
0x4: {  	_ = 	snop  }
0x5: {  	_ = 	snop  }
0x6: {  	_ = 	snop  }
0x7: {  	_ = 	snop  }
__scs_overlays_trampoline_lowered:
0x8: {  	[smem:$0x3FA8] =	sst s0  }
0x9: {  	[smem:$0x3FA9] =	sst s1  }
0xa: {  	[smem:$0x3FAA] =	sst s2  }
0xb: {  	[smem:$0x3FAB] =	sst s3  }
0xc: {  	[smem:$0x3FAC] =	sst s4  }
0xd: {  	[smem:$0x3FAD] =	sst s5  }
0xe: {  	[smem:$0x3FAE] =	sst s6  }
0xf: {  	[smem:$0x3FAF] =	sst s7  }
0x10: {  	[smem:$0x3FB0] =	sst s8  }
0x11: {  	[smem:$0x3FB1] =	sst s9;
	s0 =	simm.s32 @!p0 $0x0  }
0x12: {  	s1 =	sld [smem:$0x3F97];
	s0 =	simm.s32 @p0 $0x1  }
0x13: {  	[smem:$0x3FB2] =	sst s0;
	s0 =	simm.s32 @!p1 $0x0  }
0x14: {  	s2 =	sld [smem:$0x3F96];
	s0 =	simm.s32 @p1 $0x1  }
0x15: {  	[smem:$0x3FB3] =	sst s0;
	s0 =	simm.s32 @!p2 $0x0  }
0x16: {  	s3 =	sld [smem:$0x3FDB];
	s0 =	simm.s32 @p2 $0x1  }
0x17: {  	s4 =	simm.s32 $0x1BF5;
	[smem:$0x3FB5] =	sst s0  }
0x18: {  	s0 =	sld [smem:$0x3F98];
	_ =	swait.ge [sflag:s4], $0x0  }
0x19: {  	s7 =	sld [smem:$0x3F99]  }
0x1a: {  	s8 =	sadd.s32 $0xFFFFE003, lr  }
0x1b: {  	s9 =	sadd.s32 $0xFFFFFEF7, lr;
	s5 =	simm.s32 $0xFFFFFFFF;
	p2 =	slt.u32 s8, $0xFFFFF086  }
0x1c: {  	p1 =	slt.u32 s9, $0xF7A;
	s5 =	simm.s32 @!p2 $0x0  }
0x1d: {  	s5 =	simm.s32 @p1 $0x1;
	p0 =	seq.s32 s7, s2  }
0x1e: {  	s7 =	smul.u32 @!p0 $0xF7A, s2;
	p2 =	seq.s32 @!p0 s5, $0x0  }
0x1f: {  	s9 =	smul.u32 $0xF7A, s1;
	s8 =	simm.s32 @!p0 $0x1BF5;
	p2 =	por !p2, p0  }
0x20: {  	[sflag:s8] =	ssyncset.s32 @!p0 $0xFFFFF086;
	s6 =	sadd.s32 @!p0 s3, s7;
	s7 =	simm.s32 @!p0 $0x108  }
0x21: {  	s3 =	sadd.s32 s3, s9;
	s6 =	sadd.s32 @!p0 $0x88, s6;
	s7 =	simm.s32 @p2 $0x1082  }
0x22: {  	[simem:s7], [sflag:s8] =	dma.local @!p0 [hbm:s6], $0xF7A  }
0x23: {  	s9 =	sor.u32 $0xD0000000, s2;
	s6 =	simm.s32 $0x108;
	_ =	swait.ge @!p0 [sflag:s8], $0x0  }
0x24: {  	s3 =	sadd.s32 $0x88, s3;
	s6 =	simm.s32 @!p1 $0x1082;
	[sflag:s4] =	ssyncset.s32 $0xFFFFF086  }
0x25: {  	[simem:s6], [sflag:s4] =	dma.local [hbm:s3], $0xF7A  }
0x26: {  	[smem:$0x3F99] =	sst s1;
	(tag) =	ssettag s2;
	_ =	strace s9  }
0x27: {  	s1 =	sld [smem:$0x3FA9]  }
0x28: {  	s2 =	sld [smem:$0x3FAA]  }
0x29: {  	s4 =	sld [smem:$0x3FAC]  }
0x2a: {  	p0 =	seq.s32 s5, $0x0;
	s5 =	sld [smem:$0x3FAD]  }
0x2b: {  	s6 =	sld [smem:$0x3FAE]  }
0x2c: {  	s7 =	sld [smem:$0x3FAF]  }
0x2d: {  	s3 =	simm.s32 $0x108;
	s8 =	sld [smem:$0x3FB0]  }
0x2e: {  	s3 =	simm.s32 @!p0 $0x1082;
	s9 =	sld [smem:$0x3FB1]  }
0x2f: {  	lr =	sadd.s32 s0, s3;
	s0 =	sld [smem:$0x3FA8]  }
0x30: {  	s3 =	sld [smem:$0x3FAB]  }
0x31: {  	[smem:$0x3FB4] =	sst s10  }
0x32: {  	s10 =	sld [smem:$0x3FB2];
	_ =	sdelay $0x3  }
0x33: {  	p0 =	seq.s32 s10, $0x1;
	s10 =	sld [smem:$0x3FB4];
	_ =	sdelay $0x3  }
0x34: {  	[smem:$0x3FB4] =	sst s10  }
0x35: {  	s10 =	sld [smem:$0x3FB3];
	_ =	sdelay $0x3  }
0x36: {  	p1 =	seq.s32 s10, $0x1;
	s10 =	sld [smem:$0x3FB4];
	_ =	sdelay $0x3  }
0x37: {  	[smem:$0x3FB4] =	sst s10  }
0x38: {  	s10 =	sld [smem:$0x3FB5]  }
0x39: {  	_ = 	snop;
	(pc) =	sbr.ind lr, $3  }
0x3a: {  	_ = 	snop  }
0x3b: {  	_ = 	snop  }
0x3c: {  	p2 =	seq.s32 s10, $0x1;
	s10 =	sld [smem:$0x3FB4]  }
0x3d: {  	_ =	shalt  }
0x3e: {  	_ =	shalt  }
0x3f: {  	_ =	shalt  }
0x40: {  	_ =	shalt  }
0x41: {  	_ =	shalt  }
0x42: {  	_ =	shalt  }
0x43: {  	_ =	shalt  }
0x44: {  	_ =	shalt  }
0x45: {  	_ =	shalt  }
0x46: {  	_ =	shalt  }
0x47: {  	_ =	shalt  }
0x48: {  	_ =	shalt  }
0x49: {  	_ =	shalt  }
0x4a: {  	_ =	shalt  }
0x4b: {  	_ =	shalt  }
0x4c: {  	_ =	shalt  }
0x4d: {  	_ =	shalt  }
0x4e: {  	_ =	shalt  }
0x4f: {  	_ =	shalt  }
0x50: {  	_ =	shalt  }
0x51: {  	_ =	shalt  }
0x52: {  	_ =	shalt  }
0x53: {  	_ =	shalt  }
0x54: {  	_ =	shalt  }
0x55: {  	_ =	shalt  }
0x56: {  	_ =	shalt  }
0x57: {  	_ =	shalt  }
0x58: {  	_ =	shalt  }
0x59: {  	_ =	shalt  }
0x5a: {  	_ =	shalt  }
0x5b: {  	_ =	shalt  }
0x5c: {  	_ =	shalt  }
0x5d: {  	_ =	shalt  }
0x5e: {  	_ =	shalt  }
0x5f: {  	_ =	shalt  }
0x60: {  	_ =	shalt  }
0x61: {  	_ =	shalt  }
0x62: {  	_ =	shalt  }
0x63: {  	_ =	shalt  }
0x64: {  	_ =	shalt  }
0x65: {  	_ =	shalt  }
0x66: {  	_ =	shalt  }
0x67: {  	_ =	shalt  }
0x68: {  	_ =	shalt  }
0x69: {  	_ =	shalt  }
0x6a: {  	_ =	shalt  }
0x6b: {  	_ =	shalt  }
0x6c: {  	_ =	shalt  }
0x6d: {  	_ =	shalt  }
0x6e: {  	_ =	shalt  }
0x6f: {  	_ =	shalt  }
0x70: {  	_ =	shalt  }
0x71: {  	_ =	shalt  }
0x72: {  	_ =	shalt  }
0x73: {  	_ =	shalt  }
0x74: {  	_ =	shalt  }
0x75: {  	_ =	shalt  }
0x76: {  	_ =	shalt  }
0x77: {  	_ =	shalt  }
0x78: {  	_ =	shalt  }
0x79: {  	_ =	shalt  }
0x7a: {  	_ =	shalt  }
0x7b: {  	_ =	shalt  }
0x7c: {  	_ =	shalt  }
0x7d: {  	_ =	shalt  }
0x7e: {  	_ =	shalt  }
0x7f: {  	_ =	shalt  }
0x80: {  	_ =	shalt  }
0x81: {  	_ =	shalt  }
0x82: {  	_ =	shalt  }
0x83: {  	_ =	shalt  }
0x84: {  	_ =	shalt  }
0x85: {  	_ =	shalt  }
0x86: {  	_ =	shalt  }
0x87: {  	_ =	shalt  }
.Lfunc_end0:
.L_simem_size_0:
called_computation.2_lowered:
.L_overlay_start_0:
0x88: {  	s2 =	sld [smem:$0x3FD9]  }
0x89: {  	s3 =	sld [smem:$0x3FFE];
	_ =	sdelay $0x1  }
0x8a: {  	s1 =	srdreg.scid  }
0x8b: {  	s0 =	sand.u32 $0x1, s1  }
0x8c: {  	s17 =	sshll.u32 s0, $0xA;
	s2 =	sadd.s32 s3, s2  }
0x8d: {  	s2 =	sadd.s32 s2, s17  }
0x8e: {  	[smem:$0x3FC0] =	sst s2  }
0x8f: {  	_ = 	snop  }
0x90: {  	s2 =	sld [smem:$0x3FD0];
	(tm) =	ssettm $0x1  }
0x91: {  	s18 =	sld [smem:$0x3FFB];
	_ =	sdelay $0x3  }
0x92: {  	_ =	strace s18  }
0x93: {  	s3 =	sld [smem:$0x3FFC];
	_ =	sdelay $0x3  }
0x94: {  	_ =	strace s3  }
0x95: {  	s3 =	sld [smem:$0x3FFD];
	_ =	sdelay $0x3  }
0x96: {  	_ =	strace s3  }
0x97: {  	_ =	strace $0x8FFFFFFF  }
0x98: {  	s19 =	sld [smem:$0x3FDB];
	_ =	sdelay $0x1  }
0x99: {  	s4 =	simm.s32 $_scs_section_size  }
0x9a: {  	s5 =	simm.s32 $_size__tile_overlayer_lowered;
	s6 =	simm.s32 $_tile_overlayer_lowered  }
0x9b: {  	s22 =	simm.s32 $0x1BFF;
	s21 =	sshll.u32 s6, $0x1;
	s3 =	sadd.s32 s4, s19  }
0x9c: {  	s7 =	simm.s32 $0x0;
	s20 =	sshll.u32 s5, $0x1;
	s5 =	sadd.s32 s21, s3  }
0x9d: {  	[timem:s7], [sflag:s22] =	dma.local [hbm:s5], s20  }
0x9e: {  	_ =	swait.ge [sflag:s22], s20  }
0x9f: {  	s4 =	ssub.s32 $0x0, s20;
	[sflag:s22] =	ssyncset.done $0x0  }
0xa0: {  	[sflag:s22] =	ssyncadd.s32 s4;
	_ =	sdelay $0x1  }
0xa1: {  	s23 =	simm.s32 $0x1B8B  }
0xa2: {  	_ =	swait.ge [sflag:s23], $0x1  }
0xa3: {  	[sflag:s23] =	ssyncset.done $0x0  }
0xa4: {  	s25 =	simm.s32 $0x1B8E;
	s24 =	sld [smem:$0x3FFE];
	[sflag:s23] =	ssyncadd.s32 $0xFFFFFFFF  }
0xa5: {  	s26 =	simm.s32 $execute0_lowered;
	[smem:$0x3FD2] =	sst s25  }
0xa6: {  	s5 =	sshll.u32 s26, $0x1;
	_ =	strace $0x8000004C;
	[dreg:$0x1] =	wrdreg $0xFFFFFFFF  }
0xa7: {  	s28 =	simm.s32 $_size_execute0_lowered;
	s3 =	sadd.s32 s3, s5;
	[dreg:$0x0] =	wrdreg $0x0  }
0xa8: {  	s5 =	sshll.u32 s28, $0x1;
	[dreg:$0x2] =	wrdreg s3  }
0xa9: {  	[dreg:$0x3] =	wrdreg s5  }
0xaa: {  	[dreg:$0x4] =	wrdreg $0xC0  }
0xab: {  	_ =	task [dreg:s7], $0x5FFFF  }
0xac: {  	[dreg:$0x1] =	wrdreg $0xFFFFFFFF  }
0xad: {  	[dreg:$0x0] =	wrdreg $0x60  }
0xae: {  	[dreg:$0x2] =	wrdreg s24  }
0xaf: {  	[dreg:$0x3] =	wrdreg s2  }
0xb0: {  	[dreg:$0x4] =	wrdreg $0xB7800  }
0xb1: {  	[dreg:$0x5] =	wrdreg $0x9  }
0xb2: {  	_ =	task.clear_ibuf [dreg:s7], $0x6FFFF;
	_ =	strace $0x9000004C  }
0xb3: {  	s29 =	simm.s32 $0x9;
	_ =	strace $0x8000004E  }
0xb4: {  	_ =	swait.ge [sflag:s29], $0x1  }
0xb5: {  	[sflag:s29] =	ssyncadd.s32 $0xFFFFFFFF  }
0xb6: {  	_ =	strace $0x9000004E  }
0xb7: {  	_ =	sfence  }
0xb8: {  	s30 =	sld [smem:$0x0];
	_ =	sdelay $0x2  }
0xb9: {  	s31 =	sshll.u32 s1, $0xD;
	s1 =	sshrl.u32 s1, $0x2  }
0xba: {  	s3 =	sand.u32 $0x4000, s31;
	s1 =	sadd.s32 s1, s30  }
0xbb: {  	s0 =	sor.u32 s3, s0;
	s1 =	sshll.u32 s1, $0x11  }
0xbc: {  	s0 =	sor.u32 s1, s0  }
0xbd: {  	s0 =	sadd.s32 $0x8F2B, s0  }
0xbe: {  	[sflag:s0] =	ssyncadd.remote.s32 $0x1  }
0xbf: {  	_ =	sfence.sel $0xFFFF  }
0xc0: {  	[dreg:$0x0] =	wrdreg $0xFFFFFFFF;
	(pc) =	sbr.abs _section_cstart, $3  }
0xc1: {  	[dreg:$0x1] =	wrdreg $0xFFFFFFFF  }
0xc2: {  	_ =	task.clear_ibuf [dreg:s7], $0x2FFFF;
	_ =	strace $0x9FFFFFFF  }
0xc3: {  	(tm) =	ssettm $0x7FFFFFFF  }
tec
execute0_lowered:
.L_overlay_start_1:
0x0: {  	(tag) =	ssettag $0x1  }
0x1: {  	s5 =	rddreg [dreg:$0x0]  }
0x2: {  	s6 =	rddreg [dreg:$0x1]  }
0x3: {  	s1 =	rddreg [dreg:$0x2]  }
0x4: {  	s2 =	srdreg.scid;
	s16 =	stileid.u32  }
0x5: {  	s14 =	simm.s32 $0x6780;
	s15 =	simm.s32 $0x8F80;
	s19 =	simm.s32 $0x4  }
0x6: {  	s21 =	simm.s32 $0x1;
	s22 =	simm.s32 $0x2;
	s28 =	simm.s32 $0x0  }
0x7: {  	s7 =	sand.u32 $0x1, s2;
	s2 =	simm.s32 $0x0;
	s24 =	smul.u32 $0x4E000, s16  }
0x8: {  	s10 =	sshll.u32 s16, $0x7;
	s11 =	sadd.s32 $0x3B400, s5;
	s13 =	smul.u32 $0x13800, s16  }
0x9: {  	s20 =	sadd.s32 $0x138000, s1;
	p0 =	sne.s32 s16, $0x0;
	s17 =	sshll.u32 s16, $0x6  }
0xa: {  	s3 =	sshll.u32 s7, $0x4;
	[smem:$0x7FF] =	sst s2;
	s23 =	sand.u32 $0x380, s10  }
0xb: {  	s12 =	ssub.s32 $0x2, s7;
	s7 =	smul.u32 $0x138800, s7;
	s17 =	sor.u32 $0x1C04, s17  }
0xc: {  	s20 =	sshrl.u32 @!p0 s20, $0x3;
	s4 =	sor.u32 s16, s3;
	_ =	strace $0x8000004D  }
0xd: {  	s3 =	sadd.s32 $0x14200, s5;
	s25 =	sshrl.u32 s12, $0x1;
	s26 =	sshrl.u32 s24, $0x2  }
0xe: {  	s16 =	simm.s32 $0x2780;
	s24 =	simm.s32 $0x6500;
	s8 =	sshll.u32 s4, $0xB  }
0xf: {  	s9 =	sshrl.u32 s4, $0x3;
	s4 =	sadd.s32 $0x11A00, s5;
	s29 =	sadd.s32 s13, s7  }
0x10: {  	s7 =	sshrl.u32 s7, $0x3;
	s18 =	sadd.s32 s26, s1;
	s13 =	simm.s32 $0x50  }
0x11: {  	s26 =	simm.s32 $0x6580;
	s8 =	sadd.s32 s8, s5;
	s9 =	smul.u32 $0x13C00, s9  }
0x12: {  	s30 =	sshrl.u32 s29, $0x3;
	s31 =	sadd.s32 s11, s7;
	s18 =	sshrl.u32 s18, $0x3  }
0x13: {  	s7 =	sadd.s32 s11, s30;
	s11 =	simm.s32 $0x400;
	s5 =	sor.u32 s23, s9  }
0x14: {  	s9 =	ssub.s32 s12, s25;
	s12 =	simm.s32 $0x3;
	s23 =	simm.s32 $0x6480  }
0x15: {  	s25 =	simm.s32 $0x26C0;
	s5 =	sshrl.u32 s5, $0x3;
	s9 =	smax.u32 s9, $0x1  }
0x16: {  	s5 =	sadd.s32 s6, s5;
	s6 =	sadd.s32 $0x1A00, s8;
	s8 =	sadd.s32 $0x27000, s31  }
.LBB2_1:
0x17: {  	s0 =	simm.s32 $0x80  }
0x18: {  	[tilespmem:s2], [sflag:$0x3] =	stream.strided.gather [hbm4b:s5+s0], $0x2780, s11, s0, $0x38;
	[tilespmem:$0x1F000] =	vst v63  }
0x19: {  	_ =	swait.ge [sflag:s12], $0x2780  }
0x1a: {  	[sflag:s12] =	ssyncset.done $0x0  }
0x1b: {  	[sflag:s12] =	ssyncadd.s32 $0xFFFFD880  }
0x1c: {  	[tilespmem:s14], [sflag:$0x1] =	stream.indirect.gather [hbm4b:s3+s13], $0x80, s2, s13, $0xb8;
	[tilespmem:$0x1F000] =	vst v63  }
0x1d: {  	_ = 	snop  }
0x1e: {  	[tilespmem:s15], [sflag:$0x2] =	stream.indirect.gather [hbm4b:s3+s13], $0x80, s13, s13, $0xb8;
	[tilespmem:$0x1F000] =	vst v63  }
0x1f: {  	_ = 	snop  }
0x20: {  	[tilespmem:s16], [sflag:$0x3] =	stream.linear.gather [hbm4b:s6+s2], $0x3E80, $0x38;
	[tilespmem:$0x1F000] =	vst v63  }
0x21: {  	[spmem:s18], [sflag:s17] =	dma.local [hbm:s4], $0x2700  }
0x22: {  	_ =	swait.ge [sflag:s19], $0x2700  }
0x23: {  	[sflag:s19] =	ssyncset.done $0x0  }
0x24: {  	s29 =	simm.s32 @!p0 $0x4;
	[sflag:s19] =	ssyncadd.s32 $0xFFFFD900  }
0x25: {  	[spmem:s20], [sflag:s17] =	dma.local @!p0 [hbm:s4], $0x100  }
0x26: {  	_ =	swait.ge @!p0 [sflag:s29], $0x100  }
0x27: {  	[sflag:s29] =	ssyncset.done @!p0 $0x0  }
0x28: {  	[sflag:s29] =	ssyncadd.s32 @!p0 $0xFFFFFF00  }
0x29: {  	_ =	swait.ge [sflag:s12], $0x3E80  }
0x2a: {  	[sflag:s12] =	ssyncset.done $0x0  }
0x2b: {  	[sflag:s12] =	ssyncadd.s32 $0xFFFFC180  }
0x2c: {  	[bflag:$0x0] =	sbarrier.arrive $0xFFFF  }
0x2d: {  	_ =	swait.ge [sflag:s21], $0x2800  }
0x2e: {  	[sflag:s21] =	ssyncset.done $0x0  }
0x2f: {  	s29 =	simm.s32 $0x2780;
	[sflag:s21] =	ssyncadd.s32 $0xFFFFD800  }
0x30: {  	[spmem:s1] =	stream.indirect.scatter.add.f32 [tilespmem:s14], [sflag:$0x4], $0x80, s29, s13, $0xb8;
	[tilespmem:$0x1F000] =	vst v63  }
0x31: {  	_ =	swait.ge [sflag:s19], $0x2800  }
0x32: {  	[sflag:s19] =	ssyncset.done $0x0  }
0x33: {  	s29 =	simm.s32 $0xA0;
	[sflag:s19] =	ssyncadd.s32 $0xFFFFD800  }
0x34: {  	[tilespmem:s14], [sflag:$0x1] =	stream.indirect.gather [hbm4b:s3+s13], $0x80, s29, s13, $0xb8;
	[tilespmem:$0x1F000] =	vst v63  }
0x35: {  	_ =	swait.ge [sflag:s22], $0x2800  }
0x36: {  	[sflag:s22] =	ssyncset.done $0x0  }
0x37: {  	s29 =	simm.s32 $0x2800;
	[sflag:s22] =	ssyncadd.s32 $0xFFFFD800  }
0x38: {  	[spmem:s1] =	stream.indirect.scatter.add.f32 [tilespmem:s15], [sflag:$0x4], $0x80, s29, s13, $0xb8;
	[tilespmem:$0x1F000] =	vst v63  }
0x39: {  	_ =	swait.ge [sflag:s19], $0x2800  }
0x3a: {  	s30 =	simm.s32 $0x400;
	[sflag:s19] =	ssyncset.done $0x0  }
0x3b: {  	s31 =	simm.s32 $0x190;
	s29 =	simm.s32 $0xF0;
	[sflag:s19] =	ssyncadd.s32 $0xFFFFD800  }
.LBB2_2:
0x3c: {  	[tilespmem:s15], [sflag:$0x2] =	stream.indirect.gather [hbm4b:s3+s13], $0x80, s29, s13, $0xb8;
	[tilespmem:$0x1F000] =	vst v63  }
0x3d: {  	s0 =	smov.u32 s30;
	s29 =	smov.u32 s31  }
0x3e: {  	p1 =	sne.s32 s30, $0xF000;
	s30 =	sadd.s32 $0x400, s30;
	_ =	swait.ge [sflag:s21], $0x2800  }
0x3f: {  	s0 =	sshra.s32 s0, $0x2;
	[sflag:s21] =	ssyncset.done $0x0  }
0x40: {  	s10 =	sadd.s32 $0x2780, s0;
	[sflag:s21] =	ssyncadd.s32 $0xFFFFD800  }
0x41: {  	[spmem:s1] =	stream.indirect.scatter.add.f32 [tilespmem:s14], [sflag:$0x4], $0x80, s10, s13, $0xb8;
	[tilespmem:$0x1F000] =	vst v63  }
0x42: {  	_ =	swait.ge [sflag:s19], $0x2800  }
0x43: {  	[sflag:s19] =	ssyncset.done $0x0  }
0x44: {  	s10 =	sadd.s32 $0xFFFFFFB0, s31;
	[sflag:s19] =	ssyncadd.s32 $0xFFFFD800  }
0x45: {  	[tilespmem:s14], [sflag:$0x1] =	stream.indirect.gather [hbm4b:s3+s13], $0x80, s10, s13, $0xb8;
	[tilespmem:$0x1F000] =	vst v63  }
0x46: {  	_ =	swait.ge [sflag:s22], $0x2800  }
0x47: {  	[sflag:s22] =	ssyncset.done $0x0  }
.Ltmp0:
0x48: {  	s0 =	sadd.s32 $0x2800, s0;
	[sflag:s22] =	ssyncadd.s32 $0xFFFFD800;
	(pc) =	sbr.rel @p1 .LBB2_2-.Ltmp0, $4  }
0x49: {  	[spmem:s1] =	stream.indirect.scatter.add.f32 [tilespmem:s15], [sflag:$0x4], $0x80, s0, s13, $0xb8;
	[tilespmem:$0x1F000] =	vst v63  }
0x4a: {  	_ =	swait.ge [sflag:s19], $0x2800  }
0x4b: {  	[sflag:s19] =	ssyncset.done $0x0  }
0x4c: {  	s31 =	sadd.s32 $0xA0, s31;
	[sflag:s19] =	ssyncadd.s32 $0xFFFFD800  }
0x4d: {  	[tilespmem:s15], [sflag:$0x2] =	stream.indirect.gather [hbm4b:s3+s13], $0x80, s29, s13, $0xb8;
	[tilespmem:$0x1F000] =	vst v63  }
0x4e: {  	_ =	swait.ge [sflag:s21], $0x2800  }
0x4f: {  	[sflag:s21] =	ssyncset.done $0x0  }
0x50: {  	[sflag:s21] =	ssyncadd.s32 $0xFFFFD800  }
0x51: {  	[spmem:s1] =	stream.indirect.scatter.add.f32 [tilespmem:s14], [sflag:$0x4], $0x80, s23, s13, $0xb8;
	[tilespmem:$0x1F000] =	vst v63  }
0x52: {  	_ =	swait.ge [sflag:s19], $0x2800  }
0x53: {  	[sflag:s19] =	ssyncset.done $0x0  }
0x54: {  	[sflag:s19] =	ssyncadd.s32 $0xFFFFD800  }
0x55: {  	_ =	swait.ge [sflag:s22], $0x2800  }
0x56: {  	[sflag:s22] =	ssyncset.done $0x0  }
0x57: {  	[sflag:s22] =	ssyncadd.s32 $0xFFFFD800  }
0x58: {  	[spmem:s1] =	stream.indirect.scatter.add.f32 [tilespmem:s15], [sflag:$0x4], $0x80, s24, s13, $0xb8;
	[tilespmem:$0x1F000] =	vst v63  }
0x59: {  	_ =	swait.ge [sflag:s19], $0x2800  }
0x5a: {  	[sflag:s19] =	ssyncset.done $0x0  }
0x5b: {  	[sflag:s19] =	ssyncadd.s32 $0xFFFFD800  }
0x5c: {  	[tilespmem:s14], [sflag:$0x1] =	stream.indirect.gather [hbm4b:s3+s13], $0x80, s25, s13, $0xb8;
	[tilespmem:$0x1F000] =	vst v63  }
0x5d: {  	_ =	swait.ge [sflag:s21], $0x2800  }
0x5e: {  	[sflag:s21] =	ssyncset.done $0x0  }
0x5f: {  	[sflag:s21] =	ssyncadd.s32 $0xFFFFD800  }
0x60: {  	[spmem:s1] =	stream.indirect.scatter.add.f32 [tilespmem:s14], [sflag:$0x4], $0x80, s26, s13, $0xb8;
	[tilespmem:$0x1F000] =	vst v63  }
0x61: {  	_ =	swait.ge [sflag:s19], $0x2800  }
0x62: {  	[sflag:s19] =	ssyncset.done $0x0  }
0x63: {  	[sflag:s19] =	ssyncadd.s32 $0xFFFFD800  }
0x64: {  	[bflag:$0x0] =	sbarrier.arrive $0xFFFF  }
0x65: {  	[hbm:s7], [sflag:s17] =	dma.local [spmem:s18], $0x2700  }
0x66: {  	s28 =	sadd.s32 $0x1, s28;
	_ =	swait.ge [sflag:s19], $0x2700  }
0x67: {  	p1 =	sne.s32 s28, s9;
	[sflag:s19] =	ssyncset.done $0x0  }
.Ltmp1:
0x68: {  	s0 =	simm.s32 @!p0 $0x4;
	[sflag:s19] =	ssyncadd.s32 $0xFFFFD900;
	(pc) =	sbr.rel @p1 .LBB2_1-.Ltmp1, $4  }
0x69: {  	[hbm:s8], [sflag:s17] =	dma.local @!p0 [spmem:s20], $0x100  }
0x6a: {  	_ =	swait.ge @!p0 [sflag:s0], $0x100  }
0x6b: {  	[sflag:s0] =	ssyncset.done @!p0 $0x0  }
0x6c: {  	[sflag:s0] =	ssyncadd.s32 @!p0 $0xFFFFFF00  }
0x6d: {  	_ =	sfence.sel $0x180000  }
0x6e: {  	[bflag:$0x0] =	sbarrier.arrive $0xFFFF  }
0x6f: {  	_ =	strace $0x9000004D  }
0x70: {  	[bflag:$0x2] =	sbarrier.arrive $0xFFFF  }
0x71: {  	s0 =	rddreg [dreg:$0x3]  }
0x72: {  	s0 =	sadd.s32 @!p0 $0x100000, s0  }
0x73: {  	[sflag:s0] =	ssyncadd.tile.s32 @!p0 $0x1;
	_ =	shalt  }
.Lfunc_end2:
_tile_overlayer_lowered:
.L_overlay_start_2:
0x74: {  	(tag) =	ssettag $0x2  }
0x75: {  	s0 =	rddreg [dreg:$0x0];
	s2 =	stileid.u32  }
0x76: {  	s1 =	rddreg [dreg:$0x1];
	p0 =	sne.s32 s2, $0x0  }
0x77: {  	s3 =	rddreg [dreg:$0x2];
	[bflag:$0x3] =	sbarrier.arrive $0xFFFF;
	s2 =	simm.s32 @!p0 $0x1C04  }
0x78: {  	[timem:s3], [sflag:s2] =	dma.local @!p0 [hbm:s0], s1  }
0x79: {  	s0 =	simm.s32 @!p0 $0x4  }
0x7a: {  	_ =	swait.ge @!p0 [sflag:s0], s1  }
0x7b: {  	s1 =	ssub.s32 @!p0 $0x0, s1;
	[sflag:s0] =	ssyncset.done @!p0 $0x0  }
0x7c: {  	[sflag:s0] =	ssyncadd.s32 @!p0 s1  }
0x7d: {  	[bflag:$0x3] =	sbarrier.arrive $0xFFFF  }
0x7e: {  	_ =	shalt  }

// kernel: kernel.8.cloned.1.call-start
scs
__scs_entry_jumppad:
0x0: {  	(pc) =	sbr.rel $0x88, $3  }
0x1: {  	(tag) =	ssettag $0x0;
	lr =	simm.s32 $0x1  }
0x2: {  	[smem:$0x3F99] =	sst lr;
	_ =	strace $0xD0000000  }
0x3: {  	_ = 	snop  }
0x4: {  	_ = 	snop  }
0x5: {  	_ = 	snop  }
0x6: {  	_ = 	snop  }
0x7: {  	_ = 	snop  }
__scs_overlays_trampoline_lowered:
0x8: {  	[smem:$0x3FA8] =	sst s0  }
0x9: {  	[smem:$0x3FA9] =	sst s1  }
0xa: {  	[smem:$0x3FAA] =	sst s2  }
0xb: {  	[smem:$0x3FAB] =	sst s3  }
0xc: {  	[smem:$0x3FAC] =	sst s4  }
0xd: {  	[smem:$0x3FAD] =	sst s5  }
0xe: {  	[smem:$0x3FAE] =	sst s6  }
0xf: {  	[smem:$0x3FAF] =	sst s7  }
0x10: {  	[smem:$0x3FB0] =	sst s8  }
0x11: {  	[smem:$0x3FB1] =	sst s9;
	s0 =	simm.s32 @!p0 $0x0  }
0x12: {  	s1 =	sld [smem:$0x3F97];
	s0 =	simm.s32 @p0 $0x1  }
0x13: {  	[smem:$0x3FB2] =	sst s0;
	s0 =	simm.s32 @!p1 $0x0  }
0x14: {  	s2 =	sld [smem:$0x3F96];
	s0 =	simm.s32 @p1 $0x1  }
0x15: {  	[smem:$0x3FB3] =	sst s0;
	s0 =	simm.s32 @!p2 $0x0  }
0x16: {  	s3 =	sld [smem:$0x3FDB];
	s0 =	simm.s32 @p2 $0x1  }
0x17: {  	s4 =	simm.s32 $0x1BF5;
	[smem:$0x3FB5] =	sst s0  }
0x18: {  	s0 =	sld [smem:$0x3F98];
	_ =	swait.ge [sflag:s4], $0x0  }
0x19: {  	s7 =	sld [smem:$0x3F99]  }
0x1a: {  	s8 =	sadd.s32 $0xFFFFE003, lr  }
0x1b: {  	s9 =	sadd.s32 $0xFFFFFEF7, lr;
	s5 =	simm.s32 $0xFFFFFFFF;
	p2 =	slt.u32 s8, $0xFFFFF086  }
0x1c: {  	p1 =	slt.u32 s9, $0xF7A;
	s5 =	simm.s32 @!p2 $0x0  }
0x1d: {  	s5 =	simm.s32 @p1 $0x1;
	p0 =	seq.s32 s7, s2  }
0x1e: {  	s7 =	smul.u32 @!p0 $0xF7A, s2;
	p2 =	seq.s32 @!p0 s5, $0x0  }
0x1f: {  	s9 =	smul.u32 $0xF7A, s1;
	s8 =	simm.s32 @!p0 $0x1BF5;
	p2 =	por !p2, p0  }
0x20: {  	[sflag:s8] =	ssyncset.s32 @!p0 $0xFFFFF086;
	s6 =	sadd.s32 @!p0 s3, s7;
	s7 =	simm.s32 @!p0 $0x108  }
0x21: {  	s3 =	sadd.s32 s3, s9;
	s6 =	sadd.s32 @!p0 $0x88, s6;
	s7 =	simm.s32 @p2 $0x1082  }
0x22: {  	[simem:s7], [sflag:s8] =	dma.local @!p0 [hbm:s6], $0xF7A  }
0x23: {  	s9 =	sor.u32 $0xD0000000, s2;
	s6 =	simm.s32 $0x108;
	_ =	swait.ge @!p0 [sflag:s8], $0x0  }
0x24: {  	s3 =	sadd.s32 $0x88, s3;
	s6 =	simm.s32 @!p1 $0x1082;
	[sflag:s4] =	ssyncset.s32 $0xFFFFF086  }
0x25: {  	[simem:s6], [sflag:s4] =	dma.local [hbm:s3], $0xF7A  }
0x26: {  	[smem:$0x3F99] =	sst s1;
	(tag) =	ssettag s2;
	_ =	strace s9  }
0x27: {  	s1 =	sld [smem:$0x3FA9]  }
0x28: {  	s2 =	sld [smem:$0x3FAA]  }
0x29: {  	s4 =	sld [smem:$0x3FAC]  }
0x2a: {  	p0 =	seq.s32 s5, $0x0;
	s5 =	sld [smem:$0x3FAD]  }
0x2b: {  	s6 =	sld [smem:$0x3FAE]  }
0x2c: {  	s7 =	sld [smem:$0x3FAF]  }
0x2d: {  	s3 =	simm.s32 $0x108;
	s8 =	sld [smem:$0x3FB0]  }
0x2e: {  	s3 =	simm.s32 @!p0 $0x1082;
	s9 =	sld [smem:$0x3FB1]  }
0x2f: {  	lr =	sadd.s32 s0, s3;
	s0 =	sld [smem:$0x3FA8]  }
0x30: {  	s3 =	sld [smem:$0x3FAB]  }
0x31: {  	[smem:$0x3FB4] =	sst s10  }
0x32: {  	s10 =	sld [smem:$0x3FB2];
	_ =	sdelay $0x3  }
0x33: {  	p0 =	seq.s32 s10, $0x1;
	s10 =	sld [smem:$0x3FB4];
	_ =	sdelay $0x3  }
0x34: {  	[smem:$0x3FB4] =	sst s10  }
0x35: {  	s10 =	sld [smem:$0x3FB3];
	_ =	sdelay $0x3  }
0x36: {  	p1 =	seq.s32 s10, $0x1;
	s10 =	sld [smem:$0x3FB4];
	_ =	sdelay $0x3  }
0x37: {  	[smem:$0x3FB4] =	sst s10  }
0x38: {  	s10 =	sld [smem:$0x3FB5]  }
0x39: {  	_ = 	snop;
	(pc) =	sbr.ind lr, $3  }
0x3a: {  	_ = 	snop  }
0x3b: {  	_ = 	snop  }
0x3c: {  	p2 =	seq.s32 s10, $0x1;
	s10 =	sld [smem:$0x3FB4]  }
0x3d: {  	_ =	shalt  }
0x3e: {  	_ =	shalt  }
0x3f: {  	_ =	shalt  }
0x40: {  	_ =	shalt  }
0x41: {  	_ =	shalt  }
0x42: {  	_ =	shalt  }
0x43: {  	_ =	shalt  }
0x44: {  	_ =	shalt  }
0x45: {  	_ =	shalt  }
0x46: {  	_ =	shalt  }
0x47: {  	_ =	shalt  }
0x48: {  	_ =	shalt  }
0x49: {  	_ =	shalt  }
0x4a: {  	_ =	shalt  }
0x4b: {  	_ =	shalt  }
0x4c: {  	_ =	shalt  }
0x4d: {  	_ =	shalt  }
0x4e: {  	_ =	shalt  }
0x4f: {  	_ =	shalt  }
0x50: {  	_ =	shalt  }
0x51: {  	_ =	shalt  }
0x52: {  	_ =	shalt  }
0x53: {  	_ =	shalt  }
0x54: {  	_ =	shalt  }
0x55: {  	_ =	shalt  }
0x56: {  	_ =	shalt  }
0x57: {  	_ =	shalt  }
0x58: {  	_ =	shalt  }
0x59: {  	_ =	shalt  }
0x5a: {  	_ =	shalt  }
0x5b: {  	_ =	shalt  }
0x5c: {  	_ =	shalt  }
0x5d: {  	_ =	shalt  }
0x5e: {  	_ =	shalt  }
0x5f: {  	_ =	shalt  }
0x60: {  	_ =	shalt  }
0x61: {  	_ =	shalt  }
0x62: {  	_ =	shalt  }
0x63: {  	_ =	shalt  }
0x64: {  	_ =	shalt  }
0x65: {  	_ =	shalt  }
0x66: {  	_ =	shalt  }
0x67: {  	_ =	shalt  }
0x68: {  	_ =	shalt  }
0x69: {  	_ =	shalt  }
0x6a: {  	_ =	shalt  }
0x6b: {  	_ =	shalt  }
0x6c: {  	_ =	shalt  }
0x6d: {  	_ =	shalt  }
0x6e: {  	_ =	shalt  }
0x6f: {  	_ =	shalt  }
0x70: {  	_ =	shalt  }
0x71: {  	_ =	shalt  }
0x72: {  	_ =	shalt  }
0x73: {  	_ =	shalt  }
0x74: {  	_ =	shalt  }
0x75: {  	_ =	shalt  }
0x76: {  	_ =	shalt  }
0x77: {  	_ =	shalt  }
0x78: {  	_ =	shalt  }
0x79: {  	_ =	shalt  }
0x7a: {  	_ =	shalt  }
0x7b: {  	_ =	shalt  }
0x7c: {  	_ =	shalt  }
0x7d: {  	_ =	shalt  }
0x7e: {  	_ =	shalt  }
0x7f: {  	_ =	shalt  }
0x80: {  	_ =	shalt  }
0x81: {  	_ =	shalt  }
0x82: {  	_ =	shalt  }
0x83: {  	_ =	shalt  }
0x84: {  	_ =	shalt  }
0x85: {  	_ =	shalt  }
0x86: {  	_ =	shalt  }
0x87: {  	_ =	shalt  }
.Lfunc_end0:
.L_simem_size_0:
called_computation_lowered:
.L_overlay_start_0:
0x88: {  	s2 =	sld [smem:$0x3FD9]  }
0x89: {  	s3 =	sld [smem:$0x3FFE];
	_ =	sdelay $0x1  }
0x8a: {  	s1 =	srdreg.scid  }
0x8b: {  	s0 =	sand.u32 $0x1, s1  }
0x8c: {  	s17 =	sshll.u32 s0, $0xA;
	s2 =	sadd.s32 s3, s2  }
0x8d: {  	s2 =	sadd.s32 s2, s17  }
0x8e: {  	[smem:$0x3FC0] =	sst s2  }
0x8f: {  	_ = 	snop  }
0x90: {  	s2 =	sld [smem:$0x3FC9]  }
0x91: {  	s18 =	sld [smem:$0x3FD0];
	(tm) =	ssettm $0x1  }
0x92: {  	s4 =	sld [smem:$0x3FFB];
	_ =	sdelay $0x3  }
0x93: {  	_ =	strace s4  }
0x94: {  	s4 =	sld [smem:$0x3FFC];
	_ =	sdelay $0x3  }
0x95: {  	_ =	strace s4  }
0x96: {  	s4 =	sld [smem:$0x3FFD];
	_ =	sdelay $0x3  }
0x97: {  	_ =	strace s4  }
0x98: {  	_ =	strace $0x8FFFFFFF  }
0x99: {  	s19 =	sld [smem:$0x3FDB];
	_ =	sdelay $0x1  }
0x9a: {  	s5 =	simm.s32 $_scs_section_size  }
0x9b: {  	s6 =	simm.s32 $_size__tile_overlayer_lowered;
	s7 =	simm.s32 $_tile_overlayer_lowered  }
0x9c: {  	s22 =	simm.s32 $0x1BFF;
	s21 =	sshll.u32 s7, $0x1;
	s4 =	sadd.s32 s5, s19  }
0x9d: {  	s8 =	simm.s32 $0x0;
	s20 =	sshll.u32 s6, $0x1;
	s6 =	sadd.s32 s21, s4  }
0x9e: {  	[timem:s8], [sflag:s22] =	dma.local [hbm:s6], s20  }
0x9f: {  	_ =	swait.ge [sflag:s22], s20  }
0xa0: {  	s5 =	ssub.s32 $0x0, s20;
	[sflag:s22] =	ssyncset.done $0x0  }
0xa1: {  	[sflag:s22] =	ssyncadd.s32 s5;
	_ =	sdelay $0x1  }
0xa2: {  	s23 =	simm.s32 $0x1B8B  }
0xa3: {  	_ =	swait.ge [sflag:s23], $0x1  }
0xa4: {  	[sflag:s23] =	ssyncset.done $0x0  }
0xa5: {  	s25 =	simm.s32 $0x1B8E;
	s24 =	sld [smem:$0x3FFE];
	[sflag:s23] =	ssyncadd.s32 $0xFFFFFFFF  }
0xa6: {  	s26 =	simm.s32 $execute0_lowered;
	[smem:$0x3FD2] =	sst s25  }
0xa7: {  	s6 =	sshll.u32 s26, $0x1;
	_ =	strace $0x80000046;
	[dreg:$0x1] =	wrdreg $0xFFFFFFFF  }
0xa8: {  	s28 =	simm.s32 $_size_execute0_lowered;
	s4 =	sadd.s32 s4, s6;
	[dreg:$0x0] =	wrdreg $0x0  }
0xa9: {  	s6 =	sshll.u32 s28, $0x1;
	[dreg:$0x2] =	wrdreg s4  }
0xaa: {  	[dreg:$0x3] =	wrdreg s6  }
0xab: {  	[dreg:$0x4] =	wrdreg $0xC0  }
0xac: {  	_ =	task [dreg:s8], $0x5FFFF  }
0xad: {  	[dreg:$0x1] =	wrdreg $0xFFFFFFFF  }
0xae: {  	[dreg:$0x0] =	wrdreg $0x60  }
0xaf: {  	[dreg:$0x2] =	wrdreg s2  }
0xb0: {  	[dreg:$0x3] =	wrdreg s18  }
0xb1: {  	[dreg:$0x4] =	wrdreg s24  }
0xb2: {  	[dreg:$0x5] =	wrdreg $0xB7800  }
0xb3: {  	[dreg:$0x6] =	wrdreg $0x9  }
0xb4: {  	_ =	task.clear_ibuf [dreg:s8], $0x7FFFF;
	_ =	strace $0x90000046  }
0xb5: {  	s29 =	simm.s32 $0x9;
	_ =	strace $0x80000048  }
0xb6: {  	_ =	swait.ge [sflag:s29], $0x1  }
0xb7: {  	[sflag:s29] =	ssyncadd.s32 $0xFFFFFFFF  }
0xb8: {  	_ =	strace $0x90000048  }
0xb9: {  	_ =	sfence  }
0xba: {  	s30 =	sld [smem:$0x0];
	_ =	sdelay $0x2  }
0xbb: {  	s31 =	sshll.u32 s1, $0xD;
	s1 =	sshrl.u32 s1, $0x2  }
0xbc: {  	s3 =	sand.u32 $0x4000, s31;
	s1 =	sadd.s32 s1, s30  }
0xbd: {  	s0 =	sor.u32 s3, s0;
	s1 =	sshll.u32 s1, $0x11  }
0xbe: {  	s0 =	sor.u32 s1, s0  }
0xbf: {  	s0 =	sadd.s32 $0x8F2B, s0  }
0xc0: {  	[sflag:s0] =	ssyncadd.remote.s32 $0x1  }
0xc1: {  	_ =	sfence.sel $0xFFFF  }
0xc2: {  	[dreg:$0x0] =	wrdreg $0xFFFFFFFF;
	(pc) =	sbr.abs _section_cstart, $3  }
0xc3: {  	[dreg:$0x1] =	wrdreg $0xFFFFFFFF  }
0xc4: {  	_ =	task.clear_ibuf [dreg:s8], $0x2FFFF;
	_ =	strace $0x9FFFFFFF  }
0xc5: {  	(tm) =	ssettm $0x7FFFFFFF  }
tec
execute0_lowered:
.L_overlay_start_1:
0x0: {  	(tag) =	ssettag $0x1  }
0x1: {  	s0 =	rddreg [dreg:$0x0]  }
0x2: {  	s5 =	rddreg [dreg:$0x1]  }
0x3: {  	s6 =	rddreg [dreg:$0x2]  }
0x4: {  	s1 =	srdreg.scid;
	s2 =	rddreg [dreg:$0x3]  }
0x5: {  	s16 =	stileid.u32;
	s3 =	simm.s32 $0x0;
	s14 =	simm.s32 $0x6780  }
0x6: {  	s15 =	simm.s32 $0x8F80;
	s19 =	simm.s32 $0x4;
	s21 =	simm.s32 $0x1  }
0x7: {  	s22 =	simm.s32 $0x2;
	s28 =	simm.s32 $0x0;
	s7 =	sand.u32 $0x1, s1  }
0x8: {  	[smem:$0x7FF] =	sst s3;
	s10 =	sshll.u32 s16, $0x7;
	s24 =	smul.u32 $0x4E000, s16  }
0x9: {  	s11 =	sadd.s32 $0x14200, s6;
	s13 =	smul.u32 $0x13800, s16;
	s20 =	sadd.s32 $0x138000, s2  }
0xa: {  	p0 =	sne.s32 s16, $0x0;
	s17 =	sshll.u32 s16, $0x6;
	s4 =	sshll.u32 s7, $0x4  }
0xb: {  	_ =	strace $0x80000047;
	s23 =	sand.u32 $0x380, s10;
	s12 =	ssub.s32 $0x2, s7  }
0xc: {  	s7 =	smul.u32 $0x138800, s7;
	s17 =	sor.u32 $0x1C04, s17;
	s20 =	sshrl.u32 @!p0 s20, $0x3  }
0xd: {  	s4 =	sor.u32 s16, s4;
	s25 =	sshrl.u32 s12, $0x1;
	s26 =	sshrl.u32 s24, $0x2  }
0xe: {  	s16 =	simm.s32 $0x2780;
	s24 =	simm.s32 $0x6500;
	s8 =	sshll.u32 s4, $0xB  }
0xf: {  	s9 =	sshrl.u32 s4, $0x3;
	s4 =	sadd.s32 $0x11A00, s6;
	s29 =	sadd.s32 s13, s7  }
0x10: {  	s7 =	sshrl.u32 s7, $0x3;
	s18 =	sadd.s32 s26, s2;
	s13 =	simm.s32 $0x50  }
0x11: {  	s26 =	simm.s32 $0x6580;
	s8 =	sadd.s32 s8, s6;
	s9 =	smul.u32 $0x13C00, s9  }
0x12: {  	s30 =	sshrl.u32 s29, $0x3;
	s31 =	sadd.s32 s11, s7;
	s18 =	sshrl.u32 s18, $0x3  }
0x13: {  	s7 =	sadd.s32 s11, s30;
	s11 =	simm.s32 $0x400;
	s6 =	sor.u32 s23, s9  }
0x14: {  	s9 =	ssub.s32 s12, s25;
	s12 =	simm.s32 $0x3;
	s23 =	simm.s32 $0x6480  }
0x15: {  	s25 =	simm.s32 $0x26C0;
	s6 =	sshrl.u32 s6, $0x3;
	s9 =	smax.u32 s9, $0x1  }
0x16: {  	s5 =	sadd.s32 s5, s6;
	s6 =	sadd.s32 $0x1A00, s8;
	s8 =	sadd.s32 $0x27000, s31  }
.LBB2_1:
0x17: {  	s1 =	simm.s32 $0x80  }
0x18: {  	[tilespmem:s3], [sflag:$0x3] =	stream.strided.gather [hbm4b:s5+s1], $0x2780, s11, s1, $0x38;
	[tilespmem:$0x1F000] =	vst v63  }
0x19: {  	_ =	swait.ge [sflag:s12], $0x2780  }
0x1a: {  	[sflag:s12] =	ssyncset.done $0x0  }
0x1b: {  	[sflag:s12] =	ssyncadd.s32 $0xFFFFD880  }
0x1c: {  	[tilespmem:s14], [sflag:$0x1] =	stream.indirect.gather [hbm4b:s0+s13], $0x80, s3, s13, $0xb8;
	[tilespmem:$0x1F000] =	vst v63  }
0x1d: {  	_ = 	snop  }
0x1e: {  	[tilespmem:s15], [sflag:$0x2] =	stream.indirect.gather [hbm4b:s0+s13], $0x80, s13, s13, $0xb8;
	[tilespmem:$0x1F000] =	vst v63  }
0x1f: {  	_ = 	snop  }
0x20: {  	[tilespmem:s16], [sflag:$0x3] =	stream.linear.gather [hbm4b:s6+s3], $0x3E80, $0x38;
	[tilespmem:$0x1F000] =	vst v63  }
0x21: {  	[spmem:s18], [sflag:s17] =	dma.local [hbm:s4], $0x2700  }
0x22: {  	_ =	swait.ge [sflag:s19], $0x2700  }
0x23: {  	[sflag:s19] =	ssyncset.done $0x0  }
0x24: {  	s29 =	simm.s32 @!p0 $0x4;
	[sflag:s19] =	ssyncadd.s32 $0xFFFFD900  }
0x25: {  	[spmem:s20], [sflag:s17] =	dma.local @!p0 [hbm:s4], $0x100  }
0x26: {  	_ =	swait.ge @!p0 [sflag:s29], $0x100  }
0x27: {  	[sflag:s29] =	ssyncset.done @!p0 $0x0  }
0x28: {  	[sflag:s29] =	ssyncadd.s32 @!p0 $0xFFFFFF00  }
0x29: {  	_ =	swait.ge [sflag:s12], $0x3E80  }
0x2a: {  	[sflag:s12] =	ssyncset.done $0x0  }
0x2b: {  	[sflag:s12] =	ssyncadd.s32 $0xFFFFC180  }
0x2c: {  	[bflag:$0x0] =	sbarrier.arrive $0xFFFF  }
0x2d: {  	_ =	swait.ge [sflag:s21], $0x2800  }
0x2e: {  	[sflag:s21] =	ssyncset.done $0x0  }
0x2f: {  	s29 =	simm.s32 $0x2780;
	[sflag:s21] =	ssyncadd.s32 $0xFFFFD800  }
0x30: {  	[spmem:s2] =	stream.indirect.scatter.add.f32 [tilespmem:s14], [sflag:$0x4], $0x80, s29, s13, $0xb8;
	[tilespmem:$0x1F000] =	vst v63  }
0x31: {  	_ =	swait.ge [sflag:s19], $0x2800  }
0x32: {  	[sflag:s19] =	ssyncset.done $0x0  }
0x33: {  	s29 =	simm.s32 $0xA0;
	[sflag:s19] =	ssyncadd.s32 $0xFFFFD800  }
0x34: {  	[tilespmem:s14], [sflag:$0x1] =	stream.indirect.gather [hbm4b:s0+s13], $0x80, s29, s13, $0xb8;
	[tilespmem:$0x1F000] =	vst v63  }
0x35: {  	_ =	swait.ge [sflag:s22], $0x2800  }
0x36: {  	[sflag:s22] =	ssyncset.done $0x0  }
0x37: {  	s29 =	simm.s32 $0x2800;
	[sflag:s22] =	ssyncadd.s32 $0xFFFFD800  }
0x38: {  	[spmem:s2] =	stream.indirect.scatter.add.f32 [tilespmem:s15], [sflag:$0x4], $0x80, s29, s13, $0xb8;
	[tilespmem:$0x1F000] =	vst v63  }
0x39: {  	_ =	swait.ge [sflag:s19], $0x2800  }
0x3a: {  	s30 =	simm.s32 $0x400;
	[sflag:s19] =	ssyncset.done $0x0  }
0x3b: {  	s31 =	simm.s32 $0x190;
	s29 =	simm.s32 $0xF0;
	[sflag:s19] =	ssyncadd.s32 $0xFFFFD800  }
.LBB2_2:
0x3c: {  	[tilespmem:s15], [sflag:$0x2] =	stream.indirect.gather [hbm4b:s0+s13], $0x80, s29, s13, $0xb8;
	[tilespmem:$0x1F000] =	vst v63  }
0x3d: {  	s1 =	smov.u32 s30;
	s29 =	smov.u32 s31  }
0x3e: {  	p1 =	sne.s32 s30, $0xF000;
	s30 =	sadd.s32 $0x400, s30;
	_ =	swait.ge [sflag:s21], $0x2800  }
0x3f: {  	s1 =	sshra.s32 s1, $0x2;
	[sflag:s21] =	ssyncset.done $0x0  }
0x40: {  	s10 =	sadd.s32 $0x2780, s1;
	[sflag:s21] =	ssyncadd.s32 $0xFFFFD800  }
0x41: {  	[spmem:s2] =	stream.indirect.scatter.add.f32 [tilespmem:s14], [sflag:$0x4], $0x80, s10, s13, $0xb8;
	[tilespmem:$0x1F000] =	vst v63  }
0x42: {  	_ =	swait.ge [sflag:s19], $0x2800  }
0x43: {  	[sflag:s19] =	ssyncset.done $0x0  }
0x44: {  	s10 =	sadd.s32 $0xFFFFFFB0, s31;
	[sflag:s19] =	ssyncadd.s32 $0xFFFFD800  }
0x45: {  	[tilespmem:s14], [sflag:$0x1] =	stream.indirect.gather [hbm4b:s0+s13], $0x80, s10, s13, $0xb8;
	[tilespmem:$0x1F000] =	vst v63  }
0x46: {  	_ =	swait.ge [sflag:s22], $0x2800  }
0x47: {  	[sflag:s22] =	ssyncset.done $0x0  }
.Ltmp0:
0x48: {  	s1 =	sadd.s32 $0x2800, s1;
	[sflag:s22] =	ssyncadd.s32 $0xFFFFD800;
	(pc) =	sbr.rel @p1 .LBB2_2-.Ltmp0, $4  }
0x49: {  	[spmem:s2] =	stream.indirect.scatter.add.f32 [tilespmem:s15], [sflag:$0x4], $0x80, s1, s13, $0xb8;
	[tilespmem:$0x1F000] =	vst v63  }
0x4a: {  	_ =	swait.ge [sflag:s19], $0x2800  }
0x4b: {  	[sflag:s19] =	ssyncset.done $0x0  }
0x4c: {  	s31 =	sadd.s32 $0xA0, s31;
	[sflag:s19] =	ssyncadd.s32 $0xFFFFD800  }
0x4d: {  	[tilespmem:s15], [sflag:$0x2] =	stream.indirect.gather [hbm4b:s0+s13], $0x80, s29, s13, $0xb8;
	[tilespmem:$0x1F000] =	vst v63  }
0x4e: {  	_ =	swait.ge [sflag:s21], $0x2800  }
0x4f: {  	[sflag:s21] =	ssyncset.done $0x0  }
0x50: {  	[sflag:s21] =	ssyncadd.s32 $0xFFFFD800  }
0x51: {  	[spmem:s2] =	stream.indirect.scatter.add.f32 [tilespmem:s14], [sflag:$0x4], $0x80, s23, s13, $0xb8;
	[tilespmem:$0x1F000] =	vst v63  }
0x52: {  	_ =	swait.ge [sflag:s19], $0x2800  }
0x53: {  	[sflag:s19] =	ssyncset.done $0x0  }
0x54: {  	[sflag:s19] =	ssyncadd.s32 $0xFFFFD800  }
0x55: {  	_ =	swait.ge [sflag:s22], $0x2800  }
0x56: {  	[sflag:s22] =	ssyncset.done $0x0  }
0x57: {  	[sflag:s22] =	ssyncadd.s32 $0xFFFFD800  }
0x58: {  	[spmem:s2] =	stream.indirect.scatter.add.f32 [tilespmem:s15], [sflag:$0x4], $0x80, s24, s13, $0xb8;
	[tilespmem:$0x1F000] =	vst v63  }
0x59: {  	_ =	swait.ge [sflag:s19], $0x2800  }
0x5a: {  	[sflag:s19] =	ssyncset.done $0x0  }
0x5b: {  	[sflag:s19] =	ssyncadd.s32 $0xFFFFD800  }
0x5c: {  	[tilespmem:s14], [sflag:$0x1] =	stream.indirect.gather [hbm4b:s0+s13], $0x80, s25, s13, $0xb8;
	[tilespmem:$0x1F000] =	vst v63  }
0x5d: {  	_ =	swait.ge [sflag:s21], $0x2800  }
0x5e: {  	[sflag:s21] =	ssyncset.done $0x0  }
0x5f: {  	[sflag:s21] =	ssyncadd.s32 $0xFFFFD800  }
0x60: {  	[spmem:s2] =	stream.indirect.scatter.add.f32 [tilespmem:s14], [sflag:$0x4], $0x80, s26, s13, $0xb8;
	[tilespmem:$0x1F000] =	vst v63  }
0x61: {  	_ =	swait.ge [sflag:s19], $0x2800  }
0x62: {  	[sflag:s19] =	ssyncset.done $0x0  }
0x63: {  	[sflag:s19] =	ssyncadd.s32 $0xFFFFD800  }
0x64: {  	[bflag:$0x0] =	sbarrier.arrive $0xFFFF  }
0x65: {  	[hbm:s7], [sflag:s17] =	dma.local [spmem:s18], $0x2700  }
0x66: {  	s28 =	sadd.s32 $0x1, s28;
	_ =	swait.ge [sflag:s19], $0x2700  }
0x67: {  	p1 =	sne.s32 s28, s9;
	[sflag:s19] =	ssyncset.done $0x0  }
.Ltmp1:
0x68: {  	s1 =	simm.s32 @!p0 $0x4;
	[sflag:s19] =	ssyncadd.s32 $0xFFFFD900;
	(pc) =	sbr.rel @p1 .LBB2_1-.Ltmp1, $4  }
0x69: {  	[hbm:s8], [sflag:s17] =	dma.local @!p0 [spmem:s20], $0x100  }
0x6a: {  	_ =	swait.ge @!p0 [sflag:s1], $0x100  }
0x6b: {  	[sflag:s1] =	ssyncset.done @!p0 $0x0  }
0x6c: {  	[sflag:s1] =	ssyncadd.s32 @!p0 $0xFFFFFF00  }
0x6d: {  	_ =	sfence.sel $0x180000  }
0x6e: {  	[bflag:$0x0] =	sbarrier.arrive $0xFFFF  }
0x6f: {  	_ =	strace $0x90000047  }
0x70: {  	[bflag:$0x2] =	sbarrier.arrive $0xFFFF  }
0x71: {  	s0 =	rddreg [dreg:$0x4]  }
0x72: {  	s0 =	sadd.s32 @!p0 $0x100000, s0  }
0x73: {  	[sflag:s0] =	ssyncadd.tile.s32 @!p0 $0x1;
	_ =	shalt  }
.Lfunc_end2:
_tile_overlayer_lowered:
.L_overlay_start_2:
0x74: {  	(tag) =	ssettag $0x2  }
0x75: {  	s0 =	rddreg [dreg:$0x0];
	s2 =	stileid.u32  }
0x76: {  	s1 =	rddreg [dreg:$0x1];
	p0 =	sne.s32 s2, $0x0  }
0x77: {  	s3 =	rddreg [dreg:$0x2];
	[bflag:$0x3] =	sbarrier.arrive $0xFFFF;
	s2 =	simm.s32 @!p0 $0x1C04  }
0x78: {  	[timem:s3], [sflag:s2] =	dma.local @!p0 [hbm:s0], s1  }
0x79: {  	s0 =	simm.s32 @!p0 $0x4  }
0x7a: {  	_ =	swait.ge @!p0 [sflag:s0], s1  }
0x7b: {  	s1 =	ssub.s32 @!p0 $0x0, s1;
	[sflag:s0] =	ssyncset.done @!p0 $0x0  }
0x7c: {  	[sflag:s0] =	ssyncadd.s32 @!p0 s1  }
0x7d: {  	[bflag:$0x3] =	sbarrier.arrive $0xFFFF  }
0x7e: {  	_ =	shalt  }

</sc_bundles>
